<compile_context>
chip_gen: v7x
topology: tpu7x:2x2x1
jax: 0.10.2.dev20260603
libtpu: 0.0.44.dev20260713+nightly
codegen_flags: <defaults>
</compile_context>

<pallas_src>
import functools

import jax
import jax.numpy as jnp
from jax import lax
from jax.experimental import pallas as pl
from jax.experimental.pallas import tpu as pltpu
from jax.experimental.pallas import tpu_sc as plsc

NC = 2
NS = 16
L = 16
NW = NC * NS
R = 4
N = 2048 * 2048
SPR = NW // R
SHARD = N // SPR
W = 2048
CHR = 8
CH = CHR * W
NCH = SHARD // CH
NB = 1024
SHIFT = 21


def _sc_hist(xf, yf):
    mesh = plsc.VectorSubcoreMesh(core_axis_name="c", subcore_axis_name="s")

    @functools.partial(
        pl.kernel,
        out_type=[
            jax.ShapeDtypeStruct((NW * NB,), jnp.float32),
            jax.ShapeDtypeStruct((NW * NB,), jnp.float32),
        ],
        mesh=mesh,
        compiler_params=pltpu.CompilerParams(needs_layout_passes=False),
        scratch_types=[
            pltpu.VMEM((2, CHR, W), jnp.float32),
            pltpu.VMEM((2, CHR, W), jnp.float32),
            pltpu.VMEM((L * NB,), jnp.float32),
            pltpu.VMEM((L * NB,), jnp.float32),
            pltpu.VMEM((NB,), jnp.float32),
            pltpu.VMEM((NB,), jnp.float32),
            pltpu.SemaphoreType.DMA,
            pltpu.SemaphoreType.DMA,
        ],
    )
    def sc_kernel(x_hbm, y_hbm, cnt_hbm, sum_hbm, xbuf, ybuf, hc, hs, rc, rs,
                  sem0, sem1):
        cid = lax.axis_index("c")
        sid = lax.axis_index("s")
        wid = sid * NC + cid
        base = wid * (SHARD // W)
        sems = (sem0, sem1)

        zeros16 = jnp.zeros((L,), jnp.float32)

        def zbody(i, _):
            for u in range(8):
                o = (i * 8 + u) * L
                hc[pl.ds(o, L)] = zeros16
                hs[pl.ds(o, L)] = zeros16
            return 0

        lax.fori_loop(0, (L * NB) // (8 * L), zbody, 0, unroll=False)

        def x_copy(slot, ci):
            off = base + ci * CHR
            return pltpu.make_async_copy(
                x_hbm.at[pl.ds(off, CHR), :], xbuf.at[slot], sems[slot])

        def y_copy(slot, ci):
            off = base + ci * CHR
            return pltpu.make_async_copy(
                y_hbm.at[pl.ds(off, CHR), :], ybuf.at[slot], sems[slot])

        lane = lax.iota(jnp.int32, L)
        ones16 = jnp.ones((L,), jnp.float32)
        U = 8

        def compute(slot):
            def vbody(j, _):
                ds, idxs = [], []
                for rr in range(2):
                    for u in range(U):
                        o = u * L
                        xv = xbuf[slot, j * 2 + rr, pl.ds(o, L)]
                        yv = ybuf[slot, j * 2 + rr, pl.ds(o, L)]
                        d = xv - yv
                        d = d * d
                        bits = lax.bitcast_convert_type(d, jnp.int32)
                        idx = ((bits >> (SHIFT - 4)) & ((NB - 1) * L)) | lane
                        ds.append(d)
                        idxs.append(idx)
                for q in range(2 * U):
                    plsc.addupdate_scatter(hc, [idxs[q]], ones16)
                    plsc.addupdate_scatter(hs, [idxs[q]], ds[q])
                return 0

            lax.fori_loop(0, CHR // 2, vbody, 0, unroll=False)

        x_copy(0, 0).start()
        y_copy(0, 0).start()

        def pair_body(it, _):
            ci0 = it * 2
            ci1 = ci0 + 1
            x_copy(1, ci1).start()
            y_copy(1, ci1).start()
            x_copy(0, ci0).wait()
            y_copy(0, ci0).wait()
            compute(0)

            @pl.when(it + 1 < NCH // 2)
            def _():
                x_copy(0, ci0 + 2).start()
                y_copy(0, ci0 + 2).start()

            x_copy(1, ci1).wait()
            y_copy(1, ci1).wait()
            compute(1)
            return 0

        lax.fori_loop(0, NCH // 2, pair_body, 0, unroll=False)

        last_lane = lane == (L - 1)

        @plsc.parallel_loop(0, NB // 8, 1, unroll=2)
        def rbody(i):
            for u in range(8):
                b = i * 8 + u
                tgt = jnp.full((L,), 0, jnp.int32) + b
                plsc.store_scatter(rc, [tgt], plsc.cumsum(hc[pl.ds(b * L, L)]),
                                   mask=last_lane)
                plsc.store_scatter(rs, [tgt], plsc.cumsum(hs[pl.ds(b * L, L)]),
                                   mask=last_lane)

        pltpu.sync_copy(rc, cnt_hbm.at[pl.ds(wid * NB, NB)])
        pltpu.sync_copy(rs, sum_hbm.at[pl.ds(wid * NB, NB)])

    return sc_kernel(xf, yf)


def _tc_body(cnt_ref, sum_ref, out_ref, *, k):
    c = cnt_ref[...]
    s = sum_ref[...]
    cr = jnp.sum(c, axis=1)
    sr = jnp.sum(s, axis=1)

    ii = lax.broadcasted_iota(jnp.int32, (128, 128), 0)
    jj = lax.broadcasted_iota(jnp.int32, (128, 128), 1)
    M128 = (ii >= jj).astype(jnp.float32)
    NG = NB // 128
    Wm = lax.dot_general(cr.reshape(R * NG, 128), M128,
                         (((1,), (0,)), ((), ())),
                         precision=lax.Precision.HIGHEST,
                         preferred_element_type=jnp.float32).reshape(R, NG, 128)
    g = jnp.sum(cr.reshape(R, NG, 128), axis=2)
    i2 = lax.broadcasted_iota(jnp.int32, (NG, NG), 0)
    j2 = lax.broadcasted_iota(jnp.int32, (NG, NG), 1)
    M2 = (i2 >= j2).astype(jnp.float32)
    G = lax.dot_general(g, M2, (((1,), (0,)), ((), ())),
                        precision=lax.Precision.HIGHEST,
                        preferred_element_type=jnp.float32)
    F = (Wm + (G - g).reshape(R, NG, 1)).reshape(R, NB)

    kf = float(k)
    bidx = lax.broadcasted_iota(jnp.int32, (R, NB), 1)
    bstar = jnp.max(jnp.where(F >= kf, bidx, -1), axis=1, keepdims=True)
    sel = bidx == bstar
    c_b = jnp.sum(jnp.where(sel, cr, 0.0), axis=1, keepdims=True)
    s_b = jnp.sum(jnp.where(sel, sr, 0.0), axis=1, keepdims=True)
    F_b = jnp.sum(jnp.where(sel, F, 0.0), axis=1, keepdims=True)
    sum_above = jnp.sum(jnp.where(bidx > bstar, sr, 0.0), axis=1, keepdims=True)

    count_above = F_b - c_b
    p = kf - count_above
    m = s_b / c_b
    lo = lax.bitcast_convert_type(bstar << SHIFT, jnp.float32)
    hi = lax.bitcast_convert_type((bstar + 1) << SHIFT, jnp.float32)
    h = jnp.maximum(jnp.minimum(m - lo, hi - m), 0.0)
    S_part = p * (m + h * (1.0 - p / c_b))

    total = jnp.sum(sum_above + S_part, axis=(0, 1), keepdims=True).reshape(1, 1)
    out_ref[...] = total / (R * kf)


def kernel(x, y):
    k = int(0.05 * N)
    xf = x.reshape(R * (N // W), W)
    yf = y.reshape(R * (N // W), W)
    cnt, sm = _sc_hist(xf, yf)
    cnt = cnt.reshape(R, SPR, NB)
    sm = sm.reshape(R, SPR, NB)
    out = pl.pallas_call(
        functools.partial(_tc_body, k=k),
        out_shape=jax.ShapeDtypeStruct((1, 1), jnp.float32),
    )(cnt, sm)
    return out.reshape(())

# --- scband reference (transcript-rebuilt; emitter-appended) ---
"""Pipeline reference for scband-average-distance-loss-47519518163173 (READ-ONLY COPY).

The authoritative reference and input builder live on the scoring server;
editing this copy changes nothing except your own understanding.
"""

import jax, jax.numpy as jnp
import numpy as np

def setup_inputs(seed: int = 0) -> dict:
    key = jax.random.key(seed)
    k1, k2 = jax.random.split(key, 2)
    x = jax.random.normal(k1, (4, 2048, 2048), dtype=jnp.float32)
    y = jax.random.normal(k2, (4, 2048, 2048), dtype=jnp.float32)
    return {"x": x, "y": y}

def reference(x, y):
    # flatten from dim 1
    xf = x.reshape(x.shape[0], -1)
    yf = y.reshape(y.shape[0], -1)
    # MSELoss(reduction='none') -> elementwise squared error
    diff = (xf - yf) ** 2
    k = int(0.05 * diff.shape[-1])
    values, _ = jax.lax.top_k(diff, k)
    return values.mean()

if __name__ == "__main__":
    import jax
    _d = setup_inputs()
    print(jax.jit(kernel)(*tuple(_d.values())))

</pallas_src>

<mosaic_0001>
#map = affine_map<(d0, d1) -> (0, 0)>
#map1 = affine_map<(d0, d1) -> (0)>
module attributes {stable_mosaic.version = 14 : i64} {
  func.func @sc_kernel(%arg0: i32, %arg1: i32, %arg2: memref<8192x2048xf32, #tpu.memory_space<hbm>>, %arg3: memref<8192x2048xf32, #tpu.memory_space<hbm>>, %arg4: memref<32768xf32, #tpu.memory_space<hbm>>, %arg5: memref<32768xf32, #tpu.memory_space<hbm>>, %arg6: memref<2x8x2048xf32, #tpu.memory_space<vmem>>, %arg7: memref<2x8x2048xf32, #tpu.memory_space<vmem>>, %arg8: memref<16384xf32, #tpu.memory_space<vmem>>, %arg9: memref<16384xf32, #tpu.memory_space<vmem>>, %arg10: memref<1024xf32, #tpu.memory_space<vmem>>, %arg11: memref<1024xf32, #tpu.memory_space<vmem>>, %arg12: memref<!tpu.dma_semaphore, #tpu.memory_space<semaphore_mem>>, %arg13: memref<!tpu.dma_semaphore, #tpu.memory_space<semaphore_mem>>) attributes {dimension_semantics = [#tpu.dimension_semantics<core_parallel>, #tpu.dimension_semantics<subcore_parallel>], iteration_bounds = array<i64: 2, 16>, scalar_prefetch = 0 : i64, scratch_operands = 8 : i64, tpu.core_type = #tpu.core_type<sc_vector_subcore>, window_params = [{transform_indices = #map}, {transform_indices = #map}, {transform_indices = #map1}, {transform_indices = #map1}]} {
    %mul3A = arith.constant 2 : i32
    %mul3A_0 = arith.muli %arg1, %mul3A : i32
    %add3A = arith.addi %mul3A_0, %arg0 : i32
    %mul3A_1 = arith.constant 256 : i32
    %mul3A_2 = arith.muli %add3A, %mul3A_1 : i32
    %broadcast_in_dim3A = arith.constant 0.000000e+00 : f32
    %broadcast_in_dim3A_3 = vector.broadcast %broadcast_in_dim3A : f32 to vector<16xf32>
    %scan3A = arith.constant 0 : i32
    %scan3A_4 = arith.constant 0 : i32
    %scan3A_5 = arith.constant 128 : i32
    %scan3A_6 = arith.addi %scan3A_4, %scan3A_5 : i32
    %scan3A_7 = arith.constant 1 : i32
    %scan3A_8 = scf.for %scan3A_56 = %scan3A_4 to %scan3A_6 step %scan3A_7 iter_args(%scan3A_57 = %scan3A) -> (i32)  : i32 {
      %mul3A_58 = arith.constant 8 : i32
      %mul3A_59 = arith.muli %scan3A_56, %mul3A_58 : i32
      %add3A_60 = arith.constant 0 : i32
      %add3A_61 = arith.addi %mul3A_59, %add3A_60 : i32
      %mul3A_62 = arith.constant 16 : i32
      %mul3A_63 = arith.muli %add3A_61, %mul3A_62 : i32
      %swap3A = arith.index_cast %mul3A_63 : i32 to index
      %swap3A_64 = tpu.vector_load %arg8[%swap3A] {strides = array<i32>} : memref<16384xf32, #tpu.memory_space<vmem>>, vector<16xf32>,
      tpu.vector_store %arg8[%swap3A], %broadcast_in_dim3A_3 {strides = array<i32>} : memref<16384xf32, #tpu.memory_space<vmem>>, vector<16xf32>,
      %swap3A_65 = arith.index_cast %mul3A_63 : i32 to index
      %swap3A_66 = tpu.vector_load %arg9[%swap3A_65] {strides = array<i32>} : memref<16384xf32, #tpu.memory_space<vmem>>, vector<16xf32>,
      tpu.vector_store %arg9[%swap3A_65], %broadcast_in_dim3A_3 {strides = array<i32>} : memref<16384xf32, #tpu.memory_space<vmem>>, vector<16xf32>,
      %mul3A_67 = arith.constant 8 : i32
      %mul3A_68 = arith.muli %scan3A_56, %mul3A_67 : i32
      %add3A_69 = arith.constant 1 : i32
      %add3A_70 = arith.addi %mul3A_68, %add3A_69 : i32
      %mul3A_71 = arith.constant 16 : i32
      %mul3A_72 = arith.muli %add3A_70, %mul3A_71 : i32
      %swap3A_73 = arith.index_cast %mul3A_72 : i32 to index
      %swap3A_74 = tpu.vector_load %arg8[%swap3A_73] {strides = array<i32>} : memref<16384xf32, #tpu.memory_space<vmem>>, vector<16xf32>,
      tpu.vector_store %arg8[%swap3A_73], %broadcast_in_dim3A_3 {strides = array<i32>} : memref<16384xf32, #tpu.memory_space<vmem>>, vector<16xf32>,
      %swap3A_75 = arith.index_cast %mul3A_72 : i32 to index
      %swap3A_76 = tpu.vector_load %arg9[%swap3A_75] {strides = array<i32>} : memref<16384xf32, #tpu.memory_space<vmem>>, vector<16xf32>,
      tpu.vector_store %arg9[%swap3A_75], %broadcast_in_dim3A_3 {strides = array<i32>} : memref<16384xf32, #tpu.memory_space<vmem>>, vector<16xf32>,
      %mul3A_77 = arith.constant 8 : i32
      %mul3A_78 = arith.muli %scan3A_56, %mul3A_77 : i32
      %add3A_79 = arith.constant 2 : i32
      %add3A_80 = arith.addi %mul3A_78, %add3A_79 : i32
      %mul3A_81 = arith.constant 16 : i32
      %mul3A_82 = arith.muli %add3A_80, %mul3A_81 : i32
      %swap3A_83 = arith.index_cast %mul3A_82 : i32 to index
      %swap3A_84 = tpu.vector_load %arg8[%swap3A_83] {strides = array<i32>} : memref<16384xf32, #tpu.memory_space<vmem>>, vector<16xf32>,
      tpu.vector_store %arg8[%swap3A_83], %broadcast_in_dim3A_3 {strides = array<i32>} : memref<16384xf32, #tpu.memory_space<vmem>>, vector<16xf32>,
      %swap3A_85 = arith.index_cast %mul3A_82 : i32 to index
      %swap3A_86 = tpu.vector_load %arg9[%swap3A_85] {strides = array<i32>} : memref<16384xf32, #tpu.memory_space<vmem>>, vector<16xf32>,
      tpu.vector_store %arg9[%swap3A_85], %broadcast_in_dim3A_3 {strides = array<i32>} : memref<16384xf32, #tpu.memory_space<vmem>>, vector<16xf32>,
      %mul3A_87 = arith.constant 8 : i32
      %mul3A_88 = arith.muli %scan3A_56, %mul3A_87 : i32
      %add3A_89 = arith.constant 3 : i32
      %add3A_90 = arith.addi %mul3A_88, %add3A_89 : i32
      %mul3A_91 = arith.constant 16 : i32
      %mul3A_92 = arith.muli %add3A_90, %mul3A_91 : i32
      %swap3A_93 = arith.index_cast %mul3A_92 : i32 to index
      %swap3A_94 = tpu.vector_load %arg8[%swap3A_93] {strides = array<i32>} : memref<16384xf32, #tpu.memory_space<vmem>>, vector<16xf32>,
      tpu.vector_store %arg8[%swap3A_93], %broadcast_in_dim3A_3 {strides = array<i32>} : memref<16384xf32, #tpu.memory_space<vmem>>, vector<16xf32>,
      %swap3A_95 = arith.index_cast %mul3A_92 : i32 to index
      %swap3A_96 = tpu.vector_load %arg9[%swap3A_95] {strides = array<i32>} : memref<16384xf32, #tpu.memory_space<vmem>>, vector<16xf32>,
      tpu.vector_store %arg9[%swap3A_95], %broadcast_in_dim3A_3 {strides = array<i32>} : memref<16384xf32, #tpu.memory_space<vmem>>, vector<16xf32>,
      %mul3A_97 = arith.constant 8 : i32
      %mul3A_98 = arith.muli %scan3A_56, %mul3A_97 : i32
      %add3A_99 = arith.constant 4 : i32
      %add3A_100 = arith.addi %mul3A_98, %add3A_99 : i32
      %mul3A_101 = arith.constant 16 : i32
      %mul3A_102 = arith.muli %add3A_100, %mul3A_101 : i32
      %swap3A_103 = arith.index_cast %mul3A_102 : i32 to index
      %swap3A_104 = tpu.vector_load %arg8[%swap3A_103] {strides = array<i32>} : memref<16384xf32, #tpu.memory_space<vmem>>, vector<16xf32>,
      tpu.vector_store %arg8[%swap3A_103], %broadcast_in_dim3A_3 {strides = array<i32>} : memref<16384xf32, #tpu.memory_space<vmem>>, vector<16xf32>,
      %swap3A_105 = arith.index_cast %mul3A_102 : i32 to index
      %swap3A_106 = tpu.vector_load %arg9[%swap3A_105] {strides = array<i32>} : memref<16384xf32, #tpu.memory_space<vmem>>, vector<16xf32>,
      tpu.vector_store %arg9[%swap3A_105], %broadcast_in_dim3A_3 {strides = array<i32>} : memref<16384xf32, #tpu.memory_space<vmem>>, vector<16xf32>,
      %mul3A_107 = arith.constant 8 : i32
      %mul3A_108 = arith.muli %scan3A_56, %mul3A_107 : i32
      %add3A_109 = arith.constant 5 : i32
      %add3A_110 = arith.addi %mul3A_108, %add3A_109 : i32
      %mul3A_111 = arith.constant 16 : i32
      %mul3A_112 = arith.muli %add3A_110, %mul3A_111 : i32
      %swap3A_113 = arith.index_cast %mul3A_112 : i32 to index
      %swap3A_114 = tpu.vector_load %arg8[%swap3A_113] {strides = array<i32>} : memref<16384xf32, #tpu.memory_space<vmem>>, vector<16xf32>,
      tpu.vector_store %arg8[%swap3A_113], %broadcast_in_dim3A_3 {strides = array<i32>} : memref<16384xf32, #tpu.memory_space<vmem>>, vector<16xf32>,
      %swap3A_115 = arith.index_cast %mul3A_112 : i32 to index
      %swap3A_116 = tpu.vector_load %arg9[%swap3A_115] {strides = array<i32>} : memref<16384xf32, #tpu.memory_space<vmem>>, vector<16xf32>,
      tpu.vector_store %arg9[%swap3A_115], %broadcast_in_dim3A_3 {strides = array<i32>} : memref<16384xf32, #tpu.memory_space<vmem>>, vector<16xf32>,
      %mul3A_117 = arith.constant 8 : i32
      %mul3A_118 = arith.muli %scan3A_56, %mul3A_117 : i32
      %add3A_119 = arith.constant 6 : i32
      %add3A_120 = arith.addi %mul3A_118, %add3A_119 : i32
      %mul3A_121 = arith.constant 16 : i32
      %mul3A_122 = arith.muli %add3A_120, %mul3A_121 : i32
      %swap3A_123 = arith.index_cast %mul3A_122 : i32 to index
      %swap3A_124 = tpu.vector_load %arg8[%swap3A_123] {strides = array<i32>} : memref<16384xf32, #tpu.memory_space<vmem>>, vector<16xf32>,
      tpu.vector_store %arg8[%swap3A_123], %broadcast_in_dim3A_3 {strides = array<i32>} : memref<16384xf32, #tpu.memory_space<vmem>>, vector<16xf32>,
      %swap3A_125 = arith.index_cast %mul3A_122 : i32 to index
      %swap3A_126 = tpu.vector_load %arg9[%swap3A_125] {strides = array<i32>} : memref<16384xf32, #tpu.memory_space<vmem>>, vector<16xf32>,
      tpu.vector_store %arg9[%swap3A_125], %broadcast_in_dim3A_3 {strides = array<i32>} : memref<16384xf32, #tpu.memory_space<vmem>>, vector<16xf32>,
      %mul3A_127 = arith.constant 8 : i32
      %mul3A_128 = arith.muli %scan3A_56, %mul3A_127 : i32
      %add3A_129 = arith.constant 7 : i32
      %add3A_130 = arith.addi %mul3A_128, %add3A_129 : i32
      %mul3A_131 = arith.constant 16 : i32
      %mul3A_132 = arith.muli %add3A_130, %mul3A_131 : i32
      %swap3A_133 = arith.index_cast %mul3A_132 : i32 to index
      %swap3A_134 = tpu.vector_load %arg8[%swap3A_133] {strides = array<i32>} : memref<16384xf32, #tpu.memory_space<vmem>>, vector<16xf32>,
      tpu.vector_store %arg8[%swap3A_133], %broadcast_in_dim3A_3 {strides = array<i32>} : memref<16384xf32, #tpu.memory_space<vmem>>, vector<16xf32>,
      %swap3A_135 = arith.index_cast %mul3A_132 : i32 to index
      %swap3A_136 = tpu.vector_load %arg9[%swap3A_135] {strides = array<i32>} : memref<16384xf32, #tpu.memory_space<vmem>>, vector<16xf32>,
      tpu.vector_store %arg9[%swap3A_135], %broadcast_in_dim3A_3 {strides = array<i32>} : memref<16384xf32, #tpu.memory_space<vmem>>, vector<16xf32>,
      %scan3A_137 = arith.constant 0 : i32
      scf.yield %scan3A_137 : i32
    }
    %scan3A_9 = arith.constant 128 : i32
    %iota3A = tpu.iota {dimensions = array<i32: 0>} : vector<16xi32>
    %broadcast_in_dim3A_10 = arith.constant 1.000000e+00 : f32
    %broadcast_in_dim3A_11 = vector.broadcast %broadcast_in_dim3A_10 : f32 to vector<16xf32>
    %add3A_12 = arith.constant 0 : i32
    %add3A_13 = arith.addi %mul3A_2, %add3A_12 : i32
    %dma_start3A = arith.constant 0 : i32
    %dma_start3A_14 = arith.constant 0 : i32
    %dma_start3A_15 = arith.constant 0 : i32
    %dma_start3A_16 = tpu.memref_slice %arg6[%dma_start3A, %dma_start3A_14, %dma_start3A_15] : memref<2x8x2048xf32, #tpu.memory_space<vmem>> -> memref<1x8x2048xf32, #tpu.memory_space<vmem>>
    %dma_start3A_17 = tpu.memref_squeeze %dma_start3A_16 : memref<1x8x2048xf32, #tpu.memory_space<vmem>> -> memref<8x2048xf32, #tpu.memory_space<vmem>>
    %dma_start3A_18 = arith.constant 0 : i32
    %dma_start3A_19 = tpu.memref_slice %arg2[%add3A_13, %dma_start3A_18] : memref<8192x2048xf32, #tpu.memory_space<hbm>> -> memref<8x2048xf32, #tpu.memory_space<hbm>>
    %dma_start3A_20 = arith.constant 0 : i32
    %dma_start3A_21 = arith.constant 0 : i32
    %dma_start3A_22 = tpu.memref_slice %arg6[%dma_start3A, %dma_start3A_20, %dma_start3A_21] : memref<2x8x2048xf32, #tpu.memory_space<vmem>> -> memref<1x8x2048xf32, #tpu.memory_space<vmem>>
    %dma_start3A_23 = tpu.memref_squeeze %dma_start3A_22 : memref<1x8x2048xf32, #tpu.memory_space<vmem>> -> memref<8x2048xf32, #tpu.memory_space<vmem>>
    %dma_start3A_24 = arith.constant 0 : i32
    %dma_start3A_25 = tpu.memref_slice %arg2[%add3A_13, %dma_start3A_24] : memref<8192x2048xf32, #tpu.memory_space<hbm>> -> memref<8x2048xf32, #tpu.memory_space<hbm>>
    tpu.enqueue_dma source(%dma_start3A_25 : memref<8x2048xf32, #tpu.memory_space<hbm>>) target(%dma_start3A_23 : memref<8x2048xf32, #tpu.memory_space<vmem>>) target_semaphore(%arg12 : memref<!tpu.dma_semaphore, #tpu.memory_space<semaphore_mem>>)
    %add3A_26 = arith.constant 0 : i32
    %add3A_27 = arith.addi %mul3A_2, %add3A_26 : i32
    %dma_start3A_28 = arith.constant 0 : i32
    %dma_start3A_29 = arith.constant 0 : i32
    %dma_start3A_30 = arith.constant 0 : i32
    %dma_start3A_31 = tpu.memref_slice %arg7[%dma_start3A_28, %dma_start3A_29, %dma_start3A_30] : memref<2x8x2048xf32, #tpu.memory_space<vmem>> -> memref<1x8x2048xf32, #tpu.memory_space<vmem>>
    %dma_start3A_32 = tpu.memref_squeeze %dma_start3A_31 : memref<1x8x2048xf32, #tpu.memory_space<vmem>> -> memref<8x2048xf32, #tpu.memory_space<vmem>>
    %dma_start3A_33 = arith.constant 0 : i32
    %dma_start3A_34 = tpu.memref_slice %arg3[%add3A_27, %dma_start3A_33] : memref<8192x2048xf32, #tpu.memory_space<hbm>> -> memref<8x2048xf32, #tpu.memory_space<hbm>>
    %dma_start3A_35 = arith.constant 0 : i32
    %dma_start3A_36 = arith.constant 0 : i32
    %dma_start3A_37 = tpu.memref_slice %arg7[%dma_start3A_28, %dma_start3A_35, %dma_start3A_36] : memref<2x8x2048xf32, #tpu.memory_space<vmem>> -> memref<1x8x2048xf32, #tpu.memory_space<vmem>>
    %dma_start3A_38 = tpu.memref_squeeze %dma_start3A_37 : memref<1x8x2048xf32, #tpu.memory_space<vmem>> -> memref<8x2048xf32, #tpu.memory_space<vmem>>
    %dma_start3A_39 = arith.constant 0 : i32
    %dma_start3A_40 = tpu.memref_slice %arg3[%add3A_27, %dma_start3A_39] : memref<8192x2048xf32, #tpu.memory_space<hbm>> -> memref<8x2048xf32, #tpu.memory_space<hbm>>
    tpu.enqueue_dma source(%dma_start3A_40 : memref<8x2048xf32, #tpu.memory_space<hbm>>) target(%dma_start3A_38 : memref<8x2048xf32, #tpu.memory_space<vmem>>) target_semaphore(%arg12 : memref<!tpu.dma_semaphore, #tpu.memory_space<semaphore_mem>>)
    %scan3A_41 = arith.constant 0 : i32
    %scan3A_42 = arith.constant 0 : i32
    %scan3A_43 = arith.constant 16 : i32
    %scan3A_44 = arith.addi %scan3A_42, %scan3A_43 : i32
    %scan3A_45 = arith.constant 1 : i32
    %scan3A_46 = scf.for %scan3A_56 = %scan3A_42 to %scan3A_44 step %scan3A_45 iter_args(%scan3A_57 = %scan3A_41) -> (i32)  : i32 {
      %mul3A_58 = arith.constant 2 : i32
      %mul3A_59 = arith.muli %scan3A_56, %mul3A_58 : i32
      %add3A_60 = arith.constant 1 : i32
      %add3A_61 = arith.addi %mul3A_59, %add3A_60 : i32
      %mul3A_62 = arith.constant 8 : i32
      %mul3A_63 = arith.muli %add3A_61, %mul3A_62 : i32
      %add3A_64 = arith.addi %mul3A_2, %mul3A_63 : i32
      %dma_start3A_65 = arith.constant 1 : i32
      %dma_start3A_66 = arith.constant 0 : i32
      %dma_start3A_67 = arith.constant 0 : i32
      %dma_start3A_68 = tpu.memref_slice %arg6[%dma_start3A_65, %dma_start3A_66, %dma_start3A_67] : memref<2x8x2048xf32, #tpu.memory_space<vmem>> -> memref<1x8x2048xf32, #tpu.memory_space<vmem>>
      %dma_start3A_69 = tpu.memref_squeeze %dma_start3A_68 : memref<1x8x2048xf32, #tpu.memory_space<vmem>> -> memref<8x2048xf32, #tpu.memory_space<vmem>>
      %dma_start3A_70 = arith.constant 0 : i32
      %dma_start3A_71 = tpu.memref_slice %arg2[%add3A_64, %dma_start3A_70] : memref<8192x2048xf32, #tpu.memory_space<hbm>> -> memref<8x2048xf32, #tpu.memory_space<hbm>>
      %dma_start3A_72 = arith.constant 0 : i32
      %dma_start3A_73 = arith.constant 0 : i32
      %dma_start3A_74 = tpu.memref_slice %arg6[%dma_start3A_65, %dma_start3A_72, %dma_start3A_73] : memref<2x8x2048xf32, #tpu.memory_space<vmem>> -> memref<1x8x2048xf32, #tpu.memory_space<vmem>>
      %dma_start3A_75 = tpu.memref_squeeze %dma_start3A_74 : memref<1x8x2048xf32, #tpu.memory_space<vmem>> -> memref<8x2048xf32, #tpu.memory_space<vmem>>
      %dma_start3A_76 = arith.constant 0 : i32
      %dma_start3A_77 = tpu.memref_slice %arg2[%add3A_64, %dma_start3A_76] : memref<8192x2048xf32, #tpu.memory_space<hbm>> -> memref<8x2048xf32, #tpu.memory_space<hbm>>
      tpu.enqueue_dma source(%dma_start3A_77 : memref<8x2048xf32, #tpu.memory_space<hbm>>) target(%dma_start3A_75 : memref<8x2048xf32, #tpu.memory_space<vmem>>) target_semaphore(%arg13 : memref<!tpu.dma_semaphore, #tpu.memory_space<semaphore_mem>>)
      %mul3A_78 = arith.constant 8 : i32
      %mul3A_79 = arith.muli %add3A_61, %mul3A_78 : i32
      %add3A_80 = arith.addi %mul3A_2, %mul3A_79 : i32
      %dma_start3A_81 = arith.constant 1 : i32
      %dma_start3A_82 = arith.constant 0 : i32
      %dma_start3A_83 = arith.constant 0 : i32
      %dma_start3A_84 = tpu.memref_slice %arg7[%dma_start3A_81, %dma_start3A_82, %dma_start3A_83] : memref<2x8x2048xf32, #tpu.memory_space<vmem>> -> memref<1x8x2048xf32, #tpu.memory_space<vmem>>
      %dma_start3A_85 = tpu.memref_squeeze %dma_start3A_84 : memref<1x8x2048xf32, #tpu.memory_space<vmem>> -> memref<8x2048xf32, #tpu.memory_space<vmem>>
      %dma_start3A_86 = arith.constant 0 : i32
      %dma_start3A_87 = tpu.memref_slice %arg3[%add3A_80, %dma_start3A_86] : memref<8192x2048xf32, #tpu.memory_space<hbm>> -> memref<8x2048xf32, #tpu.memory_space<hbm>>
      %dma_start3A_88 = arith.constant 0 : i32
      %dma_start3A_89 = arith.constant 0 : i32
      %dma_start3A_90 = tpu.memref_slice %arg7[%dma_start3A_81, %dma_start3A_88, %dma_start3A_89] : memref<2x8x2048xf32, #tpu.memory_space<vmem>> -> memref<1x8x2048xf32, #tpu.memory_space<vmem>>
      %dma_start3A_91 = tpu.memref_squeeze %dma_start3A_90 : memref<1x8x2048xf32, #tpu.memory_space<vmem>> -> memref<8x2048xf32, #tpu.memory_space<vmem>>
      %dma_start3A_92 = arith.constant 0 : i32
      %dma_start3A_93 = tpu.memref_slice %arg3[%add3A_80, %dma_start3A_92] : memref<8192x2048xf32, #tpu.memory_space<hbm>> -> memref<8x2048xf32, #tpu.memory_space<hbm>>
      tpu.enqueue_dma source(%dma_start3A_93 : memref<8x2048xf32, #tpu.memory_space<hbm>>) target(%dma_start3A_91 : memref<8x2048xf32, #tpu.memory_space<vmem>>) target_semaphore(%arg13 : memref<!tpu.dma_semaphore, #tpu.memory_space<semaphore_mem>>)
      %mul3A_94 = arith.constant 8 : i32
      %mul3A_95 = arith.muli %mul3A_59, %mul3A_94 : i32
      %add3A_96 = arith.addi %mul3A_2, %mul3A_95 : i32
      %dma_wait3A = arith.constant 0 : i32
      %dma_wait3A_97 = arith.constant 0 : i32
      %dma_wait3A_98 = arith.constant 0 : i32
      %dma_wait3A_99 = tpu.memref_slice %arg6[%dma_wait3A, %dma_wait3A_97, %dma_wait3A_98] : memref<2x8x2048xf32, #tpu.memory_space<vmem>> -> memref<1x8x2048xf32, #tpu.memory_space<vmem>>
      %dma_wait3A_100 = tpu.memref_squeeze %dma_wait3A_99 : memref<1x8x2048xf32, #tpu.memory_space<vmem>> -> memref<8x2048xf32, #tpu.memory_space<vmem>>
      %dma_wait3A_101 = arith.constant 0 : i32
      %dma_wait3A_102 = tpu.memref_slice %arg2[%add3A_96, %dma_wait3A_101] : memref<8192x2048xf32, #tpu.memory_space<hbm>> -> memref<8x2048xf32, #tpu.memory_space<hbm>>
      %dma_wait3A_103 = arith.constant 0 : i32
      %dma_wait3A_104 = arith.constant 0 : i32
      %dma_wait3A_105 = tpu.memref_slice %arg6[%dma_wait3A, %dma_wait3A_103, %dma_wait3A_104] : memref<2x8x2048xf32, #tpu.memory_space<vmem>> -> memref<1x8x2048xf32, #tpu.memory_space<vmem>>
      %dma_wait3A_106 = tpu.memref_squeeze %dma_wait3A_105 : memref<1x8x2048xf32, #tpu.memory_space<vmem>> -> memref<8x2048xf32, #tpu.memory_space<vmem>>
      %dma_wait3A_107 = arith.constant 0 : i32
      %dma_wait3A_108 = tpu.memref_slice %arg2[%add3A_96, %dma_wait3A_107] : memref<8192x2048xf32, #tpu.memory_space<hbm>> -> memref<8x2048xf32, #tpu.memory_space<hbm>>
      tpu.wait_dma2 semaphore(%arg12 : memref<!tpu.dma_semaphore, #tpu.memory_space<semaphore_mem>>) src(%dma_wait3A_108 : memref<8x2048xf32, #tpu.memory_space<hbm>>) dst(%dma_wait3A_106 : memref<8x2048xf32, #tpu.memory_space<vmem>>)
      %mul3A_109 = arith.constant 8 : i32
      %mul3A_110 = arith.muli %mul3A_59, %mul3A_109 : i32
      %add3A_111 = arith.addi %mul3A_2, %mul3A_110 : i32
      %dma_wait3A_112 = arith.constant 0 : i32
      %dma_wait3A_113 = arith.constant 0 : i32
      %dma_wait3A_114 = arith.constant 0 : i32
      %dma_wait3A_115 = tpu.memref_slice %arg7[%dma_wait3A_112, %dma_wait3A_113, %dma_wait3A_114] : memref<2x8x2048xf32, #tpu.memory_space<vmem>> -> memref<1x8x2048xf32, #tpu.memory_space<vmem>>
      %dma_wait3A_116 = tpu.memref_squeeze %dma_wait3A_115 : memref<1x8x2048xf32, #tpu.memory_space<vmem>> -> memref<8x2048xf32, #tpu.memory_space<vmem>>
      %dma_wait3A_117 = arith.constant 0 : i32
      %dma_wait3A_118 = tpu.memref_slice %arg3[%add3A_111, %dma_wait3A_117] : memref<8192x2048xf32, #tpu.memory_space<hbm>> -> memref<8x2048xf32, #tpu.memory_space<hbm>>
      %dma_wait3A_119 = arith.constant 0 : i32
      %dma_wait3A_120 = arith.constant 0 : i32
      %dma_wait3A_121 = tpu.memref_slice %arg7[%dma_wait3A_112, %dma_wait3A_119, %dma_wait3A_120] : memref<2x8x2048xf32, #tpu.memory_space<vmem>> -> memref<1x8x2048xf32, #tpu.memory_space<vmem>>
      %dma_wait3A_122 = tpu.memref_squeeze %dma_wait3A_121 : memref<1x8x2048xf32, #tpu.memory_space<vmem>> -> memref<8x2048xf32, #tpu.memory_space<vmem>>
      %dma_wait3A_123 = arith.constant 0 : i32
      %dma_wait3A_124 = tpu.memref_slice %arg3[%add3A_111, %dma_wait3A_123] : memref<8192x2048xf32, #tpu.memory_space<hbm>> -> memref<8x2048xf32, #tpu.memory_space<hbm>>
      tpu.wait_dma2 semaphore(%arg12 : memref<!tpu.dma_semaphore, #tpu.memory_space<semaphore_mem>>) src(%dma_wait3A_124 : memref<8x2048xf32, #tpu.memory_space<hbm>>) dst(%dma_wait3A_122 : memref<8x2048xf32, #tpu.memory_space<vmem>>)
      %scan3A_125 = arith.constant 0 : i32
      %scan3A_126 = arith.constant 0 : i32
      %scan3A_127 = arith.constant 4 : i32
      %scan3A_128 = arith.addi %scan3A_126, %scan3A_127 : i32
      %scan3A_129 = arith.constant 1 : i32
      %scan3A_130 = scf.for %scan3A_176 = %scan3A_126 to %scan3A_128 step %scan3A_129 iter_args(%scan3A_177 = %scan3A_125) -> (i32)  : i32 {
        %mul3A_178 = arith.constant 2 : i32
        %mul3A_179 = arith.muli %scan3A_176, %mul3A_178 : i32
        %add3A_180 = arith.constant 0 : i32
        %add3A_181 = arith.addi %mul3A_179, %add3A_180 : i32
        %get3A = arith.constant 0 : i32
        %get3A_182 = arith.index_cast %get3A : i32 to index
        %get3A_183 = arith.index_cast %add3A_181 : i32 to index
        %get3A_184 = arith.constant 0 : index
        %get3A_185 = tpu.vector_load %arg6[%get3A_182, %get3A_183, %get3A_184] {strides = array<i32>} : memref<2x8x2048xf32, #tpu.memory_space<vmem>>, vector<16xf32>,
        %mul3A_186 = arith.constant 2 : i32
        %mul3A_187 = arith.muli %scan3A_176, %mul3A_186 : i32
        %add3A_188 = arith.constant 0 : i32
        %add3A_189 = arith.addi %mul3A_187, %add3A_188 : i32
        %get3A_190 = arith.constant 0 : i32
        %get3A_191 = arith.index_cast %get3A_190 : i32 to index
        %get3A_192 = arith.index_cast %add3A_189 : i32 to index
        %get3A_193 = arith.constant 0 : index
        %get3A_194 = tpu.vector_load %arg7[%get3A_191, %get3A_192, %get3A_193] {strides = array<i32>} : memref<2x8x2048xf32, #tpu.memory_space<vmem>>, vector<16xf32>,
        %sub3A = arith.subf %get3A_185, %get3A_194 : vector<16xf32>
        %mul3A_195 = arith.mulf %sub3A, %sub3A : vector<16xf32>
        %bitcast_convert_type3A = tpu.bitcast %mul3A_195 : vector<16xf32> -> vector<16xi32>
        %shift_right_arithmetic3A = arith.constant 17 : i32
        %shift_right_arithmetic3A_196 = vector.broadcast %shift_right_arithmetic3A : i32 to vector<16xi32>
        %shift_right_arithmetic3A_197 = arith.shrsi %bitcast_convert_type3A, %shift_right_arithmetic3A_196 : vector<16xi32>
        %and3A = arith.constant 16368 : i32
        %and3A_198 = vector.broadcast %and3A : i32 to vector<16xi32>
        %and3A_199 = arith.andi %shift_right_arithmetic3A_197, %and3A_198 : vector<16xi32>
        %or3A = arith.ori %and3A_199, %iota3A : vector<16xi32>
        %mul3A_200 = arith.constant 2 : i32
        %mul3A_201 = arith.muli %scan3A_176, %mul3A_200 : i32
        %add3A_202 = arith.constant 0 : i32
        %add3A_203 = arith.addi %mul3A_201, %add3A_202 : i32
        %get3A_204 = arith.constant 0 : i32
        %get3A_205 = arith.index_cast %get3A_204 : i32 to index
        %get3A_206 = arith.index_cast %add3A_203 : i32 to index
        %get3A_207 = arith.constant 16 : index
        %get3A_208 = tpu.vector_load %arg6[%get3A_205, %get3A_206, %get3A_207] {strides = array<i32>} : memref<2x8x2048xf32, #tpu.memory_space<vmem>>, vector<16xf32>,
        %mul3A_209 = arith.constant 2 : i32
        %mul3A_210 = arith.muli %scan3A_176, %mul3A_209 : i32
        %add3A_211 = arith.constant 0 : i32
        %add3A_212 = arith.addi %mul3A_210, %add3A_211 : i32
        %get3A_213 = arith.constant 0 : i32
        %get3A_214 = arith.index_cast %get3A_213 : i32 to index
        %get3A_215 = arith.index_cast %add3A_212 : i32 to index
        %get3A_216 = arith.constant 16 : index
        %get3A_217 = tpu.vector_load %arg7[%get3A_214, %get3A_215, %get3A_216] {strides = array<i32>} : memref<2x8x2048xf32, #tpu.memory_space<vmem>>, vector<16xf32>,
        %sub3A_218 = arith.subf %get3A_208, %get3A_217 : vector<16xf32>
        %mul3A_219 = arith.mulf %sub3A_218, %sub3A_218 : vector<16xf32>
        %bitcast_convert_type3A_220 = tpu.bitcast %mul3A_219 : vector<16xf32> -> vector<16xi32>
        %shift_right_arithmetic3A_221 = arith.constant 17 : i32
        %shift_right_arithmetic3A_222 = vector.broadcast %shift_right_arithmetic3A_221 : i32 to vector<16xi32>
        %shift_right_arithmetic3A_223 = arith.shrsi %bitcast_convert_type3A_220, %shift_right_arithmetic3A_222 : vector<16xi32>
        %and3A_224 = arith.constant 16368 : i32
        %and3A_225 = vector.broadcast %and3A_224 : i32 to vector<16xi32>
        %and3A_226 = arith.andi %shift_right_arithmetic3A_223, %and3A_225 : vector<16xi32>
        %or3A_227 = arith.ori %and3A_226, %iota3A : vector<16xi32>
        %mul3A_228 = arith.constant 2 : i32
        %mul3A_229 = arith.muli %scan3A_176, %mul3A_228 : i32
        %add3A_230 = arith.constant 0 : i32
        %add3A_231 = arith.addi %mul3A_229, %add3A_230 : i32
        %get3A_232 = arith.constant 0 : i32
        %get3A_233 = arith.index_cast %get3A_232 : i32 to index
        %get3A_234 = arith.index_cast %add3A_231 : i32 to index
        %get3A_235 = arith.constant 32 : index
        %get3A_236 = tpu.vector_load %arg6[%get3A_233, %get3A_234, %get3A_235] {strides = array<i32>} : memref<2x8x2048xf32, #tpu.memory_space<vmem>>, vector<16xf32>,
        %mul3A_237 = arith.constant 2 : i32
        %mul3A_238 = arith.muli %scan3A_176, %mul3A_237 : i32
        %add3A_239 = arith.constant 0 : i32
        %add3A_240 = arith.addi %mul3A_238, %add3A_239 : i32
        %get3A_241 = arith.constant 0 : i32
        %get3A_242 = arith.index_cast %get3A_241 : i32 to index
        %get3A_243 = arith.index_cast %add3A_240 : i32 to index
        %get3A_244 = arith.constant 32 : index
        %get3A_245 = tpu.vector_load %arg7[%get3A_242, %get3A_243, %get3A_244] {strides = array<i32>} : memref<2x8x2048xf32, #tpu.memory_space<vmem>>, vector<16xf32>,
        %sub3A_246 = arith.subf %get3A_236, %get3A_245 : vector<16xf32>
        %mul3A_247 = arith.mulf %sub3A_246, %sub3A_246 : vector<16xf32>
        %bitcast_convert_type3A_248 = tpu.bitcast %mul3A_247 : vector<16xf32> -> vector<16xi32>
        %shift_right_arithmetic3A_249 = arith.constant 17 : i32
        %shift_right_arithmetic3A_250 = vector.broadcast %shift_right_arithmetic3A_249 : i32 to vector<16xi32>
        %shift_right_arithmetic3A_251 = arith.shrsi %bitcast_convert_type3A_248, %shift_right_arithmetic3A_250 : vector<16xi32>
        %and3A_252 = arith.constant 16368 : i32
        %and3A_253 = vector.broadcast %and3A_252 : i32 to vector<16xi32>
        %and3A_254 = arith.andi %shift_right_arithmetic3A_251, %and3A_253 : vector<16xi32>
        %or3A_255 = arith.ori %and3A_254, %iota3A : vector<16xi32>
        %mul3A_256 = arith.constant 2 : i32
        %mul3A_257 = arith.muli %scan3A_176, %mul3A_256 : i32
        %add3A_258 = arith.constant 0 : i32
        %add3A_259 = arith.addi %mul3A_257, %add3A_258 : i32
        %get3A_260 = arith.constant 0 : i32
        %get3A_261 = arith.index_cast %get3A_260 : i32 to index
        %get3A_262 = arith.index_cast %add3A_259 : i32 to index
        %get3A_263 = arith.constant 48 : index
        %get3A_264 = tpu.vector_load %arg6[%get3A_261, %get3A_262, %get3A_263] {strides = array<i32>} : memref<2x8x2048xf32, #tpu.memory_space<vmem>>, vector<16xf32>,
        %mul3A_265 = arith.constant 2 : i32
        %mul3A_266 = arith.muli %scan3A_176, %mul3A_265 : i32
        %add3A_267 = arith.constant 0 : i32
        %add3A_268 = arith.addi %mul3A_266, %add3A_267 : i32
        %get3A_269 = arith.constant 0 : i32
        %get3A_270 = arith.index_cast %get3A_269 : i32 to index
        %get3A_271 = arith.index_cast %add3A_268 : i32 to index
        %get3A_272 = arith.constant 48 : index
        %get3A_273 = tpu.vector_load %arg7[%get3A_270, %get3A_271, %get3A_272] {strides = array<i32>} : memref<2x8x2048xf32, #tpu.memory_space<vmem>>, vector<16xf32>,
        %sub3A_274 = arith.subf %get3A_264, %get3A_273 : vector<16xf32>
        %mul3A_275 = arith.mulf %sub3A_274, %sub3A_274 : vector<16xf32>
        %bitcast_convert_type3A_276 = tpu.bitcast %mul3A_275 : vector<16xf32> -> vector<16xi32>
        %shift_right_arithmetic3A_277 = arith.constant 17 : i32
        %shift_right_arithmetic3A_278 = vector.broadcast %shift_right_arithmetic3A_277 : i32 to vector<16xi32>
        %shift_right_arithmetic3A_279 = arith.shrsi %bitcast_convert_type3A_276, %shift_right_arithmetic3A_278 : vector<16xi32>
        %and3A_280 = arith.constant 16368 : i32
        %and3A_281 = vector.broadcast %and3A_280 : i32 to vector<16xi32>
        %and3A_282 = arith.andi %shift_right_arithmetic3A_279, %and3A_281 : vector<16xi32>
        %or3A_283 = arith.ori %and3A_282, %iota3A : vector<16xi32>
        %mul3A_284 = arith.constant 2 : i32
        %mul3A_285 = arith.muli %scan3A_176, %mul3A_284 : i32
        %add3A_286 = arith.constant 0 : i32
        %add3A_287 = arith.addi %mul3A_285, %add3A_286 : i32
        %get3A_288 = arith.constant 0 : i32
        %get3A_289 = arith.index_cast %get3A_288 : i32 to index
        %get3A_290 = arith.index_cast %add3A_287 : i32 to index
        %get3A_291 = arith.constant 64 : index
        %get3A_292 = tpu.vector_load %arg6[%get3A_289, %get3A_290, %get3A_291] {strides = array<i32>} : memref<2x8x2048xf32, #tpu.memory_space<vmem>>, vector<16xf32>,
        %mul3A_293 = arith.constant 2 : i32
        %mul3A_294 = arith.muli %scan3A_176, %mul3A_293 : i32
        %add3A_295 = arith.constant 0 : i32
        %add3A_296 = arith.addi %mul3A_294, %add3A_295 : i32
        %get3A_297 = arith.constant 0 : i32
        %get3A_298 = arith.index_cast %get3A_297 : i32 to index
        %get3A_299 = arith.index_cast %add3A_296 : i32 to index
        %get3A_300 = arith.constant 64 : index
        %get3A_301 = tpu.vector_load %arg7[%get3A_298, %get3A_299, %get3A_300] {strides = array<i32>} : memref<2x8x2048xf32, #tpu.memory_space<vmem>>, vector<16xf32>,
        %sub3A_302 = arith.subf %get3A_292, %get3A_301 : vector<16xf32>
        %mul3A_303 = arith.mulf %sub3A_302, %sub3A_302 : vector<16xf32>
        %bitcast_convert_type3A_304 = tpu.bitcast %mul3A_303 : vector<16xf32> -> vector<16xi32>
        %shift_right_arithmetic3A_305 = arith.constant 17 : i32
        %shift_right_arithmetic3A_306 = vector.broadcast %shift_right_arithmetic3A_305 : i32 to vector<16xi32>
        %shift_right_arithmetic3A_307 = arith.shrsi %bitcast_convert_type3A_304, %shift_right_arithmetic3A_306 : vector<16xi32>
        %and3A_308 = arith.constant 16368 : i32
        %and3A_309 = vector.broadcast %and3A_308 : i32 to vector<16xi32>
        %and3A_310 = arith.andi %shift_right_arithmetic3A_307, %and3A_309 : vector<16xi32>
        %or3A_311 = arith.ori %and3A_310, %iota3A : vector<16xi32>
        %mul3A_312 = arith.constant 2 : i32
        %mul3A_313 = arith.muli %scan3A_176, %mul3A_312 : i32
        %add3A_314 = arith.constant 0 : i32
        %add3A_315 = arith.addi %mul3A_313, %add3A_314 : i32
        %get3A_316 = arith.constant 0 : i32
        %get3A_317 = arith.index_cast %get3A_316 : i32 to index
        %get3A_318 = arith.index_cast %add3A_315 : i32 to index
        %get3A_319 = arith.constant 80 : index
        %get3A_320 = tpu.vector_load %arg6[%get3A_317, %get3A_318, %get3A_319] {strides = array<i32>} : memref<2x8x2048xf32, #tpu.memory_space<vmem>>, vector<16xf32>,
        %mul3A_321 = arith.constant 2 : i32
        %mul3A_322 = arith.muli %scan3A_176, %mul3A_321 : i32
        %add3A_323 = arith.constant 0 : i32
        %add3A_324 = arith.addi %mul3A_322, %add3A_323 : i32
        %get3A_325 = arith.constant 0 : i32
        %get3A_326 = arith.index_cast %get3A_325 : i32 to index
        %get3A_327 = arith.index_cast %add3A_324 : i32 to index
        %get3A_328 = arith.constant 80 : index
        %get3A_329 = tpu.vector_load %arg7[%get3A_326, %get3A_327, %get3A_328] {strides = array<i32>} : memref<2x8x2048xf32, #tpu.memory_space<vmem>>, vector<16xf32>,
        %sub3A_330 = arith.subf %get3A_320, %get3A_329 : vector<16xf32>
        %mul3A_331 = arith.mulf %sub3A_330, %sub3A_330 : vector<16xf32>
        %bitcast_convert_type3A_332 = tpu.bitcast %mul3A_331 : vector<16xf32> -> vector<16xi32>
        %shift_right_arithmetic3A_333 = arith.constant 17 : i32
        %shift_right_arithmetic3A_334 = vector.broadcast %shift_right_arithmetic3A_333 : i32 to vector<16xi32>
        %shift_right_arithmetic3A_335 = arith.shrsi %bitcast_convert_type3A_332, %shift_right_arithmetic3A_334 : vector<16xi32>
        %and3A_336 = arith.constant 16368 : i32
        %and3A_337 = vector.broadcast %and3A_336 : i32 to vector<16xi32>
        %and3A_338 = arith.andi %shift_right_arithmetic3A_335, %and3A_337 : vector<16xi32>
        %or3A_339 = arith.ori %and3A_338, %iota3A : vector<16xi32>
        %mul3A_340 = arith.constant 2 : i32
        %mul3A_341 = arith.muli %scan3A_176, %mul3A_340 : i32
        %add3A_342 = arith.constant 0 : i32
        %add3A_343 = arith.addi %mul3A_341, %add3A_342 : i32
        %get3A_344 = arith.constant 0 : i32
        %get3A_345 = arith.index_cast %get3A_344 : i32 to index
        %get3A_346 = arith.index_cast %add3A_343 : i32 to index
        %get3A_347 = arith.constant 96 : index
        %get3A_348 = tpu.vector_load %arg6[%get3A_345, %get3A_346, %get3A_347] {strides = array<i32>} : memref<2x8x2048xf32, #tpu.memory_space<vmem>>, vector<16xf32>,
        %mul3A_349 = arith.constant 2 : i32
        %mul3A_350 = arith.muli %scan3A_176, %mul3A_349 : i32
        %add3A_351 = arith.constant 0 : i32
        %add3A_352 = arith.addi %mul3A_350, %add3A_351 : i32
        %get3A_353 = arith.constant 0 : i32
        %get3A_354 = arith.index_cast %get3A_353 : i32 to index
        %get3A_355 = arith.index_cast %add3A_352 : i32 to index
        %get3A_356 = arith.constant 96 : index
        %get3A_357 = tpu.vector_load %arg7[%get3A_354, %get3A_355, %get3A_356] {strides = array<i32>} : memref<2x8x2048xf32, #tpu.memory_space<vmem>>, vector<16xf32>,
        %sub3A_358 = arith.subf %get3A_348, %get3A_357 : vector<16xf32>
        %mul3A_359 = arith.mulf %sub3A_358, %sub3A_358 : vector<16xf32>
        %bitcast_convert_type3A_360 = tpu.bitcast %mul3A_359 : vector<16xf32> -> vector<16xi32>
        %shift_right_arithmetic3A_361 = arith.constant 17 : i32
        %shift_right_arithmetic3A_362 = vector.broadcast %shift_right_arithmetic3A_361 : i32 to vector<16xi32>
        %shift_right_arithmetic3A_363 = arith.shrsi %bitcast_convert_type3A_360, %shift_right_arithmetic3A_362 : vector<16xi32>
        %and3A_364 = arith.constant 16368 : i32
        %and3A_365 = vector.broadcast %and3A_364 : i32 to vector<16xi32>
        %and3A_366 = arith.andi %shift_right_arithmetic3A_363, %and3A_365 : vector<16xi32>
        %or3A_367 = arith.ori %and3A_366, %iota3A : vector<16xi32>
        %mul3A_368 = arith.constant 2 : i32
        %mul3A_369 = arith.muli %scan3A_176, %mul3A_368 : i32
        %add3A_370 = arith.constant 0 : i32
        %add3A_371 = arith.addi %mul3A_369, %add3A_370 : i32
        %get3A_372 = arith.constant 0 : i32
        %get3A_373 = arith.index_cast %get3A_372 : i32 to index
        %get3A_374 = arith.index_cast %add3A_371 : i32 to index
        %get3A_375 = arith.constant 112 : index
        %get3A_376 = tpu.vector_load %arg6[%get3A_373, %get3A_374, %get3A_375] {strides = array<i32>} : memref<2x8x2048xf32, #tpu.memory_space<vmem>>, vector<16xf32>,
        %mul3A_377 = arith.constant 2 : i32
        %mul3A_378 = arith.muli %scan3A_176, %mul3A_377 : i32
        %add3A_379 = arith.constant 0 : i32
        %add3A_380 = arith.addi %mul3A_378, %add3A_379 : i32
        %get3A_381 = arith.constant 0 : i32
        %get3A_382 = arith.index_cast %get3A_381 : i32 to index
        %get3A_383 = arith.index_cast %add3A_380 : i32 to index
        %get3A_384 = arith.constant 112 : index
        %get3A_385 = tpu.vector_load %arg7[%get3A_382, %get3A_383, %get3A_384] {strides = array<i32>} : memref<2x8x2048xf32, #tpu.memory_space<vmem>>, vector<16xf32>,
        %sub3A_386 = arith.subf %get3A_376, %get3A_385 : vector<16xf32>
        %mul3A_387 = arith.mulf %sub3A_386, %sub3A_386 : vector<16xf32>
        %bitcast_convert_type3A_388 = tpu.bitcast %mul3A_387 : vector<16xf32> -> vector<16xi32>
        %shift_right_arithmetic3A_389 = arith.constant 17 : i32
        %shift_right_arithmetic3A_390 = vector.broadcast %shift_right_arithmetic3A_389 : i32 to vector<16xi32>
        %shift_right_arithmetic3A_391 = arith.shrsi %bitcast_convert_type3A_388, %shift_right_arithmetic3A_390 : vector<16xi32>
        %and3A_392 = arith.constant 16368 : i32
        %and3A_393 = vector.broadcast %and3A_392 : i32 to vector<16xi32>
        %and3A_394 = arith.andi %shift_right_arithmetic3A_391, %and3A_393 : vector<16xi32>
        %or3A_395 = arith.ori %and3A_394, %iota3A : vector<16xi32>
        %mul3A_396 = arith.constant 2 : i32
        %mul3A_397 = arith.muli %scan3A_176, %mul3A_396 : i32
        %add3A_398 = arith.constant 1 : i32
        %add3A_399 = arith.addi %mul3A_397, %add3A_398 : i32
        %get3A_400 = arith.constant 0 : i32
        %get3A_401 = arith.index_cast %get3A_400 : i32 to index
        %get3A_402 = arith.index_cast %add3A_399 : i32 to index
        %get3A_403 = arith.constant 0 : index
        %get3A_404 = tpu.vector_load %arg6[%get3A_401, %get3A_402, %get3A_403] {strides = array<i32>} : memref<2x8x2048xf32, #tpu.memory_space<vmem>>, vector<16xf32>,
        %mul3A_405 = arith.constant 2 : i32
        %mul3A_406 = arith.muli %scan3A_176, %mul3A_405 : i32
        %add3A_407 = arith.constant 1 : i32
        %add3A_408 = arith.addi %mul3A_406, %add3A_407 : i32
        %get3A_409 = arith.constant 0 : i32
        %get3A_410 = arith.index_cast %get3A_409 : i32 to index
        %get3A_411 = arith.index_cast %add3A_408 : i32 to index
        %get3A_412 = arith.constant 0 : index
        %get3A_413 = tpu.vector_load %arg7[%get3A_410, %get3A_411, %get3A_412] {strides = array<i32>} : memref<2x8x2048xf32, #tpu.memory_space<vmem>>, vector<16xf32>,
        %sub3A_414 = arith.subf %get3A_404, %get3A_413 : vector<16xf32>
        %mul3A_415 = arith.mulf %sub3A_414, %sub3A_414 : vector<16xf32>
        %bitcast_convert_type3A_416 = tpu.bitcast %mul3A_415 : vector<16xf32> -> vector<16xi32>
        %shift_right_arithmetic3A_417 = arith.constant 17 : i32
        %shift_right_arithmetic3A_418 = vector.broadcast %shift_right_arithmetic3A_417 : i32 to vector<16xi32>
        %shift_right_arithmetic3A_419 = arith.shrsi %bitcast_convert_type3A_416, %shift_right_arithmetic3A_418 : vector<16xi32>
        %and3A_420 = arith.constant 16368 : i32
        %and3A_421 = vector.broadcast %and3A_420 : i32 to vector<16xi32>
        %and3A_422 = arith.andi %shift_right_arithmetic3A_419, %and3A_421 : vector<16xi32>
        %or3A_423 = arith.ori %and3A_422, %iota3A : vector<16xi32>
        %mul3A_424 = arith.constant 2 : i32
        %mul3A_425 = arith.muli %scan3A_176, %mul3A_424 : i32
        %add3A_426 = arith.constant 1 : i32
        %add3A_427 = arith.addi %mul3A_425, %add3A_426 : i32
        %get3A_428 = arith.constant 0 : i32
        %get3A_429 = arith.index_cast %get3A_428 : i32 to index
        %get3A_430 = arith.index_cast %add3A_427 : i32 to index
        %get3A_431 = arith.constant 16 : index
        %get3A_432 = tpu.vector_load %arg6[%get3A_429, %get3A_430, %get3A_431] {strides = array<i32>} : memref<2x8x2048xf32, #tpu.memory_space<vmem>>, vector<16xf32>,
        %mul3A_433 = arith.constant 2 : i32
        %mul3A_434 = arith.muli %scan3A_176, %mul3A_433 : i32
        %add3A_435 = arith.constant 1 : i32
        %add3A_436 = arith.addi %mul3A_434, %add3A_435 : i32
        %get3A_437 = arith.constant 0 : i32
        %get3A_438 = arith.index_cast %get3A_437 : i32 to index
        %get3A_439 = arith.index_cast %add3A_436 : i32 to index
        %get3A_440 = arith.constant 16 : index
        %get3A_441 = tpu.vector_load %arg7[%get3A_438, %get3A_439, %get3A_440] {strides = array<i32>} : memref<2x8x2048xf32, #tpu.memory_space<vmem>>, vector<16xf32>,
        %sub3A_442 = arith.subf %get3A_432, %get3A_441 : vector<16xf32>
        %mul3A_443 = arith.mulf %sub3A_442, %sub3A_442 : vector<16xf32>
        %bitcast_convert_type3A_444 = tpu.bitcast %mul3A_443 : vector<16xf32> -> vector<16xi32>
        %shift_right_arithmetic3A_445 = arith.constant 17 : i32
        %shift_right_arithmetic3A_446 = vector.broadcast %shift_right_arithmetic3A_445 : i32 to vector<16xi32>
        %shift_right_arithmetic3A_447 = arith.shrsi %bitcast_convert_type3A_444, %shift_right_arithmetic3A_446 : vector<16xi32>
        %and3A_448 = arith.constant 16368 : i32
        %and3A_449 = vector.broadcast %and3A_448 : i32 to vector<16xi32>
        %and3A_450 = arith.andi %shift_right_arithmetic3A_447, %and3A_449 : vector<16xi32>
        %or3A_451 = arith.ori %and3A_450, %iota3A : vector<16xi32>
        %mul3A_452 = arith.constant 2 : i32
        %mul3A_453 = arith.muli %scan3A_176, %mul3A_452 : i32
        %add3A_454 = arith.constant 1 : i32
        %add3A_455 = arith.addi %mul3A_453, %add3A_454 : i32
        %get3A_456 = arith.constant 0 : i32
        %get3A_457 = arith.index_cast %get3A_456 : i32 to index
        %get3A_458 = arith.index_cast %add3A_455 : i32 to index
        %get3A_459 = arith.constant 32 : index
        %get3A_460 = tpu.vector_load %arg6[%get3A_457, %get3A_458, %get3A_459] {strides = array<i32>} : memref<2x8x2048xf32, #tpu.memory_space<vmem>>, vector<16xf32>,
        %mul3A_461 = arith.constant 2 : i32
        %mul3A_462 = arith.muli %scan3A_176, %mul3A_461 : i32
        %add3A_463 = arith.constant 1 : i32
        %add3A_464 = arith.addi %mul3A_462, %add3A_463 : i32
        %get3A_465 = arith.constant 0 : i32
        %get3A_466 = arith.index_cast %get3A_465 : i32 to index
        %get3A_467 = arith.index_cast %add3A_464 : i32 to index
        %get3A_468 = arith.constant 32 : index
        %get3A_469 = tpu.vector_load %arg7[%get3A_466, %get3A_467, %get3A_468] {strides = array<i32>} : memref<2x8x2048xf32, #tpu.memory_space<vmem>>, vector<16xf32>,
        %sub3A_470 = arith.subf %get3A_460, %get3A_469 : vector<16xf32>
        %mul3A_471 = arith.mulf %sub3A_470, %sub3A_470 : vector<16xf32>
        %bitcast_convert_type3A_472 = tpu.bitcast %mul3A_471 : vector<16xf32> -> vector<16xi32>
        %shift_right_arithmetic3A_473 = arith.constant 17 : i32
        %shift_right_arithmetic3A_474 = vector.broadcast %shift_right_arithmetic3A_473 : i32 to vector<16xi32>
        %shift_right_arithmetic3A_475 = arith.shrsi %bitcast_convert_type3A_472, %shift_right_arithmetic3A_474 : vector<16xi32>
        %and3A_476 = arith.constant 16368 : i32
        %and3A_477 = vector.broadcast %and3A_476 : i32 to vector<16xi32>
        %and3A_478 = arith.andi %shift_right_arithmetic3A_475, %and3A_477 : vector<16xi32>
        %or3A_479 = arith.ori %and3A_478, %iota3A : vector<16xi32>
        %mul3A_480 = arith.constant 2 : i32
        %mul3A_481 = arith.muli %scan3A_176, %mul3A_480 : i32
        %add3A_482 = arith.constant 1 : i32
        %add3A_483 = arith.addi %mul3A_481, %add3A_482 : i32
        %get3A_484 = arith.constant 0 : i32
        %get3A_485 = arith.index_cast %get3A_484 : i32 to index
        %get3A_486 = arith.index_cast %add3A_483 : i32 to index
        %get3A_487 = arith.constant 48 : index
        %get3A_488 = tpu.vector_load %arg6[%get3A_485, %get3A_486, %get3A_487] {strides = array<i32>} : memref<2x8x2048xf32, #tpu.memory_space<vmem>>, vector<16xf32>,
        %mul3A_489 = arith.constant 2 : i32
        %mul3A_490 = arith.muli %scan3A_176, %mul3A_489 : i32
        %add3A_491 = arith.constant 1 : i32
        %add3A_492 = arith.addi %mul3A_490, %add3A_491 : i32
        %get3A_493 = arith.constant 0 : i32
        %get3A_494 = arith.index_cast %get3A_493 : i32 to index
        %get3A_495 = arith.index_cast %add3A_492 : i32 to index
        %get3A_496 = arith.constant 48 : index
        %get3A_497 = tpu.vector_load %arg7[%get3A_494, %get3A_495, %get3A_496] {strides = array<i32>} : memref<2x8x2048xf32, #tpu.memory_space<vmem>>, vector<16xf32>,
        %sub3A_498 = arith.subf %get3A_488, %get3A_497 : vector<16xf32>
        %mul3A_499 = arith.mulf %sub3A_498, %sub3A_498 : vector<16xf32>
        %bitcast_convert_type3A_500 = tpu.bitcast %mul3A_499 : vector<16xf32> -> vector<16xi32>
        %shift_right_arithmetic3A_501 = arith.constant 17 : i32
        %shift_right_arithmetic3A_502 = vector.broadcast %shift_right_arithmetic3A_501 : i32 to vector<16xi32>
        %shift_right_arithmetic3A_503 = arith.shrsi %bitcast_convert_type3A_500, %shift_right_arithmetic3A_502 : vector<16xi32>
        %and3A_504 = arith.constant 16368 : i32
        %and3A_505 = vector.broadcast %and3A_504 : i32 to vector<16xi32>
        %and3A_506 = arith.andi %shift_right_arithmetic3A_503, %and3A_505 : vector<16xi32>
        %or3A_507 = arith.ori %and3A_506, %iota3A : vector<16xi32>
        %mul3A_508 = arith.constant 2 : i32
        %mul3A_509 = arith.muli %scan3A_176, %mul3A_508 : i32
        %add3A_510 = arith.constant 1 : i32
        %add3A_511 = arith.addi %mul3A_509, %add3A_510 : i32
        %get3A_512 = arith.constant 0 : i32
        %get3A_513 = arith.index_cast %get3A_512 : i32 to index
        %get3A_514 = arith.index_cast %add3A_511 : i32 to index
        %get3A_515 = arith.constant 64 : index
        %get3A_516 = tpu.vector_load %arg6[%get3A_513, %get3A_514, %get3A_515] {strides = array<i32>} : memref<2x8x2048xf32, #tpu.memory_space<vmem>>, vector<16xf32>,
        %mul3A_517 = arith.constant 2 : i32
        %mul3A_518 = arith.muli %scan3A_176, %mul3A_517 : i32
        %add3A_519 = arith.constant 1 : i32
        %add3A_520 = arith.addi %mul3A_518, %add3A_519 : i32
        %get3A_521 = arith.constant 0 : i32
        %get3A_522 = arith.index_cast %get3A_521 : i32 to index
        %get3A_523 = arith.index_cast %add3A_520 : i32 to index
        %get3A_524 = arith.constant 64 : index
        %get3A_525 = tpu.vector_load %arg7[%get3A_522, %get3A_523, %get3A_524] {strides = array<i32>} : memref<2x8x2048xf32, #tpu.memory_space<vmem>>, vector<16xf32>,
        %sub3A_526 = arith.subf %get3A_516, %get3A_525 : vector<16xf32>
        %mul3A_527 = arith.mulf %sub3A_526, %sub3A_526 : vector<16xf32>
        %bitcast_convert_type3A_528 = tpu.bitcast %mul3A_527 : vector<16xf32> -> vector<16xi32>
        %shift_right_arithmetic3A_529 = arith.constant 17 : i32
        %shift_right_arithmetic3A_530 = vector.broadcast %shift_right_arithmetic3A_529 : i32 to vector<16xi32>
        %shift_right_arithmetic3A_531 = arith.shrsi %bitcast_convert_type3A_528, %shift_right_arithmetic3A_530 : vector<16xi32>
        %and3A_532 = arith.constant 16368 : i32
        %and3A_533 = vector.broadcast %and3A_532 : i32 to vector<16xi32>
        %and3A_534 = arith.andi %shift_right_arithmetic3A_531, %and3A_533 : vector<16xi32>
        %or3A_535 = arith.ori %and3A_534, %iota3A : vector<16xi32>
        %mul3A_536 = arith.constant 2 : i32
        %mul3A_537 = arith.muli %scan3A_176, %mul3A_536 : i32
        %add3A_538 = arith.constant 1 : i32
        %add3A_539 = arith.addi %mul3A_537, %add3A_538 : i32
        %get3A_540 = arith.constant 0 : i32
        %get3A_541 = arith.index_cast %get3A_540 : i32 to index
        %get3A_542 = arith.index_cast %add3A_539 : i32 to index
        %get3A_543 = arith.constant 80 : index
        %get3A_544 = tpu.vector_load %arg6[%get3A_541, %get3A_542, %get3A_543] {strides = array<i32>} : memref<2x8x2048xf32, #tpu.memory_space<vmem>>, vector<16xf32>,
        %mul3A_545 = arith.constant 2 : i32
        %mul3A_546 = arith.muli %scan3A_176, %mul3A_545 : i32
        %add3A_547 = arith.constant 1 : i32
        %add3A_548 = arith.addi %mul3A_546, %add3A_547 : i32
        %get3A_549 = arith.constant 0 : i32
        %get3A_550 = arith.index_cast %get3A_549 : i32 to index
        %get3A_551 = arith.index_cast %add3A_548 : i32 to index
        %get3A_552 = arith.constant 80 : index
        %get3A_553 = tpu.vector_load %arg7[%get3A_550, %get3A_551, %get3A_552] {strides = array<i32>} : memref<2x8x2048xf32, #tpu.memory_space<vmem>>, vector<16xf32>,
        %sub3A_554 = arith.subf %get3A_544, %get3A_553 : vector<16xf32>
        %mul3A_555 = arith.mulf %sub3A_554, %sub3A_554 : vector<16xf32>
        %bitcast_convert_type3A_556 = tpu.bitcast %mul3A_555 : vector<16xf32> -> vector<16xi32>
        %shift_right_arithmetic3A_557 = arith.constant 17 : i32
        %shift_right_arithmetic3A_558 = vector.broadcast %shift_right_arithmetic3A_557 : i32 to vector<16xi32>
        %shift_right_arithmetic3A_559 = arith.shrsi %bitcast_convert_type3A_556, %shift_right_arithmetic3A_558 : vector<16xi32>
        %and3A_560 = arith.constant 16368 : i32
        %and3A_561 = vector.broadcast %and3A_560 : i32 to vector<16xi32>
        %and3A_562 = arith.andi %shift_right_arithmetic3A_559, %and3A_561 : vector<16xi32>
        %or3A_563 = arith.ori %and3A_562, %iota3A : vector<16xi32>
        %mul3A_564 = arith.constant 2 : i32
        %mul3A_565 = arith.muli %scan3A_176, %mul3A_564 : i32
        %add3A_566 = arith.constant 1 : i32
        %add3A_567 = arith.addi %mul3A_565, %add3A_566 : i32
        %get3A_568 = arith.constant 0 : i32
        %get3A_569 = arith.index_cast %get3A_568 : i32 to index
        %get3A_570 = arith.index_cast %add3A_567 : i32 to index
        %get3A_571 = arith.constant 96 : index
        %get3A_572 = tpu.vector_load %arg6[%get3A_569, %get3A_570, %get3A_571] {strides = array<i32>} : memref<2x8x2048xf32, #tpu.memory_space<vmem>>, vector<16xf32>,
        %mul3A_573 = arith.constant 2 : i32
        %mul3A_574 = arith.muli %scan3A_176, %mul3A_573 : i32
        %add3A_575 = arith.constant 1 : i32
        %add3A_576 = arith.addi %mul3A_574, %add3A_575 : i32
        %get3A_577 = arith.constant 0 : i32
        %get3A_578 = arith.index_cast %get3A_577 : i32 to index
        %get3A_579 = arith.index_cast %add3A_576 : i32 to index
        %get3A_580 = arith.constant 96 : index
        %get3A_581 = tpu.vector_load %arg7[%get3A_578, %get3A_579, %get3A_580] {strides = array<i32>} : memref<2x8x2048xf32, #tpu.memory_space<vmem>>, vector<16xf32>,
        %sub3A_582 = arith.subf %get3A_572, %get3A_581 : vector<16xf32>
        %mul3A_583 = arith.mulf %sub3A_582, %sub3A_582 : vector<16xf32>
        %bitcast_convert_type3A_584 = tpu.bitcast %mul3A_583 : vector<16xf32> -> vector<16xi32>
        %shift_right_arithmetic3A_585 = arith.constant 17 : i32
        %shift_right_arithmetic3A_586 = vector.broadcast %shift_right_arithmetic3A_585 : i32 to vector<16xi32>
        %shift_right_arithmetic3A_587 = arith.shrsi %bitcast_convert_type3A_584, %shift_right_arithmetic3A_586 : vector<16xi32>
        %and3A_588 = arith.constant 16368 : i32
        %and3A_589 = vector.broadcast %and3A_588 : i32 to vector<16xi32>
        %and3A_590 = arith.andi %shift_right_arithmetic3A_587, %and3A_589 : vector<16xi32>
        %or3A_591 = arith.ori %and3A_590, %iota3A : vector<16xi32>
        %mul3A_592 = arith.constant 2 : i32
        %mul3A_593 = arith.muli %scan3A_176, %mul3A_592 : i32
        %add3A_594 = arith.constant 1 : i32
        %add3A_595 = arith.addi %mul3A_593, %add3A_594 : i32
        %get3A_596 = arith.constant 0 : i32
        %get3A_597 = arith.index_cast %get3A_596 : i32 to index
        %get3A_598 = arith.index_cast %add3A_595 : i32 to index
        %get3A_599 = arith.constant 112 : index
        %get3A_600 = tpu.vector_load %arg6[%get3A_597, %get3A_598, %get3A_599] {strides = array<i32>} : memref<2x8x2048xf32, #tpu.memory_space<vmem>>, vector<16xf32>,
        %mul3A_601 = arith.constant 2 : i32
        %mul3A_602 = arith.muli %scan3A_176, %mul3A_601 : i32
        %add3A_603 = arith.constant 1 : i32
        %add3A_604 = arith.addi %mul3A_602, %add3A_603 : i32
        %get3A_605 = arith.constant 0 : i32
        %get3A_606 = arith.index_cast %get3A_605 : i32 to index
        %get3A_607 = arith.index_cast %add3A_604 : i32 to index
        %get3A_608 = arith.constant 112 : index
        %get3A_609 = tpu.vector_load %arg7[%get3A_606, %get3A_607, %get3A_608] {strides = array<i32>} : memref<2x8x2048xf32, #tpu.memory_space<vmem>>, vector<16xf32>,
        %sub3A_610 = arith.subf %get3A_600, %get3A_609 : vector<16xf32>
        %mul3A_611 = arith.mulf %sub3A_610, %sub3A_610 : vector<16xf32>
        %bitcast_convert_type3A_612 = tpu.bitcast %mul3A_611 : vector<16xf32> -> vector<16xi32>
        %shift_right_arithmetic3A_613 = arith.constant 17 : i32
        %shift_right_arithmetic3A_614 = vector.broadcast %shift_right_arithmetic3A_613 : i32 to vector<16xi32>
        %shift_right_arithmetic3A_615 = arith.shrsi %bitcast_convert_type3A_612, %shift_right_arithmetic3A_614 : vector<16xi32>
        %and3A_616 = arith.constant 16368 : i32
        %and3A_617 = vector.broadcast %and3A_616 : i32 to vector<16xi32>
        %and3A_618 = arith.andi %shift_right_arithmetic3A_615, %and3A_617 : vector<16xi32>
        %or3A_619 = arith.ori %and3A_618, %iota3A : vector<16xi32>
        tpu.vector_store_idx %arg8[%or3A], %broadcast_in_dim3A_11 {add = true} : memref<16384xf32, #tpu.memory_space<vmem>>[vector<16xi32>], vector<16xf32>,
        tpu.vector_store_idx %arg9[%or3A], %mul3A_195 {add = true} : memref<16384xf32, #tpu.memory_space<vmem>>[vector<16xi32>], vector<16xf32>,
        tpu.vector_store_idx %arg8[%or3A_227], %broadcast_in_dim3A_11 {add = true} : memref<16384xf32, #tpu.memory_space<vmem>>[vector<16xi32>], vector<16xf32>,
        tpu.vector_store_idx %arg9[%or3A_227], %mul3A_219 {add = true} : memref<16384xf32, #tpu.memory_space<vmem>>[vector<16xi32>], vector<16xf32>,
        tpu.vector_store_idx %arg8[%or3A_255], %broadcast_in_dim3A_11 {add = true} : memref<16384xf32, #tpu.memory_space<vmem>>[vector<16xi32>], vector<16xf32>,
        tpu.vector_store_idx %arg9[%or3A_255], %mul3A_247 {add = true} : memref<16384xf32, #tpu.memory_space<vmem>>[vector<16xi32>], vector<16xf32>,
        tpu.vector_store_idx %arg8[%or3A_283], %broadcast_in_dim3A_11 {add = true} : memref<16384xf32, #tpu.memory_space<vmem>>[vector<16xi32>], vector<16xf32>,
        tpu.vector_store_idx %arg9[%or3A_283], %mul3A_275 {add = true} : memref<16384xf32, #tpu.memory_space<vmem>>[vector<16xi32>], vector<16xf32>,
        tpu.vector_store_idx %arg8[%or3A_311], %broadcast_in_dim3A_11 {add = true} : memref<16384xf32, #tpu.memory_space<vmem>>[vector<16xi32>], vector<16xf32>,
        tpu.vector_store_idx %arg9[%or3A_311], %mul3A_303 {add = true} : memref<16384xf32, #tpu.memory_space<vmem>>[vector<16xi32>], vector<16xf32>,
        tpu.vector_store_idx %arg8[%or3A_339], %broadcast_in_dim3A_11 {add = true} : memref<16384xf32, #tpu.memory_space<vmem>>[vector<16xi32>], vector<16xf32>,
        tpu.vector_store_idx %arg9[%or3A_339], %mul3A_331 {add = true} : memref<16384xf32, #tpu.memory_space<vmem>>[vector<16xi32>], vector<16xf32>,
        tpu.vector_store_idx %arg8[%or3A_367], %broadcast_in_dim3A_11 {add = true} : memref<16384xf32, #tpu.memory_space<vmem>>[vector<16xi32>], vector<16xf32>,
        tpu.vector_store_idx %arg9[%or3A_367], %mul3A_359 {add = true} : memref<16384xf32, #tpu.memory_space<vmem>>[vector<16xi32>], vector<16xf32>,
        tpu.vector_store_idx %arg8[%or3A_395], %broadcast_in_dim3A_11 {add = true} : memref<16384xf32, #tpu.memory_space<vmem>>[vector<16xi32>], vector<16xf32>,
        tpu.vector_store_idx %arg9[%or3A_395], %mul3A_387 {add = true} : memref<16384xf32, #tpu.memory_space<vmem>>[vector<16xi32>], vector<16xf32>,
        tpu.vector_store_idx %arg8[%or3A_423], %broadcast_in_dim3A_11 {add = true} : memref<16384xf32, #tpu.memory_space<vmem>>[vector<16xi32>], vector<16xf32>,
        tpu.vector_store_idx %arg9[%or3A_423], %mul3A_415 {add = true} : memref<16384xf32, #tpu.memory_space<vmem>>[vector<16xi32>], vector<16xf32>,
        tpu.vector_store_idx %arg8[%or3A_451], %broadcast_in_dim3A_11 {add = true} : memref<16384xf32, #tpu.memory_space<vmem>>[vector<16xi32>], vector<16xf32>,
        tpu.vector_store_idx %arg9[%or3A_451], %mul3A_443 {add = true} : memref<16384xf32, #tpu.memory_space<vmem>>[vector<16xi32>], vector<16xf32>,
        tpu.vector_store_idx %arg8[%or3A_479], %broadcast_in_dim3A_11 {add = true} : memref<16384xf32, #tpu.memory_space<vmem>>[vector<16xi32>], vector<16xf32>,
        tpu.vector_store_idx %arg9[%or3A_479], %mul3A_471 {add = true} : memref<16384xf32, #tpu.memory_space<vmem>>[vector<16xi32>], vector<16xf32>,
        tpu.vector_store_idx %arg8[%or3A_507], %broadcast_in_dim3A_11 {add = true} : memref<16384xf32, #tpu.memory_space<vmem>>[vector<16xi32>], vector<16xf32>,
        tpu.vector_store_idx %arg9[%or3A_507], %mul3A_499 {add = true} : memref<16384xf32, #tpu.memory_space<vmem>>[vector<16xi32>], vector<16xf32>,
        tpu.vector_store_idx %arg8[%or3A_535], %broadcast_in_dim3A_11 {add = true} : memref<16384xf32, #tpu.memory_space<vmem>>[vector<16xi32>], vector<16xf32>,
        tpu.vector_store_idx %arg9[%or3A_535], %mul3A_527 {add = true} : memref<16384xf32, #tpu.memory_space<vmem>>[vector<16xi32>], vector<16xf32>,
        tpu.vector_store_idx %arg8[%or3A_563], %broadcast_in_dim3A_11 {add = true} : memref<16384xf32, #tpu.memory_space<vmem>>[vector<16xi32>], vector<16xf32>,
        tpu.vector_store_idx %arg9[%or3A_563], %mul3A_555 {add = true} : memref<16384xf32, #tpu.memory_space<vmem>>[vector<16xi32>], vector<16xf32>,
        tpu.vector_store_idx %arg8[%or3A_591], %broadcast_in_dim3A_11 {add = true} : memref<16384xf32, #tpu.memory_space<vmem>>[vector<16xi32>], vector<16xf32>,
        tpu.vector_store_idx %arg9[%or3A_591], %mul3A_583 {add = true} : memref<16384xf32, #tpu.memory_space<vmem>>[vector<16xi32>], vector<16xf32>,
        tpu.vector_store_idx %arg8[%or3A_619], %broadcast_in_dim3A_11 {add = true} : memref<16384xf32, #tpu.memory_space<vmem>>[vector<16xi32>], vector<16xf32>,
        tpu.vector_store_idx %arg9[%or3A_619], %mul3A_611 {add = true} : memref<16384xf32, #tpu.memory_space<vmem>>[vector<16xi32>], vector<16xf32>,
        %scan3A_620 = arith.constant 0 : i32
        scf.yield %scan3A_620 : i32
      }
      %scan3A_131 = arith.constant 4 : i32
      %add3A_132 = arith.constant 1 : i32
      %add3A_133 = arith.addi %scan3A_56, %add3A_132 : i32
      %lt3A = arith.constant 16 : i32
      %lt3A_134 = arith.cmpi slt, %add3A_133, %lt3A : i32
      %convert_element_type3A = arith.extui %lt3A_134 : i1 to i32
      %cond3A = arith.constant 0 : i32
      %cond3A_135 = arith.cmpi ne, %convert_element_type3A, %cond3A : i32
      scf.if %cond3A_135 {
        %add3A_176 = arith.constant 2 : i32
        %add3A_177 = arith.addi %mul3A_59, %add3A_176 : i32
        %mul3A_178 = arith.constant 8 : i32
        %mul3A_179 = arith.muli %add3A_177, %mul3A_178 : i32
        %add3A_180 = arith.addi %mul3A_2, %mul3A_179 : i32
        %dma_start3A_181 = arith.constant 0 : i32
        %dma_start3A_182 = arith.constant 0 : i32
        %dma_start3A_183 = arith.constant 0 : i32
        %dma_start3A_184 = tpu.memref_slice %arg6[%dma_start3A_181, %dma_start3A_182, %dma_start3A_183] : memref<2x8x2048xf32, #tpu.memory_space<vmem>> -> memref<1x8x2048xf32, #tpu.memory_space<vmem>>
        %dma_start3A_185 = tpu.memref_squeeze %dma_start3A_184 : memref<1x8x2048xf32, #tpu.memory_space<vmem>> -> memref<8x2048xf32, #tpu.memory_space<vmem>>
        %dma_start3A_186 = arith.constant 0 : i32
        %dma_start3A_187 = tpu.memref_slice %arg2[%add3A_180, %dma_start3A_186] : memref<8192x2048xf32, #tpu.memory_space<hbm>> -> memref<8x2048xf32, #tpu.memory_space<hbm>>
        %dma_start3A_188 = arith.constant 0 : i32
        %dma_start3A_189 = arith.constant 0 : i32
        %dma_start3A_190 = tpu.memref_slice %arg6[%dma_start3A_181, %dma_start3A_188, %dma_start3A_189] : memref<2x8x2048xf32, #tpu.memory_space<vmem>> -> memref<1x8x2048xf32, #tpu.memory_space<vmem>>
        %dma_start3A_191 = tpu.memref_squeeze %dma_start3A_190 : memref<1x8x2048xf32, #tpu.memory_space<vmem>> -> memref<8x2048xf32, #tpu.memory_space<vmem>>
        %dma_start3A_192 = arith.constant 0 : i32
        %dma_start3A_193 = tpu.memref_slice %arg2[%add3A_180, %dma_start3A_192] : memref<8192x2048xf32, #tpu.memory_space<hbm>> -> memref<8x2048xf32, #tpu.memory_space<hbm>>
        tpu.enqueue_dma source(%dma_start3A_193 : memref<8x2048xf32, #tpu.memory_space<hbm>>) target(%dma_start3A_191 : memref<8x2048xf32, #tpu.memory_space<vmem>>) target_semaphore(%arg12 : memref<!tpu.dma_semaphore, #tpu.memory_space<semaphore_mem>>)
        %add3A_194 = arith.constant 2 : i32
        %add3A_195 = arith.addi %mul3A_59, %add3A_194 : i32
        %mul3A_196 = arith.constant 8 : i32
        %mul3A_197 = arith.muli %add3A_195, %mul3A_196 : i32
        %add3A_198 = arith.addi %mul3A_2, %mul3A_197 : i32
        %dma_start3A_199 = arith.constant 0 : i32
        %dma_start3A_200 = arith.constant 0 : i32
        %dma_start3A_201 = arith.constant 0 : i32
        %dma_start3A_202 = tpu.memref_slice %arg7[%dma_start3A_199, %dma_start3A_200, %dma_start3A_201] : memref<2x8x2048xf32, #tpu.memory_space<vmem>> -> memref<1x8x2048xf32, #tpu.memory_space<vmem>>
        %dma_start3A_203 = tpu.memref_squeeze %dma_start3A_202 : memref<1x8x2048xf32, #tpu.memory_space<vmem>> -> memref<8x2048xf32, #tpu.memory_space<vmem>>
        %dma_start3A_204 = arith.constant 0 : i32
        %dma_start3A_205 = tpu.memref_slice %arg3[%add3A_198, %dma_start3A_204] : memref<8192x2048xf32, #tpu.memory_space<hbm>> -> memref<8x2048xf32, #tpu.memory_space<hbm>>
        %dma_start3A_206 = arith.constant 0 : i32
        %dma_start3A_207 = arith.constant 0 : i32
        %dma_start3A_208 = tpu.memref_slice %arg7[%dma_start3A_199, %dma_start3A_206, %dma_start3A_207] : memref<2x8x2048xf32, #tpu.memory_space<vmem>> -> memref<1x8x2048xf32, #tpu.memory_space<vmem>>
        %dma_start3A_209 = tpu.memref_squeeze %dma_start3A_208 : memref<1x8x2048xf32, #tpu.memory_space<vmem>> -> memref<8x2048xf32, #tpu.memory_space<vmem>>
        %dma_start3A_210 = arith.constant 0 : i32
        %dma_start3A_211 = tpu.memref_slice %arg3[%add3A_198, %dma_start3A_210] : memref<8192x2048xf32, #tpu.memory_space<hbm>> -> memref<8x2048xf32, #tpu.memory_space<hbm>>
        tpu.enqueue_dma source(%dma_start3A_211 : memref<8x2048xf32, #tpu.memory_space<hbm>>) target(%dma_start3A_209 : memref<8x2048xf32, #tpu.memory_space<vmem>>) target_semaphore(%arg12 : memref<!tpu.dma_semaphore, #tpu.memory_space<semaphore_mem>>)
      } else {
      }
      %mul3A_136 = arith.constant 8 : i32
      %mul3A_137 = arith.muli %add3A_61, %mul3A_136 : i32
      %add3A_138 = arith.addi %mul3A_2, %mul3A_137 : i32
      %dma_wait3A_139 = arith.constant 1 : i32
      %dma_wait3A_140 = arith.constant 0 : i32
      %dma_wait3A_141 = arith.constant 0 : i32
      %dma_wait3A_142 = tpu.memref_slice %arg6[%dma_wait3A_139, %dma_wait3A_140, %dma_wait3A_141] : memref<2x8x2048xf32, #tpu.memory_space<vmem>> -> memref<1x8x2048xf32, #tpu.memory_space<vmem>>
      %dma_wait3A_143 = tpu.memref_squeeze %dma_wait3A_142 : memref<1x8x2048xf32, #tpu.memory_space<vmem>> -> memref<8x2048xf32, #tpu.memory_space<vmem>>
      %dma_wait3A_144 = arith.constant 0 : i32
      %dma_wait3A_145 = tpu.memref_slice %arg2[%add3A_138, %dma_wait3A_144] : memref<8192x2048xf32, #tpu.memory_space<hbm>> -> memref<8x2048xf32, #tpu.memory_space<hbm>>
      %dma_wait3A_146 = arith.constant 0 : i32
      %dma_wait3A_147 = arith.constant 0 : i32
      %dma_wait3A_148 = tpu.memref_slice %arg6[%dma_wait3A_139, %dma_wait3A_146, %dma_wait3A_147] : memref<2x8x2048xf32, #tpu.memory_space<vmem>> -> memref<1x8x2048xf32, #tpu.memory_space<vmem>>
      %dma_wait3A_149 = tpu.memref_squeeze %dma_wait3A_148 : memref<1x8x2048xf32, #tpu.memory_space<vmem>> -> memref<8x2048xf32, #tpu.memory_space<vmem>>
      %dma_wait3A_150 = arith.constant 0 : i32
      %dma_wait3A_151 = tpu.memref_slice %arg2[%add3A_138, %dma_wait3A_150] : memref<8192x2048xf32, #tpu.memory_space<hbm>> -> memref<8x2048xf32, #tpu.memory_space<hbm>>
      tpu.wait_dma2 semaphore(%arg13 : memref<!tpu.dma_semaphore, #tpu.memory_space<semaphore_mem>>) src(%dma_wait3A_151 : memref<8x2048xf32, #tpu.memory_space<hbm>>) dst(%dma_wait3A_149 : memref<8x2048xf32, #tpu.memory_space<vmem>>)
      %mul3A_152 = arith.constant 8 : i32
      %mul3A_153 = arith.muli %add3A_61, %mul3A_152 : i32
      %add3A_154 = arith.addi %mul3A_2, %mul3A_153 : i32
      %dma_wait3A_155 = arith.constant 1 : i32
      %dma_wait3A_156 = arith.constant 0 : i32
      %dma_wait3A_157 = arith.constant 0 : i32
      %dma_wait3A_158 = tpu.memref_slice %arg7[%dma_wait3A_155, %dma_wait3A_156, %dma_wait3A_157] : memref<2x8x2048xf32, #tpu.memory_space<vmem>> -> memref<1x8x2048xf32, #tpu.memory_space<vmem>>
      %dma_wait3A_159 = tpu.memref_squeeze %dma_wait3A_158 : memref<1x8x2048xf32, #tpu.memory_space<vmem>> -> memref<8x2048xf32, #tpu.memory_space<vmem>>
      %dma_wait3A_160 = arith.constant 0 : i32
      %dma_wait3A_161 = tpu.memref_slice %arg3[%add3A_154, %dma_wait3A_160] : memref<8192x2048xf32, #tpu.memory_space<hbm>> -> memref<8x2048xf32, #tpu.memory_space<hbm>>
      %dma_wait3A_162 = arith.constant 0 : i32
      %dma_wait3A_163 = arith.constant 0 : i32
      %dma_wait3A_164 = tpu.memref_slice %arg7[%dma_wait3A_155, %dma_wait3A_162, %dma_wait3A_163] : memref<2x8x2048xf32, #tpu.memory_space<vmem>> -> memref<1x8x2048xf32, #tpu.memory_space<vmem>>
      %dma_wait3A_165 = tpu.memref_squeeze %dma_wait3A_164 : memref<1x8x2048xf32, #tpu.memory_space<vmem>> -> memref<8x2048xf32, #tpu.memory_space<vmem>>
      %dma_wait3A_166 = arith.constant 0 : i32
      %dma_wait3A_167 = tpu.memref_slice %arg3[%add3A_154, %dma_wait3A_166] : memref<8192x2048xf32, #tpu.memory_space<hbm>> -> memref<8x2048xf32, #tpu.memory_space<hbm>>
      tpu.wait_dma2 semaphore(%arg13 : memref<!tpu.dma_semaphore, #tpu.memory_space<semaphore_mem>>) src(%dma_wait3A_167 : memref<8x2048xf32, #tpu.memory_space<hbm>>) dst(%dma_wait3A_165 : memref<8x2048xf32, #tpu.memory_space<vmem>>)
      %scan3A_168 = arith.constant 0 : i32
      %scan3A_169 = arith.constant 0 : i32
      %scan3A_170 = arith.constant 4 : i32
      %scan3A_171 = arith.addi %scan3A_169, %scan3A_170 : i32
      %scan3A_172 = arith.constant 1 : i32
      %scan3A_173 = scf.for %scan3A_176 = %scan3A_169 to %scan3A_171 step %scan3A_172 iter_args(%scan3A_177 = %scan3A_168) -> (i32)  : i32 {
        %mul3A_178 = arith.constant 2 : i32
        %mul3A_179 = arith.muli %scan3A_176, %mul3A_178 : i32
        %add3A_180 = arith.constant 0 : i32
        %add3A_181 = arith.addi %mul3A_179, %add3A_180 : i32
        %get3A = arith.constant 1 : i32
        %get3A_182 = arith.index_cast %get3A : i32 to index
        %get3A_183 = arith.index_cast %add3A_181 : i32 to index
        %get3A_184 = arith.constant 0 : index
        %get3A_185 = tpu.vector_load %arg6[%get3A_182, %get3A_183, %get3A_184] {strides = array<i32>} : memref<2x8x2048xf32, #tpu.memory_space<vmem>>, vector<16xf32>,
        %mul3A_186 = arith.constant 2 : i32
        %mul3A_187 = arith.muli %scan3A_176, %mul3A_186 : i32
        %add3A_188 = arith.constant 0 : i32
        %add3A_189 = arith.addi %mul3A_187, %add3A_188 : i32
        %get3A_190 = arith.constant 1 : i32
        %get3A_191 = arith.index_cast %get3A_190 : i32 to index
        %get3A_192 = arith.index_cast %add3A_189 : i32 to index
        %get3A_193 = arith.constant 0 : index
        %get3A_194 = tpu.vector_load %arg7[%get3A_191, %get3A_192, %get3A_193] {strides = array<i32>} : memref<2x8x2048xf32, #tpu.memory_space<vmem>>, vector<16xf32>,
        %sub3A = arith.subf %get3A_185, %get3A_194 : vector<16xf32>
        %mul3A_195 = arith.mulf %sub3A, %sub3A : vector<16xf32>
        %bitcast_convert_type3A = tpu.bitcast %mul3A_195 : vector<16xf32> -> vector<16xi32>
        %shift_right_arithmetic3A = arith.constant 17 : i32
        %shift_right_arithmetic3A_196 = vector.broadcast %shift_right_arithmetic3A : i32 to vector<16xi32>
        %shift_right_arithmetic3A_197 = arith.shrsi %bitcast_convert_type3A, %shift_right_arithmetic3A_196 : vector<16xi32>
        %and3A = arith.constant 16368 : i32
        %and3A_198 = vector.broadcast %and3A : i32 to vector<16xi32>
        %and3A_199 = arith.andi %shift_right_arithmetic3A_197, %and3A_198 : vector<16xi32>
        %or3A = arith.ori %and3A_199, %iota3A : vector<16xi32>
        %mul3A_200 = arith.constant 2 : i32
        %mul3A_201 = arith.muli %scan3A_176, %mul3A_200 : i32
        %add3A_202 = arith.constant 0 : i32
        %add3A_203 = arith.addi %mul3A_201, %add3A_202 : i32
        %get3A_204 = arith.constant 1 : i32
        %get3A_205 = arith.index_cast %get3A_204 : i32 to index
        %get3A_206 = arith.index_cast %add3A_203 : i32 to index
        %get3A_207 = arith.constant 16 : index
        %get3A_208 = tpu.vector_load %arg6[%get3A_205, %get3A_206, %get3A_207] {strides = array<i32>} : memref<2x8x2048xf32, #tpu.memory_space<vmem>>, vector<16xf32>,
        %mul3A_209 = arith.constant 2 : i32
        %mul3A_210 = arith.muli %scan3A_176, %mul3A_209 : i32
        %add3A_211 = arith.constant 0 : i32
        %add3A_212 = arith.addi %mul3A_210, %add3A_211 : i32
        %get3A_213 = arith.constant 1 : i32
        %get3A_214 = arith.index_cast %get3A_213 : i32 to index
        %get3A_215 = arith.index_cast %add3A_212 : i32 to index
        %get3A_216 = arith.constant 16 : index
        %get3A_217 = tpu.vector_load %arg7[%get3A_214, %get3A_215, %get3A_216] {strides = array<i32>} : memref<2x8x2048xf32, #tpu.memory_space<vmem>>, vector<16xf32>,
        %sub3A_218 = arith.subf %get3A_208, %get3A_217 : vector<16xf32>
        %mul3A_219 = arith.mulf %sub3A_218, %sub3A_218 : vector<16xf32>
        %bitcast_convert_type3A_220 = tpu.bitcast %mul3A_219 : vector<16xf32> -> vector<16xi32>
        %shift_right_arithmetic3A_221 = arith.constant 17 : i32
        %shift_right_arithmetic3A_222 = vector.broadcast %shift_right_arithmetic3A_221 : i32 to vector<16xi32>
        %shift_right_arithmetic3A_223 = arith.shrsi %bitcast_convert_type3A_220, %shift_right_arithmetic3A_222 : vector<16xi32>
        %and3A_224 = arith.constant 16368 : i32
        %and3A_225 = vector.broadcast %and3A_224 : i32 to vector<16xi32>
        %and3A_226 = arith.andi %shift_right_arithmetic3A_223, %and3A_225 : vector<16xi32>
        %or3A_227 = arith.ori %and3A_226, %iota3A : vector<16xi32>
        %mul3A_228 = arith.constant 2 : i32
        %mul3A_229 = arith.muli %scan3A_176, %mul3A_228 : i32
        %add3A_230 = arith.constant 0 : i32
        %add3A_231 = arith.addi %mul3A_229, %add3A_230 : i32
        %get3A_232 = arith.constant 1 : i32
        %get3A_233 = arith.index_cast %get3A_232 : i32 to index
        %get3A_234 = arith.index_cast %add3A_231 : i32 to index
        %get3A_235 = arith.constant 32 : index
        %get3A_236 = tpu.vector_load %arg6[%get3A_233, %get3A_234, %get3A_235] {strides = array<i32>} : memref<2x8x2048xf32, #tpu.memory_space<vmem>>, vector<16xf32>,
        %mul3A_237 = arith.constant 2 : i32
        %mul3A_238 = arith.muli %scan3A_176, %mul3A_237 : i32
        %add3A_239 = arith.constant 0 : i32
        %add3A_240 = arith.addi %mul3A_238, %add3A_239 : i32
        %get3A_241 = arith.constant 1 : i32
        %get3A_242 = arith.index_cast %get3A_241 : i32 to index
        %get3A_243 = arith.index_cast %add3A_240 : i32 to index
        %get3A_244 = arith.constant 32 : index
        %get3A_245 = tpu.vector_load %arg7[%get3A_242, %get3A_243, %get3A_244] {strides = array<i32>} : memref<2x8x2048xf32, #tpu.memory_space<vmem>>, vector<16xf32>,
        %sub3A_246 = arith.subf %get3A_236, %get3A_245 : vector<16xf32>
        %mul3A_247 = arith.mulf %sub3A_246, %sub3A_246 : vector<16xf32>
        %bitcast_convert_type3A_248 = tpu.bitcast %mul3A_247 : vector<16xf32> -> vector<16xi32>
        %shift_right_arithmetic3A_249 = arith.constant 17 : i32
        %shift_right_arithmetic3A_250 = vector.broadcast %shift_right_arithmetic3A_249 : i32 to vector<16xi32>
        %shift_right_arithmetic3A_251 = arith.shrsi %bitcast_convert_type3A_248, %shift_right_arithmetic3A_250 : vector<16xi32>
        %and3A_252 = arith.constant 16368 : i32
        %and3A_253 = vector.broadcast %and3A_252 : i32 to vector<16xi32>
        %and3A_254 = arith.andi %shift_right_arithmetic3A_251, %and3A_253 : vector<16xi32>
        %or3A_255 = arith.ori %and3A_254, %iota3A : vector<16xi32>
        %mul3A_256 = arith.constant 2 : i32
        %mul3A_257 = arith.muli %scan3A_176, %mul3A_256 : i32
        %add3A_258 = arith.constant 0 : i32
        %add3A_259 = arith.addi %mul3A_257, %add3A_258 : i32
        %get3A_260 = arith.constant 1 : i32
        %get3A_261 = arith.index_cast %get3A_260 : i32 to index
        %get3A_262 = arith.index_cast %add3A_259 : i32 to index
        %get3A_263 = arith.constant 48 : index
        %get3A_264 = tpu.vector_load %arg6[%get3A_261, %get3A_262, %get3A_263] {strides = array<i32>} : memref<2x8x2048xf32, #tpu.memory_space<vmem>>, vector<16xf32>,
        %mul3A_265 = arith.constant 2 : i32
        %mul3A_266 = arith.muli %scan3A_176, %mul3A_265 : i32
        %add3A_267 = arith.constant 0 : i32
        %add3A_268 = arith.addi %mul3A_266, %add3A_267 : i32
        %get3A_269 = arith.constant 1 : i32
        %get3A_270 = arith.index_cast %get3A_269 : i32 to index
        %get3A_271 = arith.index_cast %add3A_268 : i32 to index
        %get3A_272 = arith.constant 48 : index
        %get3A_273 = tpu.vector_load %arg7[%get3A_270, %get3A_271, %get3A_272] {strides = array<i32>} : memref<2x8x2048xf32, #tpu.memory_space<vmem>>, vector<16xf32>,
        %sub3A_274 = arith.subf %get3A_264, %get3A_273 : vector<16xf32>
        %mul3A_275 = arith.mulf %sub3A_274, %sub3A_274 : vector<16xf32>
        %bitcast_convert_type3A_276 = tpu.bitcast %mul3A_275 : vector<16xf32> -> vector<16xi32>
        %shift_right_arithmetic3A_277 = arith.constant 17 : i32
        %shift_right_arithmetic3A_278 = vector.broadcast %shift_right_arithmetic3A_277 : i32 to vector<16xi32>
        %shift_right_arithmetic3A_279 = arith.shrsi %bitcast_convert_type3A_276, %shift_right_arithmetic3A_278 : vector<16xi32>
        %and3A_280 = arith.constant 16368 : i32
        %and3A_281 = vector.broadcast %and3A_280 : i32 to vector<16xi32>
        %and3A_282 = arith.andi %shift_right_arithmetic3A_279, %and3A_281 : vector<16xi32>
        %or3A_283 = arith.ori %and3A_282, %iota3A : vector<16xi32>
        %mul3A_284 = arith.constant 2 : i32
        %mul3A_285 = arith.muli %scan3A_176, %mul3A_284 : i32
        %add3A_286 = arith.constant 0 : i32
        %add3A_287 = arith.addi %mul3A_285, %add3A_286 : i32
        %get3A_288 = arith.constant 1 : i32
        %get3A_289 = arith.index_cast %get3A_288 : i32 to index
        %get3A_290 = arith.index_cast %add3A_287 : i32 to index
        %get3A_291 = arith.constant 64 : index
        %get3A_292 = tpu.vector_load %arg6[%get3A_289, %get3A_290, %get3A_291] {strides = array<i32>} : memref<2x8x2048xf32, #tpu.memory_space<vmem>>, vector<16xf32>,
        %mul3A_293 = arith.constant 2 : i32
        %mul3A_294 = arith.muli %scan3A_176, %mul3A_293 : i32
        %add3A_295 = arith.constant 0 : i32
        %add3A_296 = arith.addi %mul3A_294, %add3A_295 : i32
        %get3A_297 = arith.constant 1 : i32
        %get3A_298 = arith.index_cast %get3A_297 : i32 to index
        %get3A_299 = arith.index_cast %add3A_296 : i32 to index
        %get3A_300 = arith.constant 64 : index
        %get3A_301 = tpu.vector_load %arg7[%get3A_298, %get3A_299, %get3A_300] {strides = array<i32>} : memref<2x8x2048xf32, #tpu.memory_space<vmem>>, vector<16xf32>,
        %sub3A_302 = arith.subf %get3A_292, %get3A_301 : vector<16xf32>
        %mul3A_303 = arith.mulf %sub3A_302, %sub3A_302 : vector<16xf32>
        %bitcast_convert_type3A_304 = tpu.bitcast %mul3A_303 : vector<16xf32> -> vector<16xi32>
        %shift_right_arithmetic3A_305 = arith.constant 17 : i32
        %shift_right_arithmetic3A_306 = vector.broadcast %shift_right_arithmetic3A_305 : i32 to vector<16xi32>
        %shift_right_arithmetic3A_307 = arith.shrsi %bitcast_convert_type3A_304, %shift_right_arithmetic3A_306 : vector<16xi32>
        %and3A_308 = arith.constant 16368 : i32
        %and3A_309 = vector.broadcast %and3A_308 : i32 to vector<16xi32>
        %and3A_310 = arith.andi %shift_right_arithmetic3A_307, %and3A_309 : vector<16xi32>
        %or3A_311 = arith.ori %and3A_310, %iota3A : vector<16xi32>
        %mul3A_312 = arith.constant 2 : i32
        %mul3A_313 = arith.muli %scan3A_176, %mul3A_312 : i32
        %add3A_314 = arith.constant 0 : i32
        %add3A_315 = arith.addi %mul3A_313, %add3A_314 : i32
        %get3A_316 = arith.constant 1 : i32
        %get3A_317 = arith.index_cast %get3A_316 : i32 to index
        %get3A_318 = arith.index_cast %add3A_315 : i32 to index
        %get3A_319 = arith.constant 80 : index
        %get3A_320 = tpu.vector_load %arg6[%get3A_317, %get3A_318, %get3A_319] {strides = array<i32>} : memref<2x8x2048xf32, #tpu.memory_space<vmem>>, vector<16xf32>,
        %mul3A_321 = arith.constant 2 : i32
        %mul3A_322 = arith.muli %scan3A_176, %mul3A_321 : i32
        %add3A_323 = arith.constant 0 : i32
        %add3A_324 = arith.addi %mul3A_322, %add3A_323 : i32
        %get3A_325 = arith.constant 1 : i32
        %get3A_326 = arith.index_cast %get3A_325 : i32 to index
        %get3A_327 = arith.index_cast %add3A_324 : i32 to index
        %get3A_328 = arith.constant 80 : index
        %get3A_329 = tpu.vector_load %arg7[%get3A_326, %get3A_327, %get3A_328] {strides = array<i32>} : memref<2x8x2048xf32, #tpu.memory_space<vmem>>, vector<16xf32>,
        %sub3A_330 = arith.subf %get3A_320, %get3A_329 : vector<16xf32>
        %mul3A_331 = arith.mulf %sub3A_330, %sub3A_330 : vector<16xf32>
        %bitcast_convert_type3A_332 = tpu.bitcast %mul3A_331 : vector<16xf32> -> vector<16xi32>
        %shift_right_arithmetic3A_333 = arith.constant 17 : i32
        %shift_right_arithmetic3A_334 = vector.broadcast %shift_right_arithmetic3A_333 : i32 to vector<16xi32>
        %shift_right_arithmetic3A_335 = arith.shrsi %bitcast_convert_type3A_332, %shift_right_arithmetic3A_334 : vector<16xi32>
        %and3A_336 = arith.constant 16368 : i32
        %and3A_337 = vector.broadcast %and3A_336 : i32 to vector<16xi32>
        %and3A_338 = arith.andi %shift_right_arithmetic3A_335, %and3A_337 : vector<16xi32>
        %or3A_339 = arith.ori %and3A_338, %iota3A : vector<16xi32>
        %mul3A_340 = arith.constant 2 : i32
        %mul3A_341 = arith.muli %scan3A_176, %mul3A_340 : i32
        %add3A_342 = arith.constant 0 : i32
        %add3A_343 = arith.addi %mul3A_341, %add3A_342 : i32
        %get3A_344 = arith.constant 1 : i32
        %get3A_345 = arith.index_cast %get3A_344 : i32 to index
        %get3A_346 = arith.index_cast %add3A_343 : i32 to index
        %get3A_347 = arith.constant 96 : index
        %get3A_348 = tpu.vector_load %arg6[%get3A_345, %get3A_346, %get3A_347] {strides = array<i32>} : memref<2x8x2048xf32, #tpu.memory_space<vmem>>, vector<16xf32>,
        %mul3A_349 = arith.constant 2 : i32
        %mul3A_350 = arith.muli %scan3A_176, %mul3A_349 : i32
        %add3A_351 = arith.constant 0 : i32
        %add3A_352 = arith.addi %mul3A_350, %add3A_351 : i32
        %get3A_353 = arith.constant 1 : i32
        %get3A_354 = arith.index_cast %get3A_353 : i32 to index
        %get3A_355 = arith.index_cast %add3A_352 : i32 to index
        %get3A_356 = arith.constant 96 : index
        %get3A_357 = tpu.vector_load %arg7[%get3A_354, %get3A_355, %get3A_356] {strides = array<i32>} : memref<2x8x2048xf32, #tpu.memory_space<vmem>>, vector<16xf32>,
        %sub3A_358 = arith.subf %get3A_348, %get3A_357 : vector<16xf32>
        %mul3A_359 = arith.mulf %sub3A_358, %sub3A_358 : vector<16xf32>
        %bitcast_convert_type3A_360 = tpu.bitcast %mul3A_359 : vector<16xf32> -> vector<16xi32>
        %shift_right_arithmetic3A_361 = arith.constant 17 : i32
        %shift_right_arithmetic3A_362 = vector.broadcast %shift_right_arithmetic3A_361 : i32 to vector<16xi32>
        %shift_right_arithmetic3A_363 = arith.shrsi %bitcast_convert_type3A_360, %shift_right_arithmetic3A_362 : vector<16xi32>
        %and3A_364 = arith.constant 16368 : i32
        %and3A_365 = vector.broadcast %and3A_364 : i32 to vector<16xi32>
        %and3A_366 = arith.andi %shift_right_arithmetic3A_363, %and3A_365 : vector<16xi32>
        %or3A_367 = arith.ori %and3A_366, %iota3A : vector<16xi32>
        %mul3A_368 = arith.constant 2 : i32
        %mul3A_369 = arith.muli %scan3A_176, %mul3A_368 : i32
        %add3A_370 = arith.constant 0 : i32
        %add3A_371 = arith.addi %mul3A_369, %add3A_370 : i32
        %get3A_372 = arith.constant 1 : i32
        %get3A_373 = arith.index_cast %get3A_372 : i32 to index
        %get3A_374 = arith.index_cast %add3A_371 : i32 to index
        %get3A_375 = arith.constant 112 : index
        %get3A_376 = tpu.vector_load %arg6[%get3A_373, %get3A_374, %get3A_375] {strides = array<i32>} : memref<2x8x2048xf32, #tpu.memory_space<vmem>>, vector<16xf32>,
        %mul3A_377 = arith.constant 2 : i32
        %mul3A_378 = arith.muli %scan3A_176, %mul3A_377 : i32
        %add3A_379 = arith.constant 0 : i32
        %add3A_380 = arith.addi %mul3A_378, %add3A_379 : i32
        %get3A_381 = arith.constant 1 : i32
        %get3A_382 = arith.index_cast %get3A_381 : i32 to index
        %get3A_383 = arith.index_cast %add3A_380 : i32 to index
        %get3A_384 = arith.constant 112 : index
        %get3A_385 = tpu.vector_load %arg7[%get3A_382, %get3A_383, %get3A_384] {strides = array<i32>} : memref<2x8x2048xf32, #tpu.memory_space<vmem>>, vector<16xf32>,
        %sub3A_386 = arith.subf %get3A_376, %get3A_385 : vector<16xf32>
        %mul3A_387 = arith.mulf %sub3A_386, %sub3A_386 : vector<16xf32>
        %bitcast_convert_type3A_388 = tpu.bitcast %mul3A_387 : vector<16xf32> -> vector<16xi32>
        %shift_right_arithmetic3A_389 = arith.constant 17 : i32
        %shift_right_arithmetic3A_390 = vector.broadcast %shift_right_arithmetic3A_389 : i32 to vector<16xi32>
        %shift_right_arithmetic3A_391 = arith.shrsi %bitcast_convert_type3A_388, %shift_right_arithmetic3A_390 : vector<16xi32>
        %and3A_392 = arith.constant 16368 : i32
        %and3A_393 = vector.broadcast %and3A_392 : i32 to vector<16xi32>
        %and3A_394 = arith.andi %shift_right_arithmetic3A_391, %and3A_393 : vector<16xi32>
        %or3A_395 = arith.ori %and3A_394, %iota3A : vector<16xi32>
        %mul3A_396 = arith.constant 2 : i32
        %mul3A_397 = arith.muli %scan3A_176, %mul3A_396 : i32
        %add3A_398 = arith.constant 1 : i32
        %add3A_399 = arith.addi %mul3A_397, %add3A_398 : i32
        %get3A_400 = arith.constant 1 : i32
        %get3A_401 = arith.index_cast %get3A_400 : i32 to index
        %get3A_402 = arith.index_cast %add3A_399 : i32 to index
        %get3A_403 = arith.constant 0 : index
        %get3A_404 = tpu.vector_load %arg6[%get3A_401, %get3A_402, %get3A_403] {strides = array<i32>} : memref<2x8x2048xf32, #tpu.memory_space<vmem>>, vector<16xf32>,
        %mul3A_405 = arith.constant 2 : i32
        %mul3A_406 = arith.muli %scan3A_176, %mul3A_405 : i32
        %add3A_407 = arith.constant 1 : i32
        %add3A_408 = arith.addi %mul3A_406, %add3A_407 : i32
        %get3A_409 = arith.constant 1 : i32
        %get3A_410 = arith.index_cast %get3A_409 : i32 to index
        %get3A_411 = arith.index_cast %add3A_408 : i32 to index
        %get3A_412 = arith.constant 0 : index
        %get3A_413 = tpu.vector_load %arg7[%get3A_410, %get3A_411, %get3A_412] {strides = array<i32>} : memref<2x8x2048xf32, #tpu.memory_space<vmem>>, vector<16xf32>,
        %sub3A_414 = arith.subf %get3A_404, %get3A_413 : vector<16xf32>
        %mul3A_415 = arith.mulf %sub3A_414, %sub3A_414 : vector<16xf32>
        %bitcast_convert_type3A_416 = tpu.bitcast %mul3A_415 : vector<16xf32> -> vector<16xi32>
        %shift_right_arithmetic3A_417 = arith.constant 17 : i32
        %shift_right_arithmetic3A_418 = vector.broadcast %shift_right_arithmetic3A_417 : i32 to vector<16xi32>
        %shift_right_arithmetic3A_419 = arith.shrsi %bitcast_convert_type3A_416, %shift_right_arithmetic3A_418 : vector<16xi32>
        %and3A_420 = arith.constant 16368 : i32
        %and3A_421 = vector.broadcast %and3A_420 : i32 to vector<16xi32>
        %and3A_422 = arith.andi %shift_right_arithmetic3A_419, %and3A_421 : vector<16xi32>
        %or3A_423 = arith.ori %and3A_422, %iota3A : vector<16xi32>
        %mul3A_424 = arith.constant 2 : i32
        %mul3A_425 = arith.muli %scan3A_176, %mul3A_424 : i32
        %add3A_426 = arith.constant 1 : i32
        %add3A_427 = arith.addi %mul3A_425, %add3A_426 : i32
        %get3A_428 = arith.constant 1 : i32
        %get3A_429 = arith.index_cast %get3A_428 : i32 to index
        %get3A_430 = arith.index_cast %add3A_427 : i32 to index
        %get3A_431 = arith.constant 16 : index
        %get3A_432 = tpu.vector_load %arg6[%get3A_429, %get3A_430, %get3A_431] {strides = array<i32>} : memref<2x8x2048xf32, #tpu.memory_space<vmem>>, vector<16xf32>,
        %mul3A_433 = arith.constant 2 : i32
        %mul3A_434 = arith.muli %scan3A_176, %mul3A_433 : i32
        %add3A_435 = arith.constant 1 : i32
        %add3A_436 = arith.addi %mul3A_434, %add3A_435 : i32
        %get3A_437 = arith.constant 1 : i32
        %get3A_438 = arith.index_cast %get3A_437 : i32 to index
        %get3A_439 = arith.index_cast %add3A_436 : i32 to index
        %get3A_440 = arith.constant 16 : index
        %get3A_441 = tpu.vector_load %arg7[%get3A_438, %get3A_439, %get3A_440] {strides = array<i32>} : memref<2x8x2048xf32, #tpu.memory_space<vmem>>, vector<16xf32>,
        %sub3A_442 = arith.subf %get3A_432, %get3A_441 : vector<16xf32>
        %mul3A_443 = arith.mulf %sub3A_442, %sub3A_442 : vector<16xf32>
        %bitcast_convert_type3A_444 = tpu.bitcast %mul3A_443 : vector<16xf32> -> vector<16xi32>
        %shift_right_arithmetic3A_445 = arith.constant 17 : i32
        %shift_right_arithmetic3A_446 = vector.broadcast %shift_right_arithmetic3A_445 : i32 to vector<16xi32>
        %shift_right_arithmetic3A_447 = arith.shrsi %bitcast_convert_type3A_444, %shift_right_arithmetic3A_446 : vector<16xi32>
        %and3A_448 = arith.constant 16368 : i32
        %and3A_449 = vector.broadcast %and3A_448 : i32 to vector<16xi32>
        %and3A_450 = arith.andi %shift_right_arithmetic3A_447, %and3A_449 : vector<16xi32>
        %or3A_451 = arith.ori %and3A_450, %iota3A : vector<16xi32>
        %mul3A_452 = arith.constant 2 : i32
        %mul3A_453 = arith.muli %scan3A_176, %mul3A_452 : i32
        %add3A_454 = arith.constant 1 : i32
        %add3A_455 = arith.addi %mul3A_453, %add3A_454 : i32
        %get3A_456 = arith.constant 1 : i32
        %get3A_457 = arith.index_cast %get3A_456 : i32 to index
        %get3A_458 = arith.index_cast %add3A_455 : i32 to index
        %get3A_459 = arith.constant 32 : index
        %get3A_460 = tpu.vector_load %arg6[%get3A_457, %get3A_458, %get3A_459] {strides = array<i32>} : memref<2x8x2048xf32, #tpu.memory_space<vmem>>, vector<16xf32>,
        %mul3A_461 = arith.constant 2 : i32
        %mul3A_462 = arith.muli %scan3A_176, %mul3A_461 : i32
        %add3A_463 = arith.constant 1 : i32
        %add3A_464 = arith.addi %mul3A_462, %add3A_463 : i32
        %get3A_465 = arith.constant 1 : i32
        %get3A_466 = arith.index_cast %get3A_465 : i32 to index
        %get3A_467 = arith.index_cast %add3A_464 : i32 to index
        %get3A_468 = arith.constant 32 : index
        %get3A_469 = tpu.vector_load %arg7[%get3A_466, %get3A_467, %get3A_468] {strides = array<i32>} : memref<2x8x2048xf32, #tpu.memory_space<vmem>>, vector<16xf32>,
        %sub3A_470 = arith.subf %get3A_460, %get3A_469 : vector<16xf32>
        %mul3A_471 = arith.mulf %sub3A_470, %sub3A_470 : vector<16xf32>
        %bitcast_convert_type3A_472 = tpu.bitcast %mul3A_471 : vector<16xf32> -> vector<16xi32>
        %shift_right_arithmetic3A_473 = arith.constant 17 : i32
        %shift_right_arithmetic3A_474 = vector.broadcast %shift_right_arithmetic3A_473 : i32 to vector<16xi32>
        %shift_right_arithmetic3A_475 = arith.shrsi %bitcast_convert_type3A_472, %shift_right_arithmetic3A_474 : vector<16xi32>
        %and3A_476 = arith.constant 16368 : i32
        %and3A_477 = vector.broadcast %and3A_476 : i32 to vector<16xi32>
        %and3A_478 = arith.andi %shift_right_arithmetic3A_475, %and3A_477 : vector<16xi32>
        %or3A_479 = arith.ori %and3A_478, %iota3A : vector<16xi32>
        %mul3A_480 = arith.constant 2 : i32
        %mul3A_481 = arith.muli %scan3A_176, %mul3A_480 : i32
        %add3A_482 = arith.constant 1 : i32
        %add3A_483 = arith.addi %mul3A_481, %add3A_482 : i32
        %get3A_484 = arith.constant 1 : i32
        %get3A_485 = arith.index_cast %get3A_484 : i32 to index
        %get3A_486 = arith.index_cast %add3A_483 : i32 to index
        %get3A_487 = arith.constant 48 : index
        %get3A_488 = tpu.vector_load %arg6[%get3A_485, %get3A_486, %get3A_487] {strides = array<i32>} : memref<2x8x2048xf32, #tpu.memory_space<vmem>>, vector<16xf32>,
        %mul3A_489 = arith.constant 2 : i32
        %mul3A_490 = arith.muli %scan3A_176, %mul3A_489 : i32
        %add3A_491 = arith.constant 1 : i32
        %add3A_492 = arith.addi %mul3A_490, %add3A_491 : i32
        %get3A_493 = arith.constant 1 : i32
        %get3A_494 = arith.index_cast %get3A_493 : i32 to index
        %get3A_495 = arith.index_cast %add3A_492 : i32 to index
        %get3A_496 = arith.constant 48 : index
        %get3A_497 = tpu.vector_load %arg7[%get3A_494, %get3A_495, %get3A_496] {strides = array<i32>} : memref<2x8x2048xf32, #tpu.memory_space<vmem>>, vector<16xf32>,
        %sub3A_498 = arith.subf %get3A_488, %get3A_497 : vector<16xf32>
        %mul3A_499 = arith.mulf %sub3A_498, %sub3A_498 : vector<16xf32>
        %bitcast_convert_type3A_500 = tpu.bitcast %mul3A_499 : vector<16xf32> -> vector<16xi32>
        %shift_right_arithmetic3A_501 = arith.constant 17 : i32
        %shift_right_arithmetic3A_502 = vector.broadcast %shift_right_arithmetic3A_501 : i32 to vector<16xi32>
        %shift_right_arithmetic3A_503 = arith.shrsi %bitcast_convert_type3A_500, %shift_right_arithmetic3A_502 : vector<16xi32>
        %and3A_504 = arith.constant 16368 : i32
        %and3A_505 = vector.broadcast %and3A_504 : i32 to vector<16xi32>
        %and3A_506 = arith.andi %shift_right_arithmetic3A_503, %and3A_505 : vector<16xi32>
        %or3A_507 = arith.ori %and3A_506, %iota3A : vector<16xi32>
        %mul3A_508 = arith.constant 2 : i32
        %mul3A_509 = arith.muli %scan3A_176, %mul3A_508 : i32
        %add3A_510 = arith.constant 1 : i32
        %add3A_511 = arith.addi %mul3A_509, %add3A_510 : i32
        %get3A_512 = arith.constant 1 : i32
        %get3A_513 = arith.index_cast %get3A_512 : i32 to index
        %get3A_514 = arith.index_cast %add3A_511 : i32 to index
        %get3A_515 = arith.constant 64 : index
        %get3A_516 = tpu.vector_load %arg6[%get3A_513, %get3A_514, %get3A_515] {strides = array<i32>} : memref<2x8x2048xf32, #tpu.memory_space<vmem>>, vector<16xf32>,
        %mul3A_517 = arith.constant 2 : i32
        %mul3A_518 = arith.muli %scan3A_176, %mul3A_517 : i32
        %add3A_519 = arith.constant 1 : i32
        %add3A_520 = arith.addi %mul3A_518, %add3A_519 : i32
        %get3A_521 = arith.constant 1 : i32
        %get3A_522 = arith.index_cast %get3A_521 : i32 to index
        %get3A_523 = arith.index_cast %add3A_520 : i32 to index
        %get3A_524 = arith.constant 64 : index
        %get3A_525 = tpu.vector_load %arg7[%get3A_522, %get3A_523, %get3A_524] {strides = array<i32>} : memref<2x8x2048xf32, #tpu.memory_space<vmem>>, vector<16xf32>,
        %sub3A_526 = arith.subf %get3A_516, %get3A_525 : vector<16xf32>
        %mul3A_527 = arith.mulf %sub3A_526, %sub3A_526 : vector<16xf32>
        %bitcast_convert_type3A_528 = tpu.bitcast %mul3A_527 : vector<16xf32> -> vector<16xi32>
        %shift_right_arithmetic3A_529 = arith.constant 17 : i32
        %shift_right_arithmetic3A_530 = vector.broadcast %shift_right_arithmetic3A_529 : i32 to vector<16xi32>
        %shift_right_arithmetic3A_531 = arith.shrsi %bitcast_convert_type3A_528, %shift_right_arithmetic3A_530 : vector<16xi32>
        %and3A_532 = arith.constant 16368 : i32
        %and3A_533 = vector.broadcast %and3A_532 : i32 to vector<16xi32>
        %and3A_534 = arith.andi %shift_right_arithmetic3A_531, %and3A_533 : vector<16xi32>
        %or3A_535 = arith.ori %and3A_534, %iota3A : vector<16xi32>
        %mul3A_536 = arith.constant 2 : i32
        %mul3A_537 = arith.muli %scan3A_176, %mul3A_536 : i32
        %add3A_538 = arith.constant 1 : i32
        %add3A_539 = arith.addi %mul3A_537, %add3A_538 : i32
        %get3A_540 = arith.constant 1 : i32
        %get3A_541 = arith.index_cast %get3A_540 : i32 to index
        %get3A_542 = arith.index_cast %add3A_539 : i32 to index
        %get3A_543 = arith.constant 80 : index
        %get3A_544 = tpu.vector_load %arg6[%get3A_541, %get3A_542, %get3A_543] {strides = array<i32>} : memref<2x8x2048xf32, #tpu.memory_space<vmem>>, vector<16xf32>,
        %mul3A_545 = arith.constant 2 : i32
        %mul3A_546 = arith.muli %scan3A_176, %mul3A_545 : i32
        %add3A_547 = arith.constant 1 : i32
        %add3A_548 = arith.addi %mul3A_546, %add3A_547 : i32
        %get3A_549 = arith.constant 1 : i32
        %get3A_550 = arith.index_cast %get3A_549 : i32 to index
        %get3A_551 = arith.index_cast %add3A_548 : i32 to index
        %get3A_552 = arith.constant 80 : index
        %get3A_553 = tpu.vector_load %arg7[%get3A_550, %get3A_551, %get3A_552] {strides = array<i32>} : memref<2x8x2048xf32, #tpu.memory_space<vmem>>, vector<16xf32>,
        %sub3A_554 = arith.subf %get3A_544, %get3A_553 : vector<16xf32>
        %mul3A_555 = arith.mulf %sub3A_554, %sub3A_554 : vector<16xf32>
        %bitcast_convert_type3A_556 = tpu.bitcast %mul3A_555 : vector<16xf32> -> vector<16xi32>
        %shift_right_arithmetic3A_557 = arith.constant 17 : i32
        %shift_right_arithmetic3A_558 = vector.broadcast %shift_right_arithmetic3A_557 : i32 to vector<16xi32>
        %shift_right_arithmetic3A_559 = arith.shrsi %bitcast_convert_type3A_556, %shift_right_arithmetic3A_558 : vector<16xi32>
        %and3A_560 = arith.constant 16368 : i32
        %and3A_561 = vector.broadcast %and3A_560 : i32 to vector<16xi32>
        %and3A_562 = arith.andi %shift_right_arithmetic3A_559, %and3A_561 : vector<16xi32>
        %or3A_563 = arith.ori %and3A_562, %iota3A : vector<16xi32>
        %mul3A_564 = arith.constant 2 : i32
        %mul3A_565 = arith.muli %scan3A_176, %mul3A_564 : i32
        %add3A_566 = arith.constant 1 : i32
        %add3A_567 = arith.addi %mul3A_565, %add3A_566 : i32
        %get3A_568 = arith.constant 1 : i32
        %get3A_569 = arith.index_cast %get3A_568 : i32 to index
        %get3A_570 = arith.index_cast %add3A_567 : i32 to index
        %get3A_571 = arith.constant 96 : index
        %get3A_572 = tpu.vector_load %arg6[%get3A_569, %get3A_570, %get3A_571] {strides = array<i32>} : memref<2x8x2048xf32, #tpu.memory_space<vmem>>, vector<16xf32>,
        %mul3A_573 = arith.constant 2 : i32
        %mul3A_574 = arith.muli %scan3A_176, %mul3A_573 : i32
        %add3A_575 = arith.constant 1 : i32
        %add3A_576 = arith.addi %mul3A_574, %add3A_575 : i32
        %get3A_577 = arith.constant 1 : i32
        %get3A_578 = arith.index_cast %get3A_577 : i32 to index
        %get3A_579 = arith.index_cast %add3A_576 : i32 to index
        %get3A_580 = arith.constant 96 : index
        %get3A_581 = tpu.vector_load %arg7[%get3A_578, %get3A_579, %get3A_580] {strides = array<i32>} : memref<2x8x2048xf32, #tpu.memory_space<vmem>>, vector<16xf32>,
        %sub3A_582 = arith.subf %get3A_572, %get3A_581 : vector<16xf32>
        %mul3A_583 = arith.mulf %sub3A_582, %sub3A_582 : vector<16xf32>
        %bitcast_convert_type3A_584 = tpu.bitcast %mul3A_583 : vector<16xf32> -> vector<16xi32>
        %shift_right_arithmetic3A_585 = arith.constant 17 : i32
        %shift_right_arithmetic3A_586 = vector.broadcast %shift_right_arithmetic3A_585 : i32 to vector<16xi32>
        %shift_right_arithmetic3A_587 = arith.shrsi %bitcast_convert_type3A_584, %shift_right_arithmetic3A_586 : vector<16xi32>
        %and3A_588 = arith.constant 16368 : i32
        %and3A_589 = vector.broadcast %and3A_588 : i32 to vector<16xi32>
        %and3A_590 = arith.andi %shift_right_arithmetic3A_587, %and3A_589 : vector<16xi32>
        %or3A_591 = arith.ori %and3A_590, %iota3A : vector<16xi32>
        %mul3A_592 = arith.constant 2 : i32
        %mul3A_593 = arith.muli %scan3A_176, %mul3A_592 : i32
        %add3A_594 = arith.constant 1 : i32
        %add3A_595 = arith.addi %mul3A_593, %add3A_594 : i32
        %get3A_596 = arith.constant 1 : i32
        %get3A_597 = arith.index_cast %get3A_596 : i32 to index
        %get3A_598 = arith.index_cast %add3A_595 : i32 to index
        %get3A_599 = arith.constant 112 : index
        %get3A_600 = tpu.vector_load %arg6[%get3A_597, %get3A_598, %get3A_599] {strides = array<i32>} : memref<2x8x2048xf32, #tpu.memory_space<vmem>>, vector<16xf32>,
        %mul3A_601 = arith.constant 2 : i32
        %mul3A_602 = arith.muli %scan3A_176, %mul3A_601 : i32
        %add3A_603 = arith.constant 1 : i32
        %add3A_604 = arith.addi %mul3A_602, %add3A_603 : i32
        %get3A_605 = arith.constant 1 : i32
        %get3A_606 = arith.index_cast %get3A_605 : i32 to index
        %get3A_607 = arith.index_cast %add3A_604 : i32 to index
        %get3A_608 = arith.constant 112 : index
        %get3A_609 = tpu.vector_load %arg7[%get3A_606, %get3A_607, %get3A_608] {strides = array<i32>} : memref<2x8x2048xf32, #tpu.memory_space<vmem>>, vector<16xf32>,
        %sub3A_610 = arith.subf %get3A_600, %get3A_609 : vector<16xf32>
        %mul3A_611 = arith.mulf %sub3A_610, %sub3A_610 : vector<16xf32>
        %bitcast_convert_type3A_612 = tpu.bitcast %mul3A_611 : vector<16xf32> -> vector<16xi32>
        %shift_right_arithmetic3A_613 = arith.constant 17 : i32
        %shift_right_arithmetic3A_614 = vector.broadcast %shift_right_arithmetic3A_613 : i32 to vector<16xi32>
        %shift_right_arithmetic3A_615 = arith.shrsi %bitcast_convert_type3A_612, %shift_right_arithmetic3A_614 : vector<16xi32>
        %and3A_616 = arith.constant 16368 : i32
        %and3A_617 = vector.broadcast %and3A_616 : i32 to vector<16xi32>
        %and3A_618 = arith.andi %shift_right_arithmetic3A_615, %and3A_617 : vector<16xi32>
        %or3A_619 = arith.ori %and3A_618, %iota3A : vector<16xi32>
        tpu.vector_store_idx %arg8[%or3A], %broadcast_in_dim3A_11 {add = true} : memref<16384xf32, #tpu.memory_space<vmem>>[vector<16xi32>], vector<16xf32>,
        tpu.vector_store_idx %arg9[%or3A], %mul3A_195 {add = true} : memref<16384xf32, #tpu.memory_space<vmem>>[vector<16xi32>], vector<16xf32>,
        tpu.vector_store_idx %arg8[%or3A_227], %broadcast_in_dim3A_11 {add = true} : memref<16384xf32, #tpu.memory_space<vmem>>[vector<16xi32>], vector<16xf32>,
        tpu.vector_store_idx %arg9[%or3A_227], %mul3A_219 {add = true} : memref<16384xf32, #tpu.memory_space<vmem>>[vector<16xi32>], vector<16xf32>,
        tpu.vector_store_idx %arg8[%or3A_255], %broadcast_in_dim3A_11 {add = true} : memref<16384xf32, #tpu.memory_space<vmem>>[vector<16xi32>], vector<16xf32>,
        tpu.vector_store_idx %arg9[%or3A_255], %mul3A_247 {add = true} : memref<16384xf32, #tpu.memory_space<vmem>>[vector<16xi32>], vector<16xf32>,
        tpu.vector_store_idx %arg8[%or3A_283], %broadcast_in_dim3A_11 {add = true} : memref<16384xf32, #tpu.memory_space<vmem>>[vector<16xi32>], vector<16xf32>,
        tpu.vector_store_idx %arg9[%or3A_283], %mul3A_275 {add = true} : memref<16384xf32, #tpu.memory_space<vmem>>[vector<16xi32>], vector<16xf32>,
        tpu.vector_store_idx %arg8[%or3A_311], %broadcast_in_dim3A_11 {add = true} : memref<16384xf32, #tpu.memory_space<vmem>>[vector<16xi32>], vector<16xf32>,
        tpu.vector_store_idx %arg9[%or3A_311], %mul3A_303 {add = true} : memref<16384xf32, #tpu.memory_space<vmem>>[vector<16xi32>], vector<16xf32>,
        tpu.vector_store_idx %arg8[%or3A_339], %broadcast_in_dim3A_11 {add = true} : memref<16384xf32, #tpu.memory_space<vmem>>[vector<16xi32>], vector<16xf32>,
        tpu.vector_store_idx %arg9[%or3A_339], %mul3A_331 {add = true} : memref<16384xf32, #tpu.memory_space<vmem>>[vector<16xi32>], vector<16xf32>,
        tpu.vector_store_idx %arg8[%or3A_367], %broadcast_in_dim3A_11 {add = true} : memref<16384xf32, #tpu.memory_space<vmem>>[vector<16xi32>], vector<16xf32>,
        tpu.vector_store_idx %arg9[%or3A_367], %mul3A_359 {add = true} : memref<16384xf32, #tpu.memory_space<vmem>>[vector<16xi32>], vector<16xf32>,
        tpu.vector_store_idx %arg8[%or3A_395], %broadcast_in_dim3A_11 {add = true} : memref<16384xf32, #tpu.memory_space<vmem>>[vector<16xi32>], vector<16xf32>,
        tpu.vector_store_idx %arg9[%or3A_395], %mul3A_387 {add = true} : memref<16384xf32, #tpu.memory_space<vmem>>[vector<16xi32>], vector<16xf32>,
        tpu.vector_store_idx %arg8[%or3A_423], %broadcast_in_dim3A_11 {add = true} : memref<16384xf32, #tpu.memory_space<vmem>>[vector<16xi32>], vector<16xf32>,
        tpu.vector_store_idx %arg9[%or3A_423], %mul3A_415 {add = true} : memref<16384xf32, #tpu.memory_space<vmem>>[vector<16xi32>], vector<16xf32>,
        tpu.vector_store_idx %arg8[%or3A_451], %broadcast_in_dim3A_11 {add = true} : memref<16384xf32, #tpu.memory_space<vmem>>[vector<16xi32>], vector<16xf32>,
        tpu.vector_store_idx %arg9[%or3A_451], %mul3A_443 {add = true} : memref<16384xf32, #tpu.memory_space<vmem>>[vector<16xi32>], vector<16xf32>,
        tpu.vector_store_idx %arg8[%or3A_479], %broadcast_in_dim3A_11 {add = true} : memref<16384xf32, #tpu.memory_space<vmem>>[vector<16xi32>], vector<16xf32>,
        tpu.vector_store_idx %arg9[%or3A_479], %mul3A_471 {add = true} : memref<16384xf32, #tpu.memory_space<vmem>>[vector<16xi32>], vector<16xf32>,
        tpu.vector_store_idx %arg8[%or3A_507], %broadcast_in_dim3A_11 {add = true} : memref<16384xf32, #tpu.memory_space<vmem>>[vector<16xi32>], vector<16xf32>,
        tpu.vector_store_idx %arg9[%or3A_507], %mul3A_499 {add = true} : memref<16384xf32, #tpu.memory_space<vmem>>[vector<16xi32>], vector<16xf32>,
        tpu.vector_store_idx %arg8[%or3A_535], %broadcast_in_dim3A_11 {add = true} : memref<16384xf32, #tpu.memory_space<vmem>>[vector<16xi32>], vector<16xf32>,
        tpu.vector_store_idx %arg9[%or3A_535], %mul3A_527 {add = true} : memref<16384xf32, #tpu.memory_space<vmem>>[vector<16xi32>], vector<16xf32>,
        tpu.vector_store_idx %arg8[%or3A_563], %broadcast_in_dim3A_11 {add = true} : memref<16384xf32, #tpu.memory_space<vmem>>[vector<16xi32>], vector<16xf32>,
        tpu.vector_store_idx %arg9[%or3A_563], %mul3A_555 {add = true} : memref<16384xf32, #tpu.memory_space<vmem>>[vector<16xi32>], vector<16xf32>,
        tpu.vector_store_idx %arg8[%or3A_591], %broadcast_in_dim3A_11 {add = true} : memref<16384xf32, #tpu.memory_space<vmem>>[vector<16xi32>], vector<16xf32>,
        tpu.vector_store_idx %arg9[%or3A_591], %mul3A_583 {add = true} : memref<16384xf32, #tpu.memory_space<vmem>>[vector<16xi32>], vector<16xf32>,
        tpu.vector_store_idx %arg8[%or3A_619], %broadcast_in_dim3A_11 {add = true} : memref<16384xf32, #tpu.memory_space<vmem>>[vector<16xi32>], vector<16xf32>,
        tpu.vector_store_idx %arg9[%or3A_619], %mul3A_611 {add = true} : memref<16384xf32, #tpu.memory_space<vmem>>[vector<16xi32>], vector<16xf32>,
        %scan3A_620 = arith.constant 0 : i32
        scf.yield %scan3A_620 : i32
      }
      %scan3A_174 = arith.constant 4 : i32
      %scan3A_175 = arith.constant 0 : i32
      scf.yield %scan3A_175 : i32
    }
    %scan3A_47 = arith.constant 16 : i32
    %eq3A = arith.constant 15 : i32
    %eq3A_48 = vector.broadcast %eq3A : i32 to vector<16xi32>
    %eq3A_49 = arith.cmpi eq, %iota3A, %eq3A_48 : vector<16xi32>
    %parallel_loop3A = arith.constant 0 : i32
    %parallel_loop3A_50 = arith.constant 128 : i32
    %parallel_loop3A_51 = arith.constant 1 : i32
    scf.for %parallel_loop3A_56 = %parallel_loop3A to %parallel_loop3A_50 step %parallel_loop3A_51  : i32 {
      %parallel_loop3A_57 = arith.constant 8 : i32
      %parallel_loop3A_58 = arith.muli %parallel_loop3A_56, %parallel_loop3A_57 : i32
      %parallel_loop3A_59 = arith.constant 0 : i32
      %parallel_loop3A_60 = arith.addi %parallel_loop3A_58, %parallel_loop3A_59 : i32
      %parallel_loop3A_61 = arith.constant 0 : i32
      %parallel_loop3A_62 = vector.broadcast %parallel_loop3A_61 : i32 to vector<16xi32>
      %parallel_loop3A_63 = vector.broadcast %parallel_loop3A_60 : i32 to vector<16xi32>
      %parallel_loop3A_64 = arith.addi %parallel_loop3A_62, %parallel_loop3A_63 : vector<16xi32>
      %parallel_loop3A_65 = arith.constant 16 : i32
      %parallel_loop3A_66 = arith.muli %parallel_loop3A_60, %parallel_loop3A_65 : i32
      %parallel_loop3A_67 = arith.index_cast %parallel_loop3A_66 : i32 to index
      %parallel_loop3A_68 = tpu.vector_load %arg8[%parallel_loop3A_67] {strides = array<i32>} : memref<16384xf32, #tpu.memory_space<vmem>>, vector<16xf32>,
      %parallel_loop3A_69 = arith.constant true
      %parallel_loop3A_70 = vector.broadcast %parallel_loop3A_69 : i1 to vector<16xi1>
      %parallel_loop3A_71 = tpu.scan <sum>, %parallel_loop3A_68 masked %parallel_loop3A_70 : vector<16xf32>, vector<16xi1> -> vector<16xf32>
      tpu.vector_store_idx %arg10[%parallel_loop3A_64], %parallel_loop3A_71 masked %eq3A_49 : memref<1024xf32, #tpu.memory_space<vmem>>[vector<16xi32>], vector<16xf32>, vector<16xi1>
      %parallel_loop3A_72 = arith.constant 16 : i32
      %parallel_loop3A_73 = arith.muli %parallel_loop3A_60, %parallel_loop3A_72 : i32
      %parallel_loop3A_74 = arith.index_cast %parallel_loop3A_73 : i32 to index
      %parallel_loop3A_75 = tpu.vector_load %arg9[%parallel_loop3A_74] {strides = array<i32>} : memref<16384xf32, #tpu.memory_space<vmem>>, vector<16xf32>,
      %parallel_loop3A_76 = arith.constant true
      %parallel_loop3A_77 = vector.broadcast %parallel_loop3A_76 : i1 to vector<16xi1>
      %parallel_loop3A_78 = tpu.scan <sum>, %parallel_loop3A_75 masked %parallel_loop3A_77 : vector<16xf32>, vector<16xi1> -> vector<16xf32>
      tpu.vector_store_idx %arg11[%parallel_loop3A_64], %parallel_loop3A_78 masked %eq3A_49 : memref<1024xf32, #tpu.memory_space<vmem>>[vector<16xi32>], vector<16xf32>, vector<16xi1>
      %parallel_loop3A_79 = arith.constant 8 : i32
      %parallel_loop3A_80 = arith.muli %parallel_loop3A_56, %parallel_loop3A_79 : i32
      %parallel_loop3A_81 = arith.constant 1 : i32
      %parallel_loop3A_82 = arith.addi %parallel_loop3A_80, %parallel_loop3A_81 : i32
      %parallel_loop3A_83 = arith.constant 0 : i32
      %parallel_loop3A_84 = vector.broadcast %parallel_loop3A_83 : i32 to vector<16xi32>
      %parallel_loop3A_85 = vector.broadcast %parallel_loop3A_82 : i32 to vector<16xi32>
      %parallel_loop3A_86 = arith.addi %parallel_loop3A_84, %parallel_loop3A_85 : vector<16xi32>
      %parallel_loop3A_87 = arith.constant 16 : i32
      %parallel_loop3A_88 = arith.muli %parallel_loop3A_82, %parallel_loop3A_87 : i32
      %parallel_loop3A_89 = arith.index_cast %parallel_loop3A_88 : i32 to index
      %parallel_loop3A_90 = tpu.vector_load %arg8[%parallel_loop3A_89] {strides = array<i32>} : memref<16384xf32, #tpu.memory_space<vmem>>, vector<16xf32>,
      %parallel_loop3A_91 = arith.constant true
      %parallel_loop3A_92 = vector.broadcast %parallel_loop3A_91 : i1 to vector<16xi1>
      %parallel_loop3A_93 = tpu.scan <sum>, %parallel_loop3A_90 masked %parallel_loop3A_92 : vector<16xf32>, vector<16xi1> -> vector<16xf32>
      tpu.vector_store_idx %arg10[%parallel_loop3A_86], %parallel_loop3A_93 masked %eq3A_49 : memref<1024xf32, #tpu.memory_space<vmem>>[vector<16xi32>], vector<16xf32>, vector<16xi1>
      %parallel_loop3A_94 = arith.constant 16 : i32
      %parallel_loop3A_95 = arith.muli %parallel_loop3A_82, %parallel_loop3A_94 : i32
      %parallel_loop3A_96 = arith.index_cast %parallel_loop3A_95 : i32 to index
      %parallel_loop3A_97 = tpu.vector_load %arg9[%parallel_loop3A_96] {strides = array<i32>} : memref<16384xf32, #tpu.memory_space<vmem>>, vector<16xf32>,
      %parallel_loop3A_98 = arith.constant true
      %parallel_loop3A_99 = vector.broadcast %parallel_loop3A_98 : i1 to vector<16xi1>
      %parallel_loop3A_100 = tpu.scan <sum>, %parallel_loop3A_97 masked %parallel_loop3A_99 : vector<16xf32>, vector<16xi1> -> vector<16xf32>
      tpu.vector_store_idx %arg11[%parallel_loop3A_86], %parallel_loop3A_100 masked %eq3A_49 : memref<1024xf32, #tpu.memory_space<vmem>>[vector<16xi32>], vector<16xf32>, vector<16xi1>
      %parallel_loop3A_101 = arith.constant 8 : i32
      %parallel_loop3A_102 = arith.muli %parallel_loop3A_56, %parallel_loop3A_101 : i32
      %parallel_loop3A_103 = arith.constant 2 : i32
      %parallel_loop3A_104 = arith.addi %parallel_loop3A_102, %parallel_loop3A_103 : i32
      %parallel_loop3A_105 = arith.constant 0 : i32
      %parallel_loop3A_106 = vector.broadcast %parallel_loop3A_105 : i32 to vector<16xi32>
      %parallel_loop3A_107 = vector.broadcast %parallel_loop3A_104 : i32 to vector<16xi32>
      %parallel_loop3A_108 = arith.addi %parallel_loop3A_106, %parallel_loop3A_107 : vector<16xi32>
      %parallel_loop3A_109 = arith.constant 16 : i32
      %parallel_loop3A_110 = arith.muli %parallel_loop3A_104, %parallel_loop3A_109 : i32
      %parallel_loop3A_111 = arith.index_cast %parallel_loop3A_110 : i32 to index
      %parallel_loop3A_112 = tpu.vector_load %arg8[%parallel_loop3A_111] {strides = array<i32>} : memref<16384xf32, #tpu.memory_space<vmem>>, vector<16xf32>,
      %parallel_loop3A_113 = arith.constant true
      %parallel_loop3A_114 = vector.broadcast %parallel_loop3A_113 : i1 to vector<16xi1>
      %parallel_loop3A_115 = tpu.scan <sum>, %parallel_loop3A_112 masked %parallel_loop3A_114 : vector<16xf32>, vector<16xi1> -> vector<16xf32>
      tpu.vector_store_idx %arg10[%parallel_loop3A_108], %parallel_loop3A_115 masked %eq3A_49 : memref<1024xf32, #tpu.memory_space<vmem>>[vector<16xi32>], vector<16xf32>, vector<16xi1>
      %parallel_loop3A_116 = arith.constant 16 : i32
      %parallel_loop3A_117 = arith.muli %parallel_loop3A_104, %parallel_loop3A_116 : i32
      %parallel_loop3A_118 = arith.index_cast %parallel_loop3A_117 : i32 to index
      %parallel_loop3A_119 = tpu.vector_load %arg9[%parallel_loop3A_118] {strides = array<i32>} : memref<16384xf32, #tpu.memory_space<vmem>>, vector<16xf32>,
      %parallel_loop3A_120 = arith.constant true
      %parallel_loop3A_121 = vector.broadcast %parallel_loop3A_120 : i1 to vector<16xi1>
      %parallel_loop3A_122 = tpu.scan <sum>, %parallel_loop3A_119 masked %parallel_loop3A_121 : vector<16xf32>, vector<16xi1> -> vector<16xf32>
      tpu.vector_store_idx %arg11[%parallel_loop3A_108], %parallel_loop3A_122 masked %eq3A_49 : memref<1024xf32, #tpu.memory_space<vmem>>[vector<16xi32>], vector<16xf32>, vector<16xi1>
      %parallel_loop3A_123 = arith.constant 8 : i32
      %parallel_loop3A_124 = arith.muli %parallel_loop3A_56, %parallel_loop3A_123 : i32
      %parallel_loop3A_125 = arith.constant 3 : i32
      %parallel_loop3A_126 = arith.addi %parallel_loop3A_124, %parallel_loop3A_125 : i32
      %parallel_loop3A_127 = arith.constant 0 : i32
      %parallel_loop3A_128 = vector.broadcast %parallel_loop3A_127 : i32 to vector<16xi32>
      %parallel_loop3A_129 = vector.broadcast %parallel_loop3A_126 : i32 to vector<16xi32>
      %parallel_loop3A_130 = arith.addi %parallel_loop3A_128, %parallel_loop3A_129 : vector<16xi32>
      %parallel_loop3A_131 = arith.constant 16 : i32
      %parallel_loop3A_132 = arith.muli %parallel_loop3A_126, %parallel_loop3A_131 : i32
      %parallel_loop3A_133 = arith.index_cast %parallel_loop3A_132 : i32 to index
      %parallel_loop3A_134 = tpu.vector_load %arg8[%parallel_loop3A_133] {strides = array<i32>} : memref<16384xf32, #tpu.memory_space<vmem>>, vector<16xf32>,
      %parallel_loop3A_135 = arith.constant true
      %parallel_loop3A_136 = vector.broadcast %parallel_loop3A_135 : i1 to vector<16xi1>
      %parallel_loop3A_137 = tpu.scan <sum>, %parallel_loop3A_134 masked %parallel_loop3A_136 : vector<16xf32>, vector<16xi1> -> vector<16xf32>
      tpu.vector_store_idx %arg10[%parallel_loop3A_130], %parallel_loop3A_137 masked %eq3A_49 : memref<1024xf32, #tpu.memory_space<vmem>>[vector<16xi32>], vector<16xf32>, vector<16xi1>
      %parallel_loop3A_138 = arith.constant 16 : i32
      %parallel_loop3A_139 = arith.muli %parallel_loop3A_126, %parallel_loop3A_138 : i32
      %parallel_loop3A_140 = arith.index_cast %parallel_loop3A_139 : i32 to index
      %parallel_loop3A_141 = tpu.vector_load %arg9[%parallel_loop3A_140] {strides = array<i32>} : memref<16384xf32, #tpu.memory_space<vmem>>, vector<16xf32>,
      %parallel_loop3A_142 = arith.constant true
      %parallel_loop3A_143 = vector.broadcast %parallel_loop3A_142 : i1 to vector<16xi1>
      %parallel_loop3A_144 = tpu.scan <sum>, %parallel_loop3A_141 masked %parallel_loop3A_143 : vector<16xf32>, vector<16xi1> -> vector<16xf32>
      tpu.vector_store_idx %arg11[%parallel_loop3A_130], %parallel_loop3A_144 masked %eq3A_49 : memref<1024xf32, #tpu.memory_space<vmem>>[vector<16xi32>], vector<16xf32>, vector<16xi1>
      %parallel_loop3A_145 = arith.constant 8 : i32
      %parallel_loop3A_146 = arith.muli %parallel_loop3A_56, %parallel_loop3A_145 : i32
      %parallel_loop3A_147 = arith.constant 4 : i32
      %parallel_loop3A_148 = arith.addi %parallel_loop3A_146, %parallel_loop3A_147 : i32
      %parallel_loop3A_149 = arith.constant 0 : i32
      %parallel_loop3A_150 = vector.broadcast %parallel_loop3A_149 : i32 to vector<16xi32>
      %parallel_loop3A_151 = vector.broadcast %parallel_loop3A_148 : i32 to vector<16xi32>
      %parallel_loop3A_152 = arith.addi %parallel_loop3A_150, %parallel_loop3A_151 : vector<16xi32>
      %parallel_loop3A_153 = arith.constant 16 : i32
      %parallel_loop3A_154 = arith.muli %parallel_loop3A_148, %parallel_loop3A_153 : i32
      %parallel_loop3A_155 = arith.index_cast %parallel_loop3A_154 : i32 to index
      %parallel_loop3A_156 = tpu.vector_load %arg8[%parallel_loop3A_155] {strides = array<i32>} : memref<16384xf32, #tpu.memory_space<vmem>>, vector<16xf32>,
      %parallel_loop3A_157 = arith.constant true
      %parallel_loop3A_158 = vector.broadcast %parallel_loop3A_157 : i1 to vector<16xi1>
      %parallel_loop3A_159 = tpu.scan <sum>, %parallel_loop3A_156 masked %parallel_loop3A_158 : vector<16xf32>, vector<16xi1> -> vector<16xf32>
      tpu.vector_store_idx %arg10[%parallel_loop3A_152], %parallel_loop3A_159 masked %eq3A_49 : memref<1024xf32, #tpu.memory_space<vmem>>[vector<16xi32>], vector<16xf32>, vector<16xi1>
      %parallel_loop3A_160 = arith.constant 16 : i32
      %parallel_loop3A_161 = arith.muli %parallel_loop3A_148, %parallel_loop3A_160 : i32
      %parallel_loop3A_162 = arith.index_cast %parallel_loop3A_161 : i32 to index
      %parallel_loop3A_163 = tpu.vector_load %arg9[%parallel_loop3A_162] {strides = array<i32>} : memref<16384xf32, #tpu.memory_space<vmem>>, vector<16xf32>,
      %parallel_loop3A_164 = arith.constant true
      %parallel_loop3A_165 = vector.broadcast %parallel_loop3A_164 : i1 to vector<16xi1>
      %parallel_loop3A_166 = tpu.scan <sum>, %parallel_loop3A_163 masked %parallel_loop3A_165 : vector<16xf32>, vector<16xi1> -> vector<16xf32>
      tpu.vector_store_idx %arg11[%parallel_loop3A_152], %parallel_loop3A_166 masked %eq3A_49 : memref<1024xf32, #tpu.memory_space<vmem>>[vector<16xi32>], vector<16xf32>, vector<16xi1>
      %parallel_loop3A_167 = arith.constant 8 : i32
      %parallel_loop3A_168 = arith.muli %parallel_loop3A_56, %parallel_loop3A_167 : i32
      %parallel_loop3A_169 = arith.constant 5 : i32
      %parallel_loop3A_170 = arith.addi %parallel_loop3A_168, %parallel_loop3A_169 : i32
      %parallel_loop3A_171 = arith.constant 0 : i32
      %parallel_loop3A_172 = vector.broadcast %parallel_loop3A_171 : i32 to vector<16xi32>
      %parallel_loop3A_173 = vector.broadcast %parallel_loop3A_170 : i32 to vector<16xi32>
      %parallel_loop3A_174 = arith.addi %parallel_loop3A_172, %parallel_loop3A_173 : vector<16xi32>
      %parallel_loop3A_175 = arith.constant 16 : i32
      %parallel_loop3A_176 = arith.muli %parallel_loop3A_170, %parallel_loop3A_175 : i32
      %parallel_loop3A_177 = arith.index_cast %parallel_loop3A_176 : i32 to index
      %parallel_loop3A_178 = tpu.vector_load %arg8[%parallel_loop3A_177] {strides = array<i32>} : memref<16384xf32, #tpu.memory_space<vmem>>, vector<16xf32>,
      %parallel_loop3A_179 = arith.constant true
      %parallel_loop3A_180 = vector.broadcast %parallel_loop3A_179 : i1 to vector<16xi1>
      %parallel_loop3A_181 = tpu.scan <sum>, %parallel_loop3A_178 masked %parallel_loop3A_180 : vector<16xf32>, vector<16xi1> -> vector<16xf32>
      tpu.vector_store_idx %arg10[%parallel_loop3A_174], %parallel_loop3A_181 masked %eq3A_49 : memref<1024xf32, #tpu.memory_space<vmem>>[vector<16xi32>], vector<16xf32>, vector<16xi1>
      %parallel_loop3A_182 = arith.constant 16 : i32
      %parallel_loop3A_183 = arith.muli %parallel_loop3A_170, %parallel_loop3A_182 : i32
      %parallel_loop3A_184 = arith.index_cast %parallel_loop3A_183 : i32 to index
      %parallel_loop3A_185 = tpu.vector_load %arg9[%parallel_loop3A_184] {strides = array<i32>} : memref<16384xf32, #tpu.memory_space<vmem>>, vector<16xf32>,
      %parallel_loop3A_186 = arith.constant true
      %parallel_loop3A_187 = vector.broadcast %parallel_loop3A_186 : i1 to vector<16xi1>
      %parallel_loop3A_188 = tpu.scan <sum>, %parallel_loop3A_185 masked %parallel_loop3A_187 : vector<16xf32>, vector<16xi1> -> vector<16xf32>
      tpu.vector_store_idx %arg11[%parallel_loop3A_174], %parallel_loop3A_188 masked %eq3A_49 : memref<1024xf32, #tpu.memory_space<vmem>>[vector<16xi32>], vector<16xf32>, vector<16xi1>
      %parallel_loop3A_189 = arith.constant 8 : i32
      %parallel_loop3A_190 = arith.muli %parallel_loop3A_56, %parallel_loop3A_189 : i32
      %parallel_loop3A_191 = arith.constant 6 : i32
      %parallel_loop3A_192 = arith.addi %parallel_loop3A_190, %parallel_loop3A_191 : i32
      %parallel_loop3A_193 = arith.constant 0 : i32
      %parallel_loop3A_194 = vector.broadcast %parallel_loop3A_193 : i32 to vector<16xi32>
      %parallel_loop3A_195 = vector.broadcast %parallel_loop3A_192 : i32 to vector<16xi32>
      %parallel_loop3A_196 = arith.addi %parallel_loop3A_194, %parallel_loop3A_195 : vector<16xi32>
      %parallel_loop3A_197 = arith.constant 16 : i32
      %parallel_loop3A_198 = arith.muli %parallel_loop3A_192, %parallel_loop3A_197 : i32
      %parallel_loop3A_199 = arith.index_cast %parallel_loop3A_198 : i32 to index
      %parallel_loop3A_200 = tpu.vector_load %arg8[%parallel_loop3A_199] {strides = array<i32>} : memref<16384xf32, #tpu.memory_space<vmem>>, vector<16xf32>,
      %parallel_loop3A_201 = arith.constant true
      %parallel_loop3A_202 = vector.broadcast %parallel_loop3A_201 : i1 to vector<16xi1>
      %parallel_loop3A_203 = tpu.scan <sum>, %parallel_loop3A_200 masked %parallel_loop3A_202 : vector<16xf32>, vector<16xi1> -> vector<16xf32>
      tpu.vector_store_idx %arg10[%parallel_loop3A_196], %parallel_loop3A_203 masked %eq3A_49 : memref<1024xf32, #tpu.memory_space<vmem>>[vector<16xi32>], vector<16xf32>, vector<16xi1>
      %parallel_loop3A_204 = arith.constant 16 : i32
      %parallel_loop3A_205 = arith.muli %parallel_loop3A_192, %parallel_loop3A_204 : i32
      %parallel_loop3A_206 = arith.index_cast %parallel_loop3A_205 : i32 to index
      %parallel_loop3A_207 = tpu.vector_load %arg9[%parallel_loop3A_206] {strides = array<i32>} : memref<16384xf32, #tpu.memory_space<vmem>>, vector<16xf32>,
      %parallel_loop3A_208 = arith.constant true
      %parallel_loop3A_209 = vector.broadcast %parallel_loop3A_208 : i1 to vector<16xi1>
      %parallel_loop3A_210 = tpu.scan <sum>, %parallel_loop3A_207 masked %parallel_loop3A_209 : vector<16xf32>, vector<16xi1> -> vector<16xf32>
      tpu.vector_store_idx %arg11[%parallel_loop3A_196], %parallel_loop3A_210 masked %eq3A_49 : memref<1024xf32, #tpu.memory_space<vmem>>[vector<16xi32>], vector<16xf32>, vector<16xi1>
      %parallel_loop3A_211 = arith.constant 8 : i32
      %parallel_loop3A_212 = arith.muli %parallel_loop3A_56, %parallel_loop3A_211 : i32
      %parallel_loop3A_213 = arith.constant 7 : i32
      %parallel_loop3A_214 = arith.addi %parallel_loop3A_212, %parallel_loop3A_213 : i32
      %parallel_loop3A_215 = arith.constant 0 : i32
      %parallel_loop3A_216 = vector.broadcast %parallel_loop3A_215 : i32 to vector<16xi32>
      %parallel_loop3A_217 = vector.broadcast %parallel_loop3A_214 : i32 to vector<16xi32>
      %parallel_loop3A_218 = arith.addi %parallel_loop3A_216, %parallel_loop3A_217 : vector<16xi32>
      %parallel_loop3A_219 = arith.constant 16 : i32
      %parallel_loop3A_220 = arith.muli %parallel_loop3A_214, %parallel_loop3A_219 : i32
      %parallel_loop3A_221 = arith.index_cast %parallel_loop3A_220 : i32 to index
      %parallel_loop3A_222 = tpu.vector_load %arg8[%parallel_loop3A_221] {strides = array<i32>} : memref<16384xf32, #tpu.memory_space<vmem>>, vector<16xf32>,
      %parallel_loop3A_223 = arith.constant true
      %parallel_loop3A_224 = vector.broadcast %parallel_loop3A_223 : i1 to vector<16xi1>
      %parallel_loop3A_225 = tpu.scan <sum>, %parallel_loop3A_222 masked %parallel_loop3A_224 : vector<16xf32>, vector<16xi1> -> vector<16xf32>
      tpu.vector_store_idx %arg10[%parallel_loop3A_218], %parallel_loop3A_225 masked %eq3A_49 : memref<1024xf32, #tpu.memory_space<vmem>>[vector<16xi32>], vector<16xf32>, vector<16xi1>
      %parallel_loop3A_226 = arith.constant 16 : i32
      %parallel_loop3A_227 = arith.muli %parallel_loop3A_214, %parallel_loop3A_226 : i32
      %parallel_loop3A_228 = arith.index_cast %parallel_loop3A_227 : i32 to index
      %parallel_loop3A_229 = tpu.vector_load %arg9[%parallel_loop3A_228] {strides = array<i32>} : memref<16384xf32, #tpu.memory_space<vmem>>, vector<16xf32>,
      %parallel_loop3A_230 = arith.constant true
      %parallel_loop3A_231 = vector.broadcast %parallel_loop3A_230 : i1 to vector<16xi1>
      %parallel_loop3A_232 = tpu.scan <sum>, %parallel_loop3A_229 masked %parallel_loop3A_231 : vector<16xf32>, vector<16xi1> -> vector<16xf32>
      tpu.vector_store_idx %arg11[%parallel_loop3A_218], %parallel_loop3A_232 masked %eq3A_49 : memref<1024xf32, #tpu.memory_space<vmem>>[vector<16xi32>], vector<16xf32>, vector<16xi1>
    } {sc.loop_unroll_factor = 2 : i64, sc.parallel_access}
    %mul3A_52 = arith.constant 1024 : i32
    %mul3A_53 = arith.muli %add3A, %mul3A_52 : i32
    "tpu.region"() ({
      %run_scoped3A = tpu.sem_alloc : memref<!tpu.dma_semaphore, #tpu.memory_space<semaphore_mem>>
      %dma_start3A_56 = tpu.memref_slice %arg4[%mul3A_53] : memref<32768xf32, #tpu.memory_space<hbm>> -> memref<1024xf32, #tpu.memory_space<hbm>>
      %dma_start3A_57 = tpu.memref_slice %arg4[%mul3A_53] : memref<32768xf32, #tpu.memory_space<hbm>> -> memref<1024xf32, #tpu.memory_space<hbm>>
      tpu.enqueue_dma source(%arg10 : memref<1024xf32, #tpu.memory_space<vmem>>) target(%dma_start3A_57 : memref<1024xf32, #tpu.memory_space<hbm>>) target_semaphore(%run_scoped3A : memref<!tpu.dma_semaphore, #tpu.memory_space<semaphore_mem>>)
      %dma_wait3A = tpu.memref_slice %arg4[%mul3A_53] : memref<32768xf32, #tpu.memory_space<hbm>> -> memref<1024xf32, #tpu.memory_space<hbm>>
      %dma_wait3A_58 = tpu.memref_slice %arg4[%mul3A_53] : memref<32768xf32, #tpu.memory_space<hbm>> -> memref<1024xf32, #tpu.memory_space<hbm>>
      tpu.wait_dma2 semaphore(%run_scoped3A : memref<!tpu.dma_semaphore, #tpu.memory_space<semaphore_mem>>) src(%arg10 : memref<1024xf32, #tpu.memory_space<vmem>>) dst(%dma_wait3A_58 : memref<1024xf32, #tpu.memory_space<hbm>>)
      tpu.yield
    }) : () -> ()
    %mul3A_54 = arith.constant 1024 : i32
    %mul3A_55 = arith.muli %add3A, %mul3A_54 : i32
    "tpu.region"() ({
      %run_scoped3A = tpu.sem_alloc : memref<!tpu.dma_semaphore, #tpu.memory_space<semaphore_mem>>
      %dma_start3A_56 = tpu.memref_slice %arg5[%mul3A_55] : memref<32768xf32, #tpu.memory_space<hbm>> -> memref<1024xf32, #tpu.memory_space<hbm>>
      %dma_start3A_57 = tpu.memref_slice %arg5[%mul3A_55] : memref<32768xf32, #tpu.memory_space<hbm>> -> memref<1024xf32, #tpu.memory_space<hbm>>
      tpu.enqueue_dma source(%arg11 : memref<1024xf32, #tpu.memory_space<vmem>>) target(%dma_start3A_57 : memref<1024xf32, #tpu.memory_space<hbm>>) target_semaphore(%run_scoped3A : memref<!tpu.dma_semaphore, #tpu.memory_space<semaphore_mem>>)
      %dma_wait3A = tpu.memref_slice %arg5[%mul3A_55] : memref<32768xf32, #tpu.memory_space<hbm>> -> memref<1024xf32, #tpu.memory_space<hbm>>
      %dma_wait3A_58 = tpu.memref_slice %arg5[%mul3A_55] : memref<32768xf32, #tpu.memory_space<hbm>> -> memref<1024xf32, #tpu.memory_space<hbm>>
      tpu.wait_dma2 semaphore(%run_scoped3A : memref<!tpu.dma_semaphore, #tpu.memory_space<semaphore_mem>>) src(%arg11 : memref<1024xf32, #tpu.memory_space<vmem>>) dst(%dma_wait3A_58 : memref<1024xf32, #tpu.memory_space<hbm>>)
      tpu.yield
    }) : () -> ()
    return
  }
}

module attributes {stable_mosaic.version = 14 : i64} {
  func.func @_tc_body(%arg0: memref<4x8x1024xf32, #tpu.memory_space<vmem>>, %arg1: memref<4x8x1024xf32, #tpu.memory_space<vmem>>, %arg2: memref<1x1xf32, #tpu.memory_space<vmem>>) attributes {dimension_semantics = [], scalar_prefetch = 0 : i64, scratch_operands = 0 : i64, tpu.core_type = #tpu.core_type<tc>} {
    %get3A = arith.constant 0 : index
    %get3A_0 = arith.constant 0 : index
    %get3A_1 = arith.constant 0 : index
    %get3A_2 = vector.load %arg0[%get3A, %get3A_0, %get3A_1] : memref<4x8x1024xf32, #tpu.memory_space<vmem>>, vector<4x8x1024xf32>
    %get3A_3 = arith.constant 0 : index
    %get3A_4 = arith.constant 0 : index
    %get3A_5 = arith.constant 0 : index
    %get3A_6 = vector.load %arg1[%get3A_3, %get3A_4, %get3A_5] : memref<4x8x1024xf32, #tpu.memory_space<vmem>>, vector<4x8x1024xf32>
    %reduce_sum3A = arith.constant dense<0.000000e+00> : vector<4x1024xf32>
    %reduce_sum3A_7 = vector.multi_reduction <add>, %get3A_2, %reduce_sum3A [1] : vector<4x8x1024xf32> to vector<4x1024xf32>
    %reduce_sum3A_8 = arith.constant dense<0.000000e+00> : vector<4x1024xf32>
    %reduce_sum3A_9 = vector.multi_reduction <add>, %get3A_6, %reduce_sum3A_8 [1] : vector<4x8x1024xf32> to vector<4x1024xf32>
    %iota3A = tpu.iota {dimensions = array<i32: 0>} : vector<128x128xi32>
    %iota3A_10 = tpu.iota {dimensions = array<i32: 1>} : vector<128x128xi32>
    %ge3A = arith.cmpi sge, %iota3A, %iota3A_10 : vector<128x128xi32>
    %convert_element_type3A = arith.extui %ge3A : vector<128x128xi1> to vector<128x128xi32>
    %convert_element_type3A_11 = arith.sitofp %convert_element_type3A : vector<128x128xi32> to vector<128x128xf32>
    %reshape3A = vector.shape_cast %reduce_sum3A_7 : vector<4x1024xf32> to vector<32x128xf32>
    %dot_general3A = arith.constant dense<0.000000e+00> : vector<32x128xf32>
    %dot_general3A_12 = tpu.matmul %reshape3A, %convert_element_type3A_11, %dot_general3A {dimension_numbers = #tpu.dot_dimension_numbers<[1], [0], [0], [1], [0, 0, 1, 1], [], []>, precision = #tpu.contract_precision<fp32>, transpose_lhs_hint = false} : vector<32x128xf32>, vector<128x128xf32>, vector<32x128xf32> -> vector<32x128xf32>
    %reshape3A_13 = vector.shape_cast %dot_general3A_12 : vector<32x128xf32> to vector<4x8x128xf32>
    %reshape3A_14 = vector.shape_cast %reduce_sum3A_7 : vector<4x1024xf32> to vector<4x8x128xf32>
    %reduce_sum3A_15 = arith.constant dense<0.000000e+00> : vector<4x8xf32>
    %reduce_sum3A_16 = vector.multi_reduction <add>, %reshape3A_14, %reduce_sum3A_15 [2] : vector<4x8x128xf32> to vector<4x8xf32>
    %iota3A_17 = tpu.iota {dimensions = array<i32: 0>} : vector<8x8xi32>
    %iota3A_18 = tpu.iota {dimensions = array<i32: 1>} : vector<8x8xi32>
    %ge3A_19 = arith.cmpi sge, %iota3A_17, %iota3A_18 : vector<8x8xi32>
    %convert_element_type3A_20 = arith.extui %ge3A_19 : vector<8x8xi1> to vector<8x8xi32>
    %convert_element_type3A_21 = arith.sitofp %convert_element_type3A_20 : vector<8x8xi32> to vector<8x8xf32>
    %dot_general3A_22 = arith.constant dense<0.000000e+00> : vector<4x8xf32>
    %dot_general3A_23 = tpu.matmul %reduce_sum3A_16, %convert_element_type3A_21, %dot_general3A_22 {dimension_numbers = #tpu.dot_dimension_numbers<[1], [0], [0], [1], [0, 0, 1, 1], [], []>, precision = #tpu.contract_precision<fp32>, transpose_lhs_hint = false} : vector<4x8xf32>, vector<8x8xf32>, vector<4x8xf32> -> vector<4x8xf32>
    %sub3A = arith.subf %dot_general3A_23, %reduce_sum3A_16 : vector<4x8xf32>
    %reshape3A_24 = vector.shape_cast %sub3A : vector<4x8xf32> to vector<4x8x1xf32>
    %add3A = vector.broadcast %reshape3A_24 : vector<4x8x1xf32> to vector<4x8x128xf32>
    %add3A_25 = arith.addf %reshape3A_13, %add3A : vector<4x8x128xf32>
    %reshape3A_26 = vector.shape_cast %add3A_25 : vector<4x8x128xf32> to vector<4x1024xf32>
    %iota3A_27 = tpu.iota {dimensions = array<i32: 1>} : vector<4x1024xi32>
    %ge3A_28 = arith.constant 2.097150e+05 : f32
    %ge3A_29 = vector.broadcast %ge3A_28 : f32 to vector<4x1024xf32>
    %ge3A_30 = arith.cmpf oge, %reshape3A_26, %ge3A_29 : vector<4x1024xf32>
    %jit3A = arith.constant -1 : i32
    %broadcast_in_dim3A = vector.broadcast %jit3A : i32 to vector<4x1024xi32>
    %select_n3A = arith.select %ge3A_30, %iota3A_27, %broadcast_in_dim3A : vector<4x1024xi1>, vector<4x1024xi32>
    %reduce_max3A = arith.constant dense<-2147483648> : vector<4xi32>
    %reduce_max3A_31 = vector.multi_reduction <maxsi>, %select_n3A, %reduce_max3A [1] : vector<4x1024xi32> to vector<4xi32>
    %broadcast_in_dim3A_32 = vector.shape_cast %reduce_max3A_31 : vector<4xi32> to vector<4x1xi32>
    %eq3A = vector.broadcast %broadcast_in_dim3A_32 : vector<4x1xi32> to vector<4x1024xi32>
    %eq3A_33 = arith.cmpi eq, %iota3A_27, %eq3A : vector<4x1024xi32>
    %jit3A_34 = arith.constant 0.000000e+00 : f32
    %broadcast_in_dim3A_35 = vector.broadcast %jit3A_34 : f32 to vector<4x1024xf32>
    %select_n3A_36 = arith.select %eq3A_33, %reduce_sum3A_7, %broadcast_in_dim3A_35 : vector<4x1024xi1>, vector<4x1024xf32>
    %reduce_sum3A_37 = arith.constant dense<0.000000e+00> : vector<4xf32>
    %reduce_sum3A_38 = vector.multi_reduction <add>, %select_n3A_36, %reduce_sum3A_37 [1] : vector<4x1024xf32> to vector<4xf32>
    %broadcast_in_dim3A_39 = vector.shape_cast %reduce_sum3A_38 : vector<4xf32> to vector<4x1xf32>
    %jit3A_40 = arith.constant 0.000000e+00 : f32
    %broadcast_in_dim3A_41 = vector.broadcast %jit3A_40 : f32 to vector<4x1024xf32>
    %select_n3A_42 = arith.select %eq3A_33, %reduce_sum3A_9, %broadcast_in_dim3A_41 : vector<4x1024xi1>, vector<4x1024xf32>
    %reduce_sum3A_43 = arith.constant dense<0.000000e+00> : vector<4xf32>
    %reduce_sum3A_44 = vector.multi_reduction <add>, %select_n3A_42, %reduce_sum3A_43 [1] : vector<4x1024xf32> to vector<4xf32>
    %broadcast_in_dim3A_45 = vector.shape_cast %reduce_sum3A_44 : vector<4xf32> to vector<4x1xf32>
    %jit3A_46 = arith.constant 0.000000e+00 : f32
    %broadcast_in_dim3A_47 = vector.broadcast %jit3A_46 : f32 to vector<4x1024xf32>
    %select_n3A_48 = arith.select %eq3A_33, %reshape3A_26, %broadcast_in_dim3A_47 : vector<4x1024xi1>, vector<4x1024xf32>
    %reduce_sum3A_49 = arith.constant dense<0.000000e+00> : vector<4xf32>
    %reduce_sum3A_50 = vector.multi_reduction <add>, %select_n3A_48, %reduce_sum3A_49 [1] : vector<4x1024xf32> to vector<4xf32>
    %broadcast_in_dim3A_51 = vector.shape_cast %reduce_sum3A_50 : vector<4xf32> to vector<4x1xf32>
    %gt3A = vector.broadcast %broadcast_in_dim3A_32 : vector<4x1xi32> to vector<4x1024xi32>
    %gt3A_52 = arith.cmpi sgt, %iota3A_27, %gt3A : vector<4x1024xi32>
    %jit3A_53 = arith.constant 0.000000e+00 : f32
    %broadcast_in_dim3A_54 = vector.broadcast %jit3A_53 : f32 to vector<4x1024xf32>
    %select_n3A_55 = arith.select %gt3A_52, %reduce_sum3A_9, %broadcast_in_dim3A_54 : vector<4x1024xi1>, vector<4x1024xf32>
    %reduce_sum3A_56 = arith.constant dense<0.000000e+00> : vector<4xf32>
    %reduce_sum3A_57 = vector.multi_reduction <add>, %select_n3A_55, %reduce_sum3A_56 [1] : vector<4x1024xf32> to vector<4xf32>
    %broadcast_in_dim3A_58 = vector.shape_cast %reduce_sum3A_57 : vector<4xf32> to vector<4x1xf32>
    %sub3A_59 = arith.subf %broadcast_in_dim3A_51, %broadcast_in_dim3A_39 : vector<4x1xf32>
    %sub3A_60 = arith.constant 2.097150e+05 : f32
    %sub3A_61 = vector.broadcast %sub3A_60 : f32 to vector<4x1xf32>
    %sub3A_62 = arith.subf %sub3A_61, %sub3A_59 : vector<4x1xf32>
    %div3A = arith.divf %broadcast_in_dim3A_45, %broadcast_in_dim3A_39 : vector<4x1xf32>
    %shift_left3A = arith.constant 21 : i32
    %shift_left3A_63 = vector.broadcast %shift_left3A : i32 to vector<4x1xi32>
    %shift_left3A_64 = arith.shli %broadcast_in_dim3A_32, %shift_left3A_63 : vector<4x1xi32>
    %bitcast_convert_type3A = tpu.bitcast %shift_left3A_64 : vector<4x1xi32> -> vector<4x1xf32>
    %add3A_65 = arith.constant 1 : i32
    %add3A_66 = vector.broadcast %add3A_65 : i32 to vector<4x1xi32>
    %add3A_67 = arith.addi %broadcast_in_dim3A_32, %add3A_66 : vector<4x1xi32>
    %shift_left3A_68 = arith.constant 21 : i32
    %shift_left3A_69 = vector.broadcast %shift_left3A_68 : i32 to vector<4x1xi32>
    %shift_left3A_70 = arith.shli %add3A_67, %shift_left3A_69 : vector<4x1xi32>
    %bitcast_convert_type3A_71 = tpu.bitcast %shift_left3A_70 : vector<4x1xi32> -> vector<4x1xf32>
    %sub3A_72 = arith.subf %div3A, %bitcast_convert_type3A : vector<4x1xf32>
    %sub3A_73 = arith.subf %bitcast_convert_type3A_71, %div3A : vector<4x1xf32>
    %min3A = arith.minimumf %sub3A_72, %sub3A_73 : vector<4x1xf32>
    %max3A = arith.constant 0.000000e+00 : f32
    %max3A_74 = vector.broadcast %max3A : f32 to vector<4x1xf32>
    %max3A_75 = arith.maximumf %min3A, %max3A_74 : vector<4x1xf32>
    %div3A_76 = arith.divf %sub3A_62, %broadcast_in_dim3A_39 : vector<4x1xf32>
    %sub3A_77 = arith.constant 1.000000e+00 : f32
    %sub3A_78 = vector.broadcast %sub3A_77 : f32 to vector<4x1xf32>
    %sub3A_79 = arith.subf %sub3A_78, %div3A_76 : vector<4x1xf32>
    %mul3A = arith.mulf %max3A_75, %sub3A_79 : vector<4x1xf32>
    %add3A_80 = arith.addf %div3A, %mul3A : vector<4x1xf32>
    %mul3A_81 = arith.mulf %sub3A_62, %add3A_80 : vector<4x1xf32>
    %add3A_82 = arith.addf %broadcast_in_dim3A_58, %mul3A_81 : vector<4x1xf32>
    %reduce_sum3A_83 = vector.shape_cast %add3A_82 : vector<4x1xf32> to vector<1x4x1xf32>
    %reduce_sum3A_84 = arith.constant dense<0.000000e+00> : vector<1xf32>
    %reduce_sum3A_85 = vector.multi_reduction <add>, %reduce_sum3A_83, %reduce_sum3A_84 [1, 2] : vector<1x4x1xf32> to vector<1xf32>
    %reduce_sum3A_86 = vector.shape_cast %reduce_sum3A_85 : vector<1xf32> to vector<1x1x1xf32>
    %reduce_sum3A_87 = vector.extract %reduce_sum3A_86[0, 0, 0] : f32 from vector<1x1x1xf32>
    %broadcast_in_dim3A_88 = vector.broadcast %reduce_sum3A_87 : f32 to vector<1x1xf32>
    %div3A_89 = arith.constant 8.388600e+05 : f32
    %div3A_90 = vector.broadcast %div3A_89 : f32 to vector<1x1xf32>
    %div3A_91 = arith.divf %broadcast_in_dim3A_88, %div3A_90 : vector<1x1xf32>
    %swap3A = arith.constant 0 : index
    %swap3A_92 = arith.constant 0 : index
    %swap3A_93 = vector.load %arg2[%swap3A, %swap3A_92] : memref<1x1xf32, #tpu.memory_space<vmem>>, vector<1x1xf32>
    tpu.vector_store %arg2[%swap3A, %swap3A_92], %div3A_91 {strides = array<i32>} : memref<1x1xf32, #tpu.memory_space<vmem>>, vector<1x1xf32>,
    return
  }
}

</mosaic_0001>

<sc_bundles>
// kernel: kernel.4.cloned.1.call-start
scs
__scs_entry_jumppad:
0x0: {  	(pc) =	sbr.rel $0x88, $3  }
0x1: {  	(tag) =	ssettag $0x0;
	lr =	simm.s32 $0x1  }
0x2: {  	[smem:$0x3F9F] =	sst lr;
	_ =	strace $0xD0000000  }
0x3: {  	_ = 	snop  }
0x4: {  	_ = 	snop  }
0x5: {  	_ = 	snop  }
0x6: {  	_ = 	snop  }
0x7: {  	_ = 	snop  }
__scs_overlays_trampoline_lowered:
0x8: {  	[smem:$0x3FAE] =	sst s0  }
0x9: {  	[smem:$0x3FAF] =	sst s1  }
0xa: {  	[smem:$0x3FB0] =	sst s2  }
0xb: {  	[smem:$0x3FB1] =	sst s3  }
0xc: {  	[smem:$0x3FB2] =	sst s4  }
0xd: {  	[smem:$0x3FB3] =	sst s5  }
0xe: {  	[smem:$0x3FB4] =	sst s6  }
0xf: {  	[smem:$0x3FB5] =	sst s7  }
0x10: {  	[smem:$0x3FB6] =	sst s8  }
0x11: {  	[smem:$0x3FB7] =	sst s9;
	s0 =	simm.s32 @!p0 $0x0  }
0x12: {  	s1 =	sld [smem:$0x3F9D];
	s0 =	simm.s32 @p0 $0x1  }
0x13: {  	[smem:$0x3FB8] =	sst s0;
	s0 =	simm.s32 @!p1 $0x0  }
0x14: {  	s2 =	sld [smem:$0x3F9C];
	s0 =	simm.s32 @p1 $0x1  }
0x15: {  	[smem:$0x3FB9] =	sst s0;
	s0 =	simm.s32 @!p2 $0x0  }
0x16: {  	s3 =	sld [smem:$0x3FDB];
	s0 =	simm.s32 @p2 $0x1  }
0x17: {  	s4 =	simm.s32 $0x1BF5;
	[smem:$0x3FBB] =	sst s0  }
0x18: {  	s0 =	sld [smem:$0x3F9E];
	_ =	swait.ge [sflag:s4], $0x0  }
0x19: {  	s7 =	sld [smem:$0x3F9F]  }
0x1a: {  	s8 =	sadd.s32 $0xFFFFE003, lr  }
0x1b: {  	s9 =	sadd.s32 $0xFFFFFEF7, lr;
	s5 =	simm.s32 $0xFFFFFFFF;
	p2 =	slt.u32 s8, $0xFFFFF086  }
0x1c: {  	p1 =	slt.u32 s9, $0xF7A;
	s5 =	simm.s32 @!p2 $0x0  }
0x1d: {  	s5 =	simm.s32 @p1 $0x1;
	p0 =	seq.s32 s7, s2  }
0x1e: {  	s7 =	smul.u32 @!p0 $0xF7A, s2;
	p2 =	seq.s32 @!p0 s5, $0x0  }
0x1f: {  	s9 =	smul.u32 $0xF7A, s1;
	s8 =	simm.s32 @!p0 $0x1BF5;
	p2 =	por !p2, p0  }
0x20: {  	[sflag:s8] =	ssyncset.s32 @!p0 $0xFFFFF086;
	s6 =	sadd.s32 @!p0 s3, s7;
	s7 =	simm.s32 @!p0 $0x108  }
0x21: {  	s3 =	sadd.s32 s3, s9;
	s6 =	sadd.s32 @!p0 $0x88, s6;
	s7 =	simm.s32 @p2 $0x1082  }
0x22: {  	[simem:s7], [sflag:s8] =	dma.local @!p0 [hbm:s6], $0xF7A  }
0x23: {  	s9 =	sor.u32 $0xD0000000, s2;
	s6 =	simm.s32 $0x108;
	_ =	swait.ge @!p0 [sflag:s8], $0x0  }
0x24: {  	s3 =	sadd.s32 $0x88, s3;
	s6 =	simm.s32 @!p1 $0x1082;
	[sflag:s4] =	ssyncset.s32 $0xFFFFF086  }
0x25: {  	[simem:s6], [sflag:s4] =	dma.local [hbm:s3], $0xF7A  }
0x26: {  	[smem:$0x3F9F] =	sst s1;
	(tag) =	ssettag s2;
	_ =	strace s9  }
0x27: {  	s1 =	sld [smem:$0x3FAF]  }
0x28: {  	s2 =	sld [smem:$0x3FB0]  }
0x29: {  	s4 =	sld [smem:$0x3FB2]  }
0x2a: {  	p0 =	seq.s32 s5, $0x0;
	s5 =	sld [smem:$0x3FB3]  }
0x2b: {  	s6 =	sld [smem:$0x3FB4]  }
0x2c: {  	s7 =	sld [smem:$0x3FB5]  }
0x2d: {  	s3 =	simm.s32 $0x108;
	s8 =	sld [smem:$0x3FB6]  }
0x2e: {  	s3 =	simm.s32 @!p0 $0x1082;
	s9 =	sld [smem:$0x3FB7]  }
0x2f: {  	lr =	sadd.s32 s0, s3;
	s0 =	sld [smem:$0x3FAE]  }
0x30: {  	s3 =	sld [smem:$0x3FB1]  }
0x31: {  	[smem:$0x3FBA] =	sst s10  }
0x32: {  	s10 =	sld [smem:$0x3FB8];
	_ =	sdelay $0x3  }
0x33: {  	p0 =	seq.s32 s10, $0x1;
	s10 =	sld [smem:$0x3FBA];
	_ =	sdelay $0x3  }
0x34: {  	[smem:$0x3FBA] =	sst s10  }
0x35: {  	s10 =	sld [smem:$0x3FB9];
	_ =	sdelay $0x3  }
0x36: {  	p1 =	seq.s32 s10, $0x1;
	s10 =	sld [smem:$0x3FBA];
	_ =	sdelay $0x3  }
0x37: {  	[smem:$0x3FBA] =	sst s10  }
0x38: {  	s10 =	sld [smem:$0x3FBB]  }
0x39: {  	_ = 	snop;
	(pc) =	sbr.ind lr, $3  }
0x3a: {  	_ = 	snop  }
0x3b: {  	_ = 	snop  }
0x3c: {  	p2 =	seq.s32 s10, $0x1;
	s10 =	sld [smem:$0x3FBA]  }
0x3d: {  	_ =	shalt  }
0x3e: {  	_ =	shalt  }
0x3f: {  	_ =	shalt  }
0x40: {  	_ =	shalt  }
0x41: {  	_ =	shalt  }
0x42: {  	_ =	shalt  }
0x43: {  	_ =	shalt  }
0x44: {  	_ =	shalt  }
0x45: {  	_ =	shalt  }
0x46: {  	_ =	shalt  }
0x47: {  	_ =	shalt  }
0x48: {  	_ =	shalt  }
0x49: {  	_ =	shalt  }
0x4a: {  	_ =	shalt  }
0x4b: {  	_ =	shalt  }
0x4c: {  	_ =	shalt  }
0x4d: {  	_ =	shalt  }
0x4e: {  	_ =	shalt  }
0x4f: {  	_ =	shalt  }
0x50: {  	_ =	shalt  }
0x51: {  	_ =	shalt  }
0x52: {  	_ =	shalt  }
0x53: {  	_ =	shalt  }
0x54: {  	_ =	shalt  }
0x55: {  	_ =	shalt  }
0x56: {  	_ =	shalt  }
0x57: {  	_ =	shalt  }
0x58: {  	_ =	shalt  }
0x59: {  	_ =	shalt  }
0x5a: {  	_ =	shalt  }
0x5b: {  	_ =	shalt  }
0x5c: {  	_ =	shalt  }
0x5d: {  	_ =	shalt  }
0x5e: {  	_ =	shalt  }
0x5f: {  	_ =	shalt  }
0x60: {  	_ =	shalt  }
0x61: {  	_ =	shalt  }
0x62: {  	_ =	shalt  }
0x63: {  	_ =	shalt  }
0x64: {  	_ =	shalt  }
0x65: {  	_ =	shalt  }
0x66: {  	_ =	shalt  }
0x67: {  	_ =	shalt  }
0x68: {  	_ =	shalt  }
0x69: {  	_ =	shalt  }
0x6a: {  	_ =	shalt  }
0x6b: {  	_ =	shalt  }
0x6c: {  	_ =	shalt  }
0x6d: {  	_ =	shalt  }
0x6e: {  	_ =	shalt  }
0x6f: {  	_ =	shalt  }
0x70: {  	_ =	shalt  }
0x71: {  	_ =	shalt  }
0x72: {  	_ =	shalt  }
0x73: {  	_ =	shalt  }
0x74: {  	_ =	shalt  }
0x75: {  	_ =	shalt  }
0x76: {  	_ =	shalt  }
0x77: {  	_ =	shalt  }
0x78: {  	_ =	shalt  }
0x79: {  	_ =	shalt  }
0x7a: {  	_ =	shalt  }
0x7b: {  	_ =	shalt  }
0x7c: {  	_ =	shalt  }
0x7d: {  	_ =	shalt  }
0x7e: {  	_ =	shalt  }
0x7f: {  	_ =	shalt  }
0x80: {  	_ =	shalt  }
0x81: {  	_ =	shalt  }
0x82: {  	_ =	shalt  }
0x83: {  	_ =	shalt  }
0x84: {  	_ =	shalt  }
0x85: {  	_ =	shalt  }
0x86: {  	_ =	shalt  }
0x87: {  	_ =	shalt  }
.Lfunc_end0:
.L_simem_size_0:
called_computation_lowered:
.L_overlay_start_0:
0x88: {  	s2 =	sld [smem:$0x3FD9]  }
0x89: {  	s3 =	sld [smem:$0x3FFE];
	_ =	sdelay $0x1  }
0x8a: {  	s1 =	srdreg.scid  }
0x8b: {  	s0 =	sand.u32 $0x1, s1  }
0x8c: {  	s17 =	sshll.u32 s0, $0xA;
	s2 =	sadd.s32 s3, s2  }
0x8d: {  	s2 =	sadd.s32 s2, s17  }
0x8e: {  	[smem:$0x3FC6] =	sst s2  }
0x8f: {  	_ = 	snop  }
0x90: {  	s2 =	sld [smem:$0x3FC9]  }
0x91: {  	s18 =	sld [smem:$0x3FC8];
	(tm) =	ssettm $0x1  }
0x92: {  	s4 =	sld [smem:$0x3FFB];
	_ =	sdelay $0x3  }
0x93: {  	_ =	strace s4  }
0x94: {  	s4 =	sld [smem:$0x3FFC];
	_ =	sdelay $0x3  }
0x95: {  	_ =	strace s4  }
0x96: {  	s4 =	sld [smem:$0x3FFD];
	_ =	sdelay $0x3  }
0x97: {  	_ =	strace s4  }
0x98: {  	_ =	strace $0x8FFFFFFF  }
0x99: {  	s19 =	sld [smem:$0x3FDB];
	_ =	sdelay $0x1  }
0x9a: {  	s5 =	simm.s32 $_scs_section_size  }
0x9b: {  	s6 =	simm.s32 $_size__tile_overlayer_lowered;
	s7 =	simm.s32 $_tile_overlayer_lowered  }
0x9c: {  	s22 =	simm.s32 $0x1BFF;
	s21 =	sshll.u32 s7, $0x1;
	s4 =	sadd.s32 s5, s19  }
0x9d: {  	s8 =	simm.s32 $0x0;
	s20 =	sshll.u32 s6, $0x1;
	s6 =	sadd.s32 s21, s4  }
0x9e: {  	[timem:s8], [sflag:s22] =	dma.local [hbm:s6], s20  }
0x9f: {  	_ =	swait.ge [sflag:s22], s20  }
0xa0: {  	s5 =	ssub.s32 $0x0, s20;
	[sflag:s22] =	ssyncset.done $0x0  }
0xa1: {  	[sflag:s22] =	ssyncadd.s32 s5;
	_ =	sdelay $0x1  }
0xa2: {  	s23 =	simm.s32 $0x1B8B  }
0xa3: {  	_ =	swait.ge [sflag:s23], $0x1  }
0xa4: {  	[sflag:s23] =	ssyncset.done $0x0  }
0xa5: {  	s25 =	simm.s32 $0x1B8E;
	s24 =	sld [smem:$0x3FFE];
	[sflag:s23] =	ssyncadd.s32 $0xFFFFFFFF  }
0xa6: {  	s26 =	simm.s32 $execute0_lowered;
	[smem:$0x3FD2] =	sst s25  }
0xa7: {  	s6 =	sshll.u32 s26, $0x1;
	_ =	strace $0x80000046;
	[dreg:$0x1] =	wrdreg $0xFFFFFFFF  }
0xa8: {  	s28 =	simm.s32 $_size_execute0_lowered;
	s4 =	sadd.s32 s4, s6;
	[dreg:$0x0] =	wrdreg $0x0  }
0xa9: {  	s6 =	sshll.u32 s28, $0x1;
	[dreg:$0x2] =	wrdreg s4  }
0xaa: {  	[dreg:$0x3] =	wrdreg s6  }
0xab: {  	[dreg:$0x4] =	wrdreg $0xC0  }
0xac: {  	_ =	task [dreg:s8], $0x5FFFF  }
0xad: {  	[dreg:$0x1] =	wrdreg $0xFFFFFFFF  }
0xae: {  	[dreg:$0x0] =	wrdreg $0x60  }
0xaf: {  	[dreg:$0x2] =	wrdreg s2  }
0xb0: {  	[dreg:$0x3] =	wrdreg s18  }
0xb1: {  	[dreg:$0x4] =	wrdreg s24  }
0xb2: {  	[dreg:$0x5] =	wrdreg $0x9  }
0xb3: {  	_ =	task.clear_ibuf [dreg:s8], $0x6FFFF;
	_ =	strace $0x90000046  }
0xb4: {  	s29 =	simm.s32 $0x9;
	_ =	strace $0x80000048  }
0xb5: {  	_ =	swait.ge [sflag:s29], $0x1  }
0xb6: {  	[sflag:s29] =	ssyncadd.s32 $0xFFFFFFFF  }
0xb7: {  	_ =	strace $0x90000048  }
0xb8: {  	_ =	sfence  }
0xb9: {  	s30 =	sld [smem:$0x0];
	_ =	sdelay $0x2  }
0xba: {  	s31 =	sshll.u32 s1, $0xD;
	s1 =	sshrl.u32 s1, $0x2  }
0xbb: {  	s3 =	sand.u32 $0x4000, s31;
	s1 =	sadd.s32 s1, s30  }
0xbc: {  	s0 =	sor.u32 s3, s0;
	s1 =	sshll.u32 s1, $0x11  }
0xbd: {  	s0 =	sor.u32 s1, s0  }
0xbe: {  	s0 =	sadd.s32 $0x8F2B, s0  }
0xbf: {  	[sflag:s0] =	ssyncadd.remote.s32 $0x1  }
0xc0: {  	_ =	sfence.sel $0xFFFF  }
0xc1: {  	[dreg:$0x0] =	wrdreg $0xFFFFFFFF;
	(pc) =	sbr.abs _section_cstart, $3  }
0xc2: {  	[dreg:$0x1] =	wrdreg $0xFFFFFFFF  }
0xc3: {  	_ =	task.clear_ibuf [dreg:s8], $0x2FFFF;
	_ =	strace $0x9FFFFFFF  }
0xc4: {  	(tm) =	ssettm $0x7FFFFFFF  }
0xc5: {  	_ =	shalt  }
tec
execute0_lowered:
.L_overlay_start_1:
0x0: {  	(tag) =	ssettag $0x1  }
0x1: {  	s1 =	rddreg [dreg:$0x0]  }
0x2: {  	s3 =	rddreg [dreg:$0x1]  }
0x3: {  	s0 =	rddreg [dreg:$0x2]  }
0x4: {  	s2 =	srdreg.scid;
	s4 =	stileid.u32  }
0x5: {  	s6 =	simm.s32 $0x0;
	s13 =	simm.s32 $0x4000;
	s14 =	simm.s32 $0xC000  }
0x6: {  	s15 =	simm.s32 $0x1;
	s16 =	simm.s32 $0x10000;
	s17 =	simm.s32 $0x14000  }
0x7: {  	s18 =	simm.s32 $0x2;
	s19 =	simm.s32 $0x18000;
	s20 =	simm.s32 $0x18400  }
0x8: {  	s21 =	simm.s32 $0x3;
	s2 =	sand.u32 $0x1, s2;
	s5 =	sshll.u32 s4, $0x1  }
0x9: {  	s22 =	simm.s32 $0x0;
	[smem:$0x7FF] =	sst s6;
	s5 =	sor.u32 s2, s5  }
0xa: {  	s2 =	ssub.s32 $0x2, s2;
	_ =	strace $0x80000047;
	s28 =	sshll.u32 s5, $0x10  }
0xb: {  	vm0 =	vcmask $0x3F3C;
	s26 =	sshll.u32 s5, $0x7;
	s7 =	sshrl.u32 s2, $0x1;
	s29 =	sadd.s32 s1, s28  }
0xc: {  	s0 =	sadd.s32 s26, s0;
	s30 =	sadd.s32 s3, s28;
	[dreg:$0x4] =	wrdreg s29  }
0xd: {  	s5 =	sshll.u32 s5, $0x8;
	[dreg:$0x5] =	wrdreg s30;
	s31 =	sadd.s32 $0x800, s0  }
0xe: {  	s2 =	ssub.s32 s2, s7;
	s0 =	sadd.s32 $0x1800, s0;
	[dreg:$0x6] =	wrdreg s31  }
0xf: {  	v0 =	vimm.f32 $0.0e+00;
	v1 =	vlaneseq.u32;
	v2 =	vimm.f32 $1.000000000e+00;
	s8 =	sor.u32 $0x10, s5;
	s11 =	smax.u32 s2, $0x1;
	[dreg:$0x7] =	wrdreg s0  }
.LBB2_1:
0x10: {  	s0 =	simm.s32 $0x0;
	s2 =	simm.s32 $0x200  }
.LBB2_2:
0x11: {  	p0 =	sne.s32 s2, $0xFE00;
	[tilespmem:s0+$0x14070] =	vst v0  }
0x12: {  	[tilespmem:s0+$0x10000] =	vst v0  }
0x13: {  	[tilespmem:s0+$0x14000] =	vst v0  }
0x14: {  	[tilespmem:s0+$0x10010] =	vst v0  }
0x15: {  	[tilespmem:s0+$0x14010] =	vst v0  }
0x16: {  	[tilespmem:s0+$0x10020] =	vst v0  }
0x17: {  	[tilespmem:s0+$0x14020] =	vst v0  }
0x18: {  	[tilespmem:s0+$0x10030] =	vst v0  }
0x19: {  	[tilespmem:s0+$0x14030] =	vst v0  }
0x1a: {  	[tilespmem:s0+$0x10040] =	vst v0  }
0x1b: {  	[tilespmem:s0+$0x14040] =	vst v0  }
.Ltmp0:
0x1c: {  	[tilespmem:s0+$0x10050] =	vst v0;
	(pc) =	sbr.rel @p0 .LBB2_2-.Ltmp0, $4  }
0x1d: {  	[tilespmem:s0+$0x14050] =	vst v0  }
0x1e: {  	[tilespmem:s0+$0x10060] =	vst v0  }
0x1f: {  	[tilespmem:s0+$0x14060] =	vst v0  }
0x20: {  	[tilespmem:s0+$0x10070] =	vst v0;
	s0 =	sshra.s32 s2, $0x2;
	s2 =	sadd.s32 $0x200, s2  }
0x21: {  	[tilespmem:s0+$0x14070] =	vst v0  }
0x22: {  	[tilespmem:s0+$0x10000] =	vst v0  }
0x23: {  	[tilespmem:s0+$0x14000] =	vst v0  }
0x24: {  	[tilespmem:s0+$0x10010] =	vst v0  }
0x25: {  	[tilespmem:s0+$0x14010] =	vst v0  }
0x26: {  	[tilespmem:s0+$0x10020] =	vst v0  }
0x27: {  	[tilespmem:s0+$0x14020] =	vst v0  }
0x28: {  	[tilespmem:s0+$0x10030] =	vst v0  }
0x29: {  	[tilespmem:s0+$0x14030] =	vst v0  }
0x2a: {  	[tilespmem:s0+$0x10040] =	vst v0  }
0x2b: {  	[tilespmem:s0+$0x14040] =	vst v0  }
0x2c: {  	[tilespmem:s0+$0x10050] =	vst v0  }
0x2d: {  	[tilespmem:s0+$0x14050] =	vst v0  }
0x2e: {  	[tilespmem:s0+$0x10060] =	vst v0  }
0x2f: {  	[tilespmem:s0+$0x14060] =	vst v0  }
0x30: {  	[tilespmem:s0+$0x10070] =	vst v0;
	s23 =	simm.s32 $0x0;
	s30 =	rddreg [dreg:$0x4]  }
0x31: {  	[tilespmem:s23], [sflag:$0x1] =	stream.linear.gather [hbm4b:s30+s23], $0x4000, $0x38;
	[tilespmem:$0x18800] =	vst v63  }
0x32: {  	s31 =	rddreg [dreg:$0x5];
	s2 =	simm.s32 $0x8000;
	s24 =	simm.s32 $0x0  }
0x33: {  	[tilespmem:s2], [sflag:$0x1] =	stream.linear.gather [hbm4b:s31+s23], $0x4000, $0x38;
	[tilespmem:$0x18800] =	vst v63  }
.LBB2_4:
0x34: {  	s0 =	sshll.u32 s24, $0x4  }
0x35: {  	s2 =	sor.u32 s0, s5  }
0x36: {  	s2 =	sshll.u32 s2, $0x8  }
0x37: {  	s2 =	sor.u32 $0x800, s2  }
0x38: {  	s25 =	sadd.s32 s1, s2  }
0x39: {  	[tilespmem:s13], [sflag:$0x2] =	stream.linear.gather [hbm4b:s25+s23], $0x4000, $0x38;
	[tilespmem:$0x18800] =	vst v63  }
0x3a: {  	s2 =	sadd.s32 s3, s2  }
0x3b: {  	[tilespmem:s14], [sflag:$0x2] =	stream.linear.gather [hbm4b:s2+s23], $0x4000, $0x38;
	[tilespmem:$0x18800] =	vst v63  }
0x3c: {  	_ =	swait.ge [sflag:s15], $0x4000  }
0x3d: {  	[sflag:s15] =	ssyncset.done $0x0  }
0x3e: {  	[sflag:s15] =	ssyncadd.s32 $0xFFFFC000  }
0x3f: {  	_ =	swait.ge [sflag:s15], $0x4000  }
0x40: {  	[sflag:s15] =	ssyncset.done $0x0  }
0x41: {  	s31 =	simm.s32 $0x0;
	[sflag:s15] =	ssyncadd.s32 $0xFFFFC000  }
0x42: {  	v3 =	vld [tilespmem:s31+$0x60]  }
0x43: {  	v4 =	vld [tilespmem:s31+$0x8060]  }
0x44: {  	v5 =	vld [tilespmem:s31+$0x50]  }
0x45: {  	v6 =	vld [tilespmem:s31+$0x8050]  }
0x46: {  	v7 =	vld [tilespmem:s31+$0x40]  }
0x47: {  	v8 =	vld [tilespmem:s31+$0x8040]  }
0x48: {  	v9 =	vld [tilespmem:s31+$0x30]  }
0x49: {  	v10 =	vld [tilespmem:s31+$0x8030]  }
0x4a: {  	v11 =	vld [tilespmem:s31+$0x20]  }
0x4b: {  	v12 =	vld [tilespmem:s31+$0x8020]  }
0x4c: {  	v13 =	vld [tilespmem:s31+$0x8010]  }
0x4d: {  	v14 =	vld [tilespmem:s31+$0x10]  }
0x4e: {  	v15 =	vld [tilespmem:s31+$0x8000]  }
0x4f: {  	v16 =	vld [tilespmem:s31+$0x0]  }
0x50: {  	v17 =	vld [tilespmem:s31+$0x70]  }
0x51: {  	v18 =	vld [tilespmem:s31+$0x8070]  }
0x52: {  	v19 =	vld [tilespmem:s31+$0x80]  }
0x53: {  	v20 =	vld [tilespmem:s31+$0xC0]  }
0x54: {  	v21 =	vld [tilespmem:s31+$0x80B0]  }
0x55: {  	v22 =	vld [tilespmem:s31+$0xB0]  }
0x56: {  	v23 =	vld [tilespmem:s31+$0x8080]  }
0x57: {  	v61 =	vld [tilespmem:s31+$0x80A0];
	v15 =	vsub.f32 v16, v15  }
0x58: {  	v24 =	vld [tilespmem:s31+$0xA0]  }
0x59: {  	v63 =	vld [tilespmem:s31+$0x8090];
	v13 =	vsub.f32 v14, v13;
	v62 =	vmul.f32 v15, v15  }
0x5a: {  	v25 =	vld [tilespmem:s31+$0x90]  }
0x5b: {  	v26 =	vld [tilespmem:s31+$0x80C0];
	v11 =	vsub.f32 v11, v12;
	v36 =	vmul.f32 v13, v13;
	v37 =	vshrl.u32 v62, $0x11  }
0x5c: {  	v38 =	vld [tilespmem:s31+$0x80E0];
	v9 =	vsub.f32 v9, v10;
	v13 =	vand.u32 $0x3FF0, v37  }
0x5d: {  	v28 =	vld [tilespmem:s31+$0xE0];
	v11 =	vmul.f32 v11, v11;
	v27 =	vshrl.u32 v36, $0x11;
	v13 =	vor.u32 v1, v13  }
0x5e: {  	v39 =	vld [tilespmem:s31+$0x80D0];
	v7 =	vsub.f32 v7, v8;
	v27 =	vand.u32 $0x3FF0, v27  }
0x5f: {  	v30 =	vld [tilespmem:s31+$0xD0];
	v9 =	vmul.f32 v9, v9;
	v29 =	vshrl.u32 v11, $0x11;
	v27 =	vor.u32 v1, v27  }
0x60: {  	v40 =	vld [tilespmem:s31+$0x80F0];
	v5 =	vsub.f32 v5, v6;
	v6 =	vand.u32 $0x3FF0, v29  }
0x61: {  	v32 =	vld [tilespmem:s31+$0xF0];
	v7 =	vmul.f32 v7, v7;
	v31 =	vshrl.u32 v9, $0x11;
	v6 =	vor.u32 v1, v6  }
0x62: {  	v3 =	vsub.f32 v3, v4;
	v4 =	vmul.f32 v5, v5;
	v5 =	vand.u32 $0x3FF0, v31;
	[tilespmem:v13+s16+$0x0] =	vst.idx.add.f32.msk $0xffff, v2  }
0x63: {  	v41 =	vshrl.u32 v7, $0x11;
	v5 =	vor.u32 v1, v5;
	[tilespmem:v13+s17+$0x0] =	vst.idx.add.f32.msk $0xffff, v62  }
0x64: {  	v44 =	vsub.f32 v17, v18;
	v13 =	vand.u32 $0x3FF0, v41;
	[tilespmem:v27+s16+$0x0] =	vst.idx.add.f32.msk $0xffff, v2  }
0x65: {  	v3 =	vmul.f32 v3, v3;
	v42 =	vshrl.u32 v4, $0x11;
	v13 =	vor.u32 v1, v13;
	[tilespmem:v27+s17+$0x0] =	vst.idx.add.f32.msk $0xffff, v36  }
0x66: {  	v46 =	vsub.f32 v19, v23;
	v43 =	vand.u32 $0x3FF0, v42;
	[tilespmem:v6+s16+$0x0] =	vst.idx.add.f32.msk $0xffff, v2  }
0x67: {  	v14 =	vmul.f32 v44, v44;
	v45 =	vshrl.u32 v3, $0x11;
	v12 =	vor.u32 v1, v43;
	[tilespmem:v6+s17+$0x0] =	vst.idx.add.f32.msk $0xffff, v11  }
0x68: {  	v47 =	vsub.f32 v25, v63;
	v17 =	vand.u32 $0x3FF0, v45;
	[tilespmem:v5+s16+$0x0] =	vst.idx.add.f32.msk $0xffff, v2  }
0x69: {  	v49 =	vmul.f32 v46, v46;
	v48 =	vshrl.u32 v14, $0x11;
	v6 =	vor.u32 v1, v17;
	[tilespmem:v5+s17+$0x0] =	vst.idx.add.f32.msk $0xffff, v9  }
0x6a: {  	v50 =	vand.u32 $0x3FF0, v48;
	v11 =	vmul.f32 v47, v47;
	[tilespmem:v13+s16+$0x0] =	vst.idx.add.f32.msk $0xffff, v2  }
0x6b: {  	v51 =	vshrl.u32 v49, $0x11;
	v5 =	vsub.f32 v24, v61;
	v9 =	vor.u32 v1, v50;
	[tilespmem:v13+s17+$0x0] =	vst.idx.add.f32.msk $0xffff, v7  }
0x6c: {  	v52 =	vand.u32 $0x3FF0, v51;
	v7 =	vsub.f32 v22, v21;
	[tilespmem:v12+s16+$0x0] =	vst.idx.add.f32.msk $0xffff, v2  }
0x6d: {  	v53 =	vshrl.u32 v11, $0x11;
	v13 =	vor.u32 v1, v52;
	v5 =	vmul.f32 v5, v5;
	[tilespmem:v12+s17+$0x0] =	vst.idx.add.f32.msk $0xffff, v4  }
0x6e: {  	v54 =	vand.u32 $0x3FF0, v53;
	v4 =	vsub.f32 v20, v26;
	[tilespmem:v6+s16+$0x0] =	vst.idx.add.f32.msk $0xffff, v2  }
0x6f: {  	v12 =	vor.u32 v1, v54;
	v55 =	vshrl.u32 v5, $0x11;
	v7 =	vmul.f32 v7, v7;
	[tilespmem:v6+s17+$0x0] =	vst.idx.add.f32.msk $0xffff, v3  }
0x70: {  	v3 =	vsub.f32 v30, v39;
	v6 =	vand.u32 $0x3FF0, v55;
	[tilespmem:v9+s16+$0x0] =	vst.idx.add.f32.msk $0xffff, v2  }
0x71: {  	v4 =	vmul.f32 v4, v4;
	v56 =	vshrl.u32 v7, $0x11;
	v6 =	vor.u32 v1, v6;
	[tilespmem:v9+s17+$0x0] =	vst.idx.add.f32.msk $0xffff, v14  }
0x72: {  	v57 =	vsub.f32 v28, v38;
	v8 =	vand.u32 $0x3FF0, v56;
	[tilespmem:v13+s16+$0x0] =	vst.idx.add.f32.msk $0xffff, v2  }
0x73: {  	v58 =	vmul.f32 v3, v3;
	v3 =	vshrl.u32 v4, $0x11;
	v8 =	vor.u32 v1, v8;
	[tilespmem:v13+s17+$0x0] =	vst.idx.add.f32.msk $0xffff, v49  }
0x74: {  	v59 =	vsub.f32 v32, v40;
	v3 =	vand.u32 $0x3FF0, v3;
	[tilespmem:v12+s16+$0x0] =	vst.idx.add.f32.msk $0xffff, v2  }
0x75: {  	v9 =	vmul.f32 v57, v57;
	v60 =	vshrl.u32 v58, $0x11;
	v61 =	vor.u32 v1, v3;
	[tilespmem:v12+s17+$0x0] =	vst.idx.add.f32.msk $0xffff, v11  }
0x76: {  	v62 =	vand.u32 $0x3FF0, v60;
	[tilespmem:v6+s16+$0x0] =	vst.idx.add.f32.msk $0xffff, v2  }
0x77: {  	v3 =	vmul.f32 v59, v59;
	v63 =	vshrl.u32 v9, $0x11;
	v11 =	vor.u32 v1, v62;
	[tilespmem:v6+s17+$0x0] =	vst.idx.add.f32.msk $0xffff, v5  }
0x78: {  	v5 =	vand.u32 $0x3FF0, v63;
	[tilespmem:v8+s16+$0x0] =	vst.idx.add.f32.msk $0xffff, v2  }
0x79: {  	v6 =	vshrl.u32 v3, $0x11;
	v5 =	vor.u32 v1, v5;
	[tilespmem:v8+s17+$0x0] =	vst.idx.add.f32.msk $0xffff, v7  }
0x7a: {  	v6 =	vand.u32 $0x3FF0, v6;
	[tilespmem:v61+s16+$0x0] =	vst.idx.add.f32.msk $0xffff, v2  }
0x7b: {  	[tilespmem:v61+s17+$0x0] =	vst.idx.add.f32.msk $0xffff, v4;
	v4 =	vor.u32 v1, v6  }
0x7c: {  	[tilespmem:v11+s16+$0x0] =	vst.idx.add.f32.msk $0xffff, v2  }
0x7d: {  	[tilespmem:v11+s17+$0x0] =	vst.idx.add.f32.msk $0xffff, v58  }
0x7e: {  	[tilespmem:v5+s16+$0x0] =	vst.idx.add.f32.msk $0xffff, v2  }
0x7f: {  	[tilespmem:v5+s17+$0x0] =	vst.idx.add.f32.msk $0xffff, v9  }
0x80: {  	s2 =	simm.s32 $0x400;
	[tilespmem:v4+s16+$0x0] =	vst.idx.add.f32.msk $0xffff, v2  }
.LBB2_5:
0x81: {  	s25 =	sshra.s32 s2, $0x2;
	p0 =	sne.s32 s2, $0xC00;
	s2 =	sadd.s32 $0x400, s2;
	[tilespmem:v4+s17+$0x0] =	vst.idx.add.f32.msk $0xffff, v3  }
0x82: {  	v3 =	vld [tilespmem:s25+$0x60]  }
0x83: {  	v4 =	vld [tilespmem:s25+$0x8060]  }
0x84: {  	v5 =	vld [tilespmem:s25+$0x50]  }
0x85: {  	v6 =	vld [tilespmem:s25+$0x8050]  }
0x86: {  	v7 =	vld [tilespmem:s25+$0x40]  }
0x87: {  	v8 =	vld [tilespmem:s25+$0x8040]  }
0x88: {  	v9 =	vld [tilespmem:s25+$0x30]  }
0x89: {  	v10 =	vld [tilespmem:s25+$0x8030]  }
0x8a: {  	v11 =	vld [tilespmem:s25+$0x20]  }
0x8b: {  	v12 =	vld [tilespmem:s25+$0x8020]  }
0x8c: {  	v13 =	vld [tilespmem:s25+$0x8010]  }
0x8d: {  	v14 =	vld [tilespmem:s25+$0x10]  }
0x8e: {  	v15 =	vld [tilespmem:s25+$0x8000]  }
0x8f: {  	v9 =	vsub.f32 v9, v10;
	v16 =	vld [tilespmem:s25+$0x0]  }
0x90: {  	v7 =	vsub.f32 v7, v8;
	v10 =	vsub.f32 v11, v12;
	v8 =	vld [tilespmem:s25+$0x70]  }
0x91: {  	v9 =	vmul.f32 v9, v9;
	v11 =	vld [tilespmem:s25+$0x8070]  }
0x92: {  	v5 =	vsub.f32 v5, v6;
	v12 =	vsub.f32 v14, v13;
	v6 =	vld [tilespmem:s25+$0x80]  }
0x93: {  	v13 =	vshrl.u32 v9, $0x11;
	v14 =	vld [tilespmem:s25+$0xC0]  }
0x94: {  	v3 =	vsub.f32 v3, v4;
	v5 =	vmul.f32 v5, v5;
	v15 =	vsub.f32 v16, v15;
	v4 =	vld [tilespmem:s25+$0x80B0]  }
0x95: {  	v7 =	vmul.f32 v7, v7;
	v13 =	vand.u32 $0x3FF0, v13;
	v16 =	vld [tilespmem:s25+$0xB0]  }
0x96: {  	v18 =	vmul.f32 v3, v3;
	v17 =	vshrl.u32 v5, $0x11;
	v12 =	vmul.f32 v12, v12;
	v3 =	vld [tilespmem:s25+$0x8080]  }
0x97: {  	v17 =	vand.u32 $0x3FF0, v17;
	v13 =	vor.u32 v1, v13;
	v19 =	vld [tilespmem:s25+$0x80A0]  }
0x98: {  	v20 =	vshrl.u32 v18, $0x11;
	v17 =	vor.u32 v1, v17;
	v8 =	vsub.f32 v8, v11;
	v11 =	vld [tilespmem:s25+$0xA0]  }
0x99: {  	v20 =	vand.u32 $0x3FF0, v20;
	v21 =	vshrl.u32 v7, $0x11;
	v15 =	vmul.f32 v15, v15;
	v22 =	vld [tilespmem:s25+$0x8090]  }
0x9a: {  	v20 =	vor.u32 v1, v20;
	v23 =	vld [tilespmem:s25+$0x90];
	v4 =	vsub.f32 v16, v4;
	v16 =	vand.u32 $0x3FF0, v21  }
0x9b: {  	v21 =	vshrl.u32 v15, $0x11;
	v3 =	vsub.f32 v6, v3;
	v6 =	vld [tilespmem:s25+$0x80C0];
	v16 =	vor.u32 v1, v16  }
0x9c: {  	v10 =	vmul.f32 v10, v10;
	v21 =	vand.u32 $0x3FF0, v21;
	v24 =	vld [tilespmem:s25+$0x80E0]  }
0x9d: {  	v25 =	vshrl.u32 v12, $0x11;
	v21 =	vor.u32 v1, v21;
	v11 =	vsub.f32 v11, v19;
	v19 =	vld [tilespmem:s25+$0xE0]  }
0x9e: {  	v26 =	vshrl.u32 v10, $0x11;
	v25 =	vand.u32 $0x3FF0, v25;
	v8 =	vmul.f32 v8, v8;
	v27 =	vld [tilespmem:s25+$0x80D0]  }
0x9f: {  	v26 =	vand.u32 $0x3FF0, v26;
	v25 =	vor.u32 v1, v25;
	v22 =	vsub.f32 v23, v22;
	v23 =	vld [tilespmem:s25+$0xD0]  }
0xa0: {  	v28 =	vshrl.u32 v8, $0x11;
	v6 =	vsub.f32 v14, v6;
	v14 =	vld [tilespmem:s25+$0x80F0]  }
0xa1: {  	v26 =	vor.u32 v1, v26;
	v28 =	vand.u32 $0x3FF0, v28;
	v22 =	vmul.f32 v22, v22;
	v29 =	vld [tilespmem:s25+$0xF0]  }
0xa2: {  	v19 =	vsub.f32 v19, v24;
	[tilespmem:v21+s16+$0x0] =	vst.idx.add.f32.msk $0xffff, v2;
	v24 =	vor.u32 v1, v28  }
0xa3: {  	v28 =	vmul.f32 v3, v3;
	v3 =	vshrl.u32 v22, $0x11;
	[tilespmem:v21+s17+$0x0] =	vst.idx.add.f32.msk $0xffff, v15  }
0xa4: {  	v15 =	vsub.f32 v23, v27;
	[tilespmem:v25+s16+$0x0] =	vst.idx.add.f32.msk $0xffff, v2;
	v21 =	vand.u32 $0x3FF0, v3  }
0xa5: {  	v3 =	vshrl.u32 v28, $0x11;
	[tilespmem:v25+s17+$0x0] =	vst.idx.add.f32.msk $0xffff, v12  }
0xa6: {  	v3 =	vand.u32 $0x3FF0, v3;
	v12 =	vmul.f32 v15, v15;
	v14 =	vsub.f32 v29, v14;
	[tilespmem:v26+s16+$0x0] =	vst.idx.add.f32.msk $0xffff, v2  }
0xa7: {  	[tilespmem:v26+s17+$0x0] =	vst.idx.add.f32.msk $0xffff, v10;
	v10 =	vor.u32 v1, v3  }
0xa8: {  	v15 =	vshrl.u32 v12, $0x11;
	v3 =	vmul.f32 v14, v14;
	[tilespmem:v13+s16+$0x0] =	vst.idx.add.f32.msk $0xffff, v2  }
0xa9: {  	[tilespmem:v13+s17+$0x0] =	vst.idx.add.f32.msk $0xffff, v9;
	v9 =	vand.u32 $0x3FF0, v15  }
0xaa: {  	v14 =	vor.u32 v1, v21;
	v13 =	vshrl.u32 v3, $0x11;
	[tilespmem:v16+s16+$0x0] =	vst.idx.add.f32.msk $0xffff, v2  }
0xab: {  	v11 =	vmul.f32 v11, v11;
	[tilespmem:v16+s17+$0x0] =	vst.idx.add.f32.msk $0xffff, v7  }
0xac: {  	[tilespmem:v17+s16+$0x0] =	vst.idx.add.f32.msk $0xffff, v2  }
0xad: {  	v7 =	vshrl.u32 v11, $0x11;
	[tilespmem:v17+s17+$0x0] =	vst.idx.add.f32.msk $0xffff, v5  }
0xae: {  	v4 =	vmul.f32 v4, v4;
	v5 =	vand.u32 $0x3FF0, v7;
	[tilespmem:v20+s16+$0x0] =	vst.idx.add.f32.msk $0xffff, v2  }
0xaf: {  	v6 =	vmul.f32 v6, v6;
	v5 =	vor.u32 v1, v5;
	[tilespmem:v20+s17+$0x0] =	vst.idx.add.f32.msk $0xffff, v18  }
0xb0: {  	v7 =	vshrl.u32 v4, $0x11;
	[tilespmem:v24+s16+$0x0] =	vst.idx.add.f32.msk $0xffff, v2  }
0xb1: {  	v15 =	vshrl.u32 v6, $0x11;
	v7 =	vand.u32 $0x3FF0, v7;
	[tilespmem:v24+s17+$0x0] =	vst.idx.add.f32.msk $0xffff, v8  }
0xb2: {  	v8 =	vand.u32 $0x3FF0, v15;
	[tilespmem:v10+s16+$0x0] =	vst.idx.add.f32.msk $0xffff, v2  }
0xb3: {  	v7 =	vor.u32 v1, v7;
	v8 =	vor.u32 v1, v8;
	[tilespmem:v10+s17+$0x0] =	vst.idx.add.f32.msk $0xffff, v28  }
0xb4: {  	[tilespmem:v14+s16+$0x0] =	vst.idx.add.f32.msk $0xffff, v2  }
0xb5: {  	v10 =	vmul.f32 v19, v19;
	[tilespmem:v14+s17+$0x0] =	vst.idx.add.f32.msk $0xffff, v22  }
0xb6: {  	v9 =	vor.u32 v1, v9;
	[tilespmem:v5+s16+$0x0] =	vst.idx.add.f32.msk $0xffff, v2  }
0xb7: {  	v14 =	vshrl.u32 v10, $0x11;
	[tilespmem:v5+s17+$0x0] =	vst.idx.add.f32.msk $0xffff, v11  }
0xb8: {  	v5 =	vand.u32 $0x3FF0, v14;
	[tilespmem:v7+s16+$0x0] =	vst.idx.add.f32.msk $0xffff, v2  }
0xb9: {  	v5 =	vor.u32 v1, v5;
	[tilespmem:v7+s17+$0x0] =	vst.idx.add.f32.msk $0xffff, v4  }
0xba: {  	v4 =	vand.u32 $0x3FF0, v13;
	[tilespmem:v8+s16+$0x0] =	vst.idx.add.f32.msk $0xffff, v2  }
0xbb: {  	v4 =	vor.u32 v1, v4;
	[tilespmem:v8+s17+$0x0] =	vst.idx.add.f32.msk $0xffff, v6  }
.Ltmp1:
0xbc: {  	[tilespmem:v9+s16+$0x0] =	vst.idx.add.f32.msk $0xffff, v2;
	(pc) =	sbr.rel @p0 .LBB2_5-.Ltmp1, $4  }
0xbd: {  	[tilespmem:v9+s17+$0x0] =	vst.idx.add.f32.msk $0xffff, v12  }
0xbe: {  	[tilespmem:v5+s16+$0x0] =	vst.idx.add.f32.msk $0xffff, v2  }
0xbf: {  	[tilespmem:v5+s17+$0x0] =	vst.idx.add.f32.msk $0xffff, v10  }
0xc0: {  	[tilespmem:v4+s16+$0x0] =	vst.idx.add.f32.msk $0xffff, v2  }
0xc1: {  	_ = 	snop  }
0xc2: {  	p0 =	seq.s32 s24, $0xF  }
0xc3: {  	s0 =	sadd.s32 @!p0 s0, s8  }
0xc4: {  	s0 =	sshll.u32 @!p0 s0, $0x8  }
0xc5: {  	[tilespmem:v4+s17+$0x0] =	vst.idx.add.f32.msk $0xffff, v3;
	s25 =	simm.s32 @!p0 $0x0;
	s2 =	sadd.s32 @!p0 s1, s0  }
0xc6: {  	[tilespmem:s25], [sflag:$0x1] =	stream.linear.gather @!p0 [hbm4b:s2+s25], $0x4000, $0x38;
	[tilespmem:$0x18800] =	vst v63  }
0xc7: {  	s0 =	sadd.s32 @!p0 s3, s0;
	s2 =	simm.s32 @!p0 $0x8000  }
0xc8: {  	[tilespmem:s2], [sflag:$0x1] =	stream.linear.gather @!p0 [hbm4b:s0+s25], $0x4000, $0x38;
	[tilespmem:$0x18800] =	vst v63  }
0xc9: {  	_ =	swait.ge [sflag:s18], $0x4000  }
0xca: {  	[sflag:s18] =	ssyncset.done $0x0  }
0xcb: {  	[sflag:s18] =	ssyncadd.s32 $0xFFFFC000  }
0xcc: {  	_ =	swait.ge [sflag:s18], $0x4000  }
0xcd: {  	[sflag:s18] =	ssyncset.done $0x0  }
0xce: {  	s31 =	simm.s32 $0x0;
	[sflag:s18] =	ssyncadd.s32 $0xFFFFC000  }
0xcf: {  	v3 =	vld [tilespmem:s31+$0x4060]  }
0xd0: {  	v4 =	vld [tilespmem:s31+$0xC060]  }
0xd1: {  	v5 =	vld [tilespmem:s31+$0x4050]  }
0xd2: {  	v6 =	vld [tilespmem:s31+$0xC050]  }
0xd3: {  	v7 =	vld [tilespmem:s31+$0x4040]  }
0xd4: {  	v8 =	vld [tilespmem:s31+$0xC040]  }
0xd5: {  	v9 =	vld [tilespmem:s31+$0x4030]  }
0xd6: {  	v10 =	vld [tilespmem:s31+$0xC030]  }
0xd7: {  	v11 =	vld [tilespmem:s31+$0x4020]  }
0xd8: {  	v12 =	vld [tilespmem:s31+$0xC020]  }
0xd9: {  	v13 =	vld [tilespmem:s31+$0xC010]  }
0xda: {  	v14 =	vld [tilespmem:s31+$0x4010]  }
0xdb: {  	v15 =	vld [tilespmem:s31+$0xC000]  }
0xdc: {  	v16 =	vld [tilespmem:s31+$0x4000]  }
0xdd: {  	v17 =	vld [tilespmem:s31+$0x4070]  }
0xde: {  	v18 =	vld [tilespmem:s31+$0xC070]  }
0xdf: {  	v19 =	vld [tilespmem:s31+$0x4080]  }
0xe0: {  	v20 =	vld [tilespmem:s31+$0x40C0]  }
0xe1: {  	v21 =	vld [tilespmem:s31+$0xC0B0]  }
0xe2: {  	v22 =	vld [tilespmem:s31+$0x40B0]  }
0xe3: {  	v23 =	vld [tilespmem:s31+$0xC080]  }
0xe4: {  	v61 =	vld [tilespmem:s31+$0xC0A0];
	v15 =	vsub.f32 v16, v15  }
0xe5: {  	v24 =	vld [tilespmem:s31+$0x40A0]  }
0xe6: {  	v63 =	vld [tilespmem:s31+$0xC090];
	v13 =	vsub.f32 v14, v13;
	v62 =	vmul.f32 v15, v15  }
0xe7: {  	v25 =	vld [tilespmem:s31+$0x4090]  }
0xe8: {  	v26 =	vld [tilespmem:s31+$0xC0C0];
	v11 =	vsub.f32 v11, v12;
	v36 =	vmul.f32 v13, v13;
	v37 =	vshrl.u32 v62, $0x11  }
0xe9: {  	v38 =	vld [tilespmem:s31+$0xC0E0];
	v9 =	vsub.f32 v9, v10;
	v13 =	vand.u32 $0x3FF0, v37  }
0xea: {  	v28 =	vld [tilespmem:s31+$0x40E0];
	v11 =	vmul.f32 v11, v11;
	v27 =	vshrl.u32 v36, $0x11;
	v13 =	vor.u32 v1, v13  }
0xeb: {  	v39 =	vld [tilespmem:s31+$0xC0D0];
	v7 =	vsub.f32 v7, v8;
	v27 =	vand.u32 $0x3FF0, v27  }
0xec: {  	v30 =	vld [tilespmem:s31+$0x40D0];
	v9 =	vmul.f32 v9, v9;
	v29 =	vshrl.u32 v11, $0x11;
	v27 =	vor.u32 v1, v27  }
0xed: {  	v40 =	vld [tilespmem:s31+$0xC0F0];
	v5 =	vsub.f32 v5, v6;
	v6 =	vand.u32 $0x3FF0, v29  }
0xee: {  	v32 =	vld [tilespmem:s31+$0x40F0];
	v7 =	vmul.f32 v7, v7;
	v31 =	vshrl.u32 v9, $0x11;
	v6 =	vor.u32 v1, v6  }
0xef: {  	v3 =	vsub.f32 v3, v4;
	v4 =	vmul.f32 v5, v5;
	v5 =	vand.u32 $0x3FF0, v31;
	[tilespmem:v13+s16+$0x0] =	vst.idx.add.f32.msk $0xffff, v2  }
0xf0: {  	v41 =	vshrl.u32 v7, $0x11;
	v5 =	vor.u32 v1, v5;
	[tilespmem:v13+s17+$0x0] =	vst.idx.add.f32.msk $0xffff, v62  }
0xf1: {  	v44 =	vsub.f32 v17, v18;
	v13 =	vand.u32 $0x3FF0, v41;
	[tilespmem:v27+s16+$0x0] =	vst.idx.add.f32.msk $0xffff, v2  }
0xf2: {  	v3 =	vmul.f32 v3, v3;
	v42 =	vshrl.u32 v4, $0x11;
	v13 =	vor.u32 v1, v13;
	[tilespmem:v27+s17+$0x0] =	vst.idx.add.f32.msk $0xffff, v36  }
0xf3: {  	v46 =	vsub.f32 v19, v23;
	v43 =	vand.u32 $0x3FF0, v42;
	[tilespmem:v6+s16+$0x0] =	vst.idx.add.f32.msk $0xffff, v2  }
0xf4: {  	v14 =	vmul.f32 v44, v44;
	v45 =	vshrl.u32 v3, $0x11;
	v12 =	vor.u32 v1, v43;
	[tilespmem:v6+s17+$0x0] =	vst.idx.add.f32.msk $0xffff, v11  }
0xf5: {  	v47 =	vsub.f32 v25, v63;
	v17 =	vand.u32 $0x3FF0, v45;
	[tilespmem:v5+s16+$0x0] =	vst.idx.add.f32.msk $0xffff, v2  }
0xf6: {  	v49 =	vmul.f32 v46, v46;
	v48 =	vshrl.u32 v14, $0x11;
	v6 =	vor.u32 v1, v17;
	[tilespmem:v5+s17+$0x0] =	vst.idx.add.f32.msk $0xffff, v9  }
0xf7: {  	v50 =	vand.u32 $0x3FF0, v48;
	v11 =	vmul.f32 v47, v47;
	[tilespmem:v13+s16+$0x0] =	vst.idx.add.f32.msk $0xffff, v2  }
0xf8: {  	v51 =	vshrl.u32 v49, $0x11;
	v5 =	vsub.f32 v24, v61;
	v9 =	vor.u32 v1, v50;
	[tilespmem:v13+s17+$0x0] =	vst.idx.add.f32.msk $0xffff, v7  }
0xf9: {  	v52 =	vand.u32 $0x3FF0, v51;
	v7 =	vsub.f32 v22, v21;
	[tilespmem:v12+s16+$0x0] =	vst.idx.add.f32.msk $0xffff, v2  }
0xfa: {  	v53 =	vshrl.u32 v11, $0x11;
	v13 =	vor.u32 v1, v52;
	v5 =	vmul.f32 v5, v5;
	[tilespmem:v12+s17+$0x0] =	vst.idx.add.f32.msk $0xffff, v4  }
0xfb: {  	v54 =	vand.u32 $0x3FF0, v53;
	v4 =	vsub.f32 v20, v26;
	[tilespmem:v6+s16+$0x0] =	vst.idx.add.f32.msk $0xffff, v2  }
0xfc: {  	v12 =	vor.u32 v1, v54;
	v55 =	vshrl.u32 v5, $0x11;
	v7 =	vmul.f32 v7, v7;
	[tilespmem:v6+s17+$0x0] =	vst.idx.add.f32.msk $0xffff, v3  }
0xfd: {  	v3 =	vsub.f32 v30, v39;
	v6 =	vand.u32 $0x3FF0, v55;
	[tilespmem:v9+s16+$0x0] =	vst.idx.add.f32.msk $0xffff, v2  }
0xfe: {  	v4 =	vmul.f32 v4, v4;
	v56 =	vshrl.u32 v7, $0x11;
	v6 =	vor.u32 v1, v6;
	[tilespmem:v9+s17+$0x0] =	vst.idx.add.f32.msk $0xffff, v14  }
0xff: {  	v57 =	vsub.f32 v28, v38;
	v8 =	vand.u32 $0x3FF0, v56;
	[tilespmem:v13+s16+$0x0] =	vst.idx.add.f32.msk $0xffff, v2  }
0x100: {  	v58 =	vmul.f32 v3, v3;
	v3 =	vshrl.u32 v4, $0x11;
	v8 =	vor.u32 v1, v8;
	[tilespmem:v13+s17+$0x0] =	vst.idx.add.f32.msk $0xffff, v49  }
0x101: {  	v59 =	vsub.f32 v32, v40;
	v3 =	vand.u32 $0x3FF0, v3;
	[tilespmem:v12+s16+$0x0] =	vst.idx.add.f32.msk $0xffff, v2  }
0x102: {  	v9 =	vmul.f32 v57, v57;
	v60 =	vshrl.u32 v58, $0x11;
	v61 =	vor.u32 v1, v3;
	[tilespmem:v12+s17+$0x0] =	vst.idx.add.f32.msk $0xffff, v11  }
0x103: {  	v62 =	vand.u32 $0x3FF0, v60;
	[tilespmem:v6+s16+$0x0] =	vst.idx.add.f32.msk $0xffff, v2  }
0x104: {  	v3 =	vmul.f32 v59, v59;
	v63 =	vshrl.u32 v9, $0x11;
	v11 =	vor.u32 v1, v62;
	[tilespmem:v6+s17+$0x0] =	vst.idx.add.f32.msk $0xffff, v5  }
0x105: {  	v5 =	vand.u32 $0x3FF0, v63;
	[tilespmem:v8+s16+$0x0] =	vst.idx.add.f32.msk $0xffff, v2  }
0x106: {  	v6 =	vshrl.u32 v3, $0x11;
	v5 =	vor.u32 v1, v5;
	[tilespmem:v8+s17+$0x0] =	vst.idx.add.f32.msk $0xffff, v7  }
0x107: {  	v6 =	vand.u32 $0x3FF0, v6;
	[tilespmem:v61+s16+$0x0] =	vst.idx.add.f32.msk $0xffff, v2  }
0x108: {  	[tilespmem:v61+s17+$0x0] =	vst.idx.add.f32.msk $0xffff, v4;
	v4 =	vor.u32 v1, v6  }
0x109: {  	[tilespmem:v11+s16+$0x0] =	vst.idx.add.f32.msk $0xffff, v2  }
0x10a: {  	[tilespmem:v11+s17+$0x0] =	vst.idx.add.f32.msk $0xffff, v58  }
0x10b: {  	[tilespmem:v5+s16+$0x0] =	vst.idx.add.f32.msk $0xffff, v2  }
0x10c: {  	[tilespmem:v5+s17+$0x0] =	vst.idx.add.f32.msk $0xffff, v9  }
0x10d: {  	s24 =	sadd.s32 $0x1, s24;
	s0 =	simm.s32 $0x400;
	[tilespmem:v4+s16+$0x0] =	vst.idx.add.f32.msk $0xffff, v2  }
.LBB2_7:
0x10e: {  	s2 =	sshra.s32 s0, $0x2;
	p0 =	seq.s32 s0, $0xC00;
	s0 =	sadd.s32 $0x400, s0;
	[tilespmem:v4+s17+$0x0] =	vst.idx.add.f32.msk $0xffff, v3  }
0x10f: {  	v3 =	vld [tilespmem:s2+$0x4060]  }
0x110: {  	v4 =	vld [tilespmem:s2+$0xC060]  }
0x111: {  	v5 =	vld [tilespmem:s2+$0x4050]  }
0x112: {  	v6 =	vld [tilespmem:s2+$0xC050]  }
0x113: {  	v7 =	vld [tilespmem:s2+$0x4040]  }
0x114: {  	v8 =	vld [tilespmem:s2+$0xC040]  }
0x115: {  	v9 =	vld [tilespmem:s2+$0x4030]  }
0x116: {  	v10 =	vld [tilespmem:s2+$0xC030]  }
0x117: {  	v11 =	vld [tilespmem:s2+$0x4020]  }
0x118: {  	v12 =	vld [tilespmem:s2+$0xC020]  }
0x119: {  	v13 =	vld [tilespmem:s2+$0xC010]  }
0x11a: {  	v14 =	vld [tilespmem:s2+$0x4010]  }
0x11b: {  	v15 =	vld [tilespmem:s2+$0xC000]  }
0x11c: {  	v9 =	vsub.f32 v9, v10;
	v16 =	vld [tilespmem:s2+$0x4000]  }
0x11d: {  	v7 =	vsub.f32 v7, v8;
	v10 =	vsub.f32 v11, v12;
	v8 =	vld [tilespmem:s2+$0x4070]  }
0x11e: {  	v9 =	vmul.f32 v9, v9;
	v11 =	vld [tilespmem:s2+$0xC070]  }
0x11f: {  	v5 =	vsub.f32 v5, v6;
	v12 =	vsub.f32 v14, v13;
	v6 =	vld [tilespmem:s2+$0x4080]  }
0x120: {  	v13 =	vshrl.u32 v9, $0x11;
	v14 =	vld [tilespmem:s2+$0x40C0]  }
0x121: {  	v3 =	vsub.f32 v3, v4;
	v5 =	vmul.f32 v5, v5;
	v15 =	vsub.f32 v16, v15;
	v4 =	vld [tilespmem:s2+$0xC0B0]  }
0x122: {  	v7 =	vmul.f32 v7, v7;
	v13 =	vand.u32 $0x3FF0, v13;
	v16 =	vld [tilespmem:s2+$0x40B0]  }
0x123: {  	v18 =	vmul.f32 v3, v3;
	v17 =	vshrl.u32 v5, $0x11;
	v12 =	vmul.f32 v12, v12;
	v3 =	vld [tilespmem:s2+$0xC080]  }
0x124: {  	v17 =	vand.u32 $0x3FF0, v17;
	v13 =	vor.u32 v1, v13;
	v19 =	vld [tilespmem:s2+$0xC0A0]  }
0x125: {  	v20 =	vshrl.u32 v18, $0x11;
	v17 =	vor.u32 v1, v17;
	v8 =	vsub.f32 v8, v11;
	v11 =	vld [tilespmem:s2+$0x40A0]  }
0x126: {  	v20 =	vand.u32 $0x3FF0, v20;
	v21 =	vshrl.u32 v7, $0x11;
	v15 =	vmul.f32 v15, v15;
	v22 =	vld [tilespmem:s2+$0xC090]  }
0x127: {  	v20 =	vor.u32 v1, v20;
	v23 =	vld [tilespmem:s2+$0x4090];
	v4 =	vsub.f32 v16, v4;
	v16 =	vand.u32 $0x3FF0, v21  }
0x128: {  	v21 =	vshrl.u32 v15, $0x11;
	v3 =	vsub.f32 v6, v3;
	v6 =	vld [tilespmem:s2+$0xC0C0];
	v16 =	vor.u32 v1, v16  }
0x129: {  	v10 =	vmul.f32 v10, v10;
	v21 =	vand.u32 $0x3FF0, v21;
	v24 =	vld [tilespmem:s2+$0xC0E0]  }
0x12a: {  	v25 =	vshrl.u32 v12, $0x11;
	v21 =	vor.u32 v1, v21;
	v11 =	vsub.f32 v11, v19;
	v19 =	vld [tilespmem:s2+$0x40E0]  }
0x12b: {  	v26 =	vshrl.u32 v10, $0x11;
	v25 =	vand.u32 $0x3FF0, v25;
	v8 =	vmul.f32 v8, v8;
	v27 =	vld [tilespmem:s2+$0xC0D0]  }
0x12c: {  	v26 =	vand.u32 $0x3FF0, v26;
	v25 =	vor.u32 v1, v25;
	v22 =	vsub.f32 v23, v22;
	v23 =	vld [tilespmem:s2+$0x40D0]  }
0x12d: {  	v28 =	vshrl.u32 v8, $0x11;
	v6 =	vsub.f32 v14, v6;
	v14 =	vld [tilespmem:s2+$0xC0F0]  }
0x12e: {  	v26 =	vor.u32 v1, v26;
	v28 =	vand.u32 $0x3FF0, v28;
	v22 =	vmul.f32 v22, v22;
	v29 =	vld [tilespmem:s2+$0x40F0]  }
0x12f: {  	v19 =	vsub.f32 v19, v24;
	[tilespmem:v21+s16+$0x0] =	vst.idx.add.f32.msk $0xffff, v2;
	v24 =	vor.u32 v1, v28  }
0x130: {  	v28 =	vmul.f32 v3, v3;
	v3 =	vshrl.u32 v22, $0x11;
	[tilespmem:v21+s17+$0x0] =	vst.idx.add.f32.msk $0xffff, v15  }
0x131: {  	v15 =	vsub.f32 v23, v27;
	[tilespmem:v25+s16+$0x0] =	vst.idx.add.f32.msk $0xffff, v2;
	v21 =	vand.u32 $0x3FF0, v3  }
0x132: {  	v3 =	vshrl.u32 v28, $0x11;
	[tilespmem:v25+s17+$0x0] =	vst.idx.add.f32.msk $0xffff, v12  }
0x133: {  	v3 =	vand.u32 $0x3FF0, v3;
	v12 =	vmul.f32 v15, v15;
	v14 =	vsub.f32 v29, v14;
	[tilespmem:v26+s16+$0x0] =	vst.idx.add.f32.msk $0xffff, v2  }
0x134: {  	[tilespmem:v26+s17+$0x0] =	vst.idx.add.f32.msk $0xffff, v10;
	v10 =	vor.u32 v1, v3  }
0x135: {  	v15 =	vshrl.u32 v12, $0x11;
	v3 =	vmul.f32 v14, v14;
	[tilespmem:v13+s16+$0x0] =	vst.idx.add.f32.msk $0xffff, v2  }
0x136: {  	[tilespmem:v13+s17+$0x0] =	vst.idx.add.f32.msk $0xffff, v9;
	v9 =	vand.u32 $0x3FF0, v15  }
0x137: {  	v14 =	vor.u32 v1, v21;
	v13 =	vshrl.u32 v3, $0x11;
	[tilespmem:v16+s16+$0x0] =	vst.idx.add.f32.msk $0xffff, v2  }
0x138: {  	v11 =	vmul.f32 v11, v11;
	[tilespmem:v16+s17+$0x0] =	vst.idx.add.f32.msk $0xffff, v7  }
0x139: {  	[tilespmem:v17+s16+$0x0] =	vst.idx.add.f32.msk $0xffff, v2  }
0x13a: {  	v7 =	vshrl.u32 v11, $0x11;
	[tilespmem:v17+s17+$0x0] =	vst.idx.add.f32.msk $0xffff, v5  }
0x13b: {  	v4 =	vmul.f32 v4, v4;
	v5 =	vand.u32 $0x3FF0, v7;
	[tilespmem:v20+s16+$0x0] =	vst.idx.add.f32.msk $0xffff, v2  }
0x13c: {  	v6 =	vmul.f32 v6, v6;
	v5 =	vor.u32 v1, v5;
	[tilespmem:v20+s17+$0x0] =	vst.idx.add.f32.msk $0xffff, v18  }
0x13d: {  	v7 =	vshrl.u32 v4, $0x11;
	[tilespmem:v24+s16+$0x0] =	vst.idx.add.f32.msk $0xffff, v2  }
0x13e: {  	v15 =	vshrl.u32 v6, $0x11;
	v7 =	vand.u32 $0x3FF0, v7;
	[tilespmem:v24+s17+$0x0] =	vst.idx.add.f32.msk $0xffff, v8  }
0x13f: {  	v8 =	vand.u32 $0x3FF0, v15;
	[tilespmem:v10+s16+$0x0] =	vst.idx.add.f32.msk $0xffff, v2  }
0x140: {  	v7 =	vor.u32 v1, v7;
	v8 =	vor.u32 v1, v8;
	[tilespmem:v10+s17+$0x0] =	vst.idx.add.f32.msk $0xffff, v28  }
0x141: {  	[tilespmem:v14+s16+$0x0] =	vst.idx.add.f32.msk $0xffff, v2  }
0x142: {  	v10 =	vmul.f32 v19, v19;
	[tilespmem:v14+s17+$0x0] =	vst.idx.add.f32.msk $0xffff, v22  }
0x143: {  	v9 =	vor.u32 v1, v9;
	[tilespmem:v5+s16+$0x0] =	vst.idx.add.f32.msk $0xffff, v2  }
0x144: {  	v14 =	vshrl.u32 v10, $0x11;
	[tilespmem:v5+s17+$0x0] =	vst.idx.add.f32.msk $0xffff, v11  }
0x145: {  	v5 =	vand.u32 $0x3FF0, v14;
	[tilespmem:v7+s16+$0x0] =	vst.idx.add.f32.msk $0xffff, v2  }
0x146: {  	v5 =	vor.u32 v1, v5;
	[tilespmem:v7+s17+$0x0] =	vst.idx.add.f32.msk $0xffff, v4  }
0x147: {  	v4 =	vand.u32 $0x3FF0, v13;
	[tilespmem:v8+s16+$0x0] =	vst.idx.add.f32.msk $0xffff, v2  }
0x148: {  	v4 =	vor.u32 v1, v4;
	[tilespmem:v8+s17+$0x0] =	vst.idx.add.f32.msk $0xffff, v6  }
.Ltmp2:
0x149: {  	[tilespmem:v9+s16+$0x0] =	vst.idx.add.f32.msk $0xffff, v2;
	(pc) =	sbr.rel @!p0 .LBB2_7-.Ltmp2, $4  }
0x14a: {  	[tilespmem:v9+s17+$0x0] =	vst.idx.add.f32.msk $0xffff, v12  }
0x14b: {  	[tilespmem:v5+s16+$0x0] =	vst.idx.add.f32.msk $0xffff, v2  }
0x14c: {  	[tilespmem:v5+s17+$0x0] =	vst.idx.add.f32.msk $0xffff, v10  }
0x14d: {  	[tilespmem:v4+s16+$0x0] =	vst.idx.add.f32.msk $0xffff, v2  }
0x14e: {  	p0 =	seq.s32 s24, $0x10  }
.Ltmp3:
0x14f: {  	_ = 	snop;
	(pc) =	sbr.rel @!p0 .LBB2_4-.Ltmp3, $2  }
0x150: {  	_ =	sdelay $0x2  }
0x151: {  	[tilespmem:v4+s17+$0x0] =	vst.idx.add.f32.msk $0xffff, v3  }
0x152: {  	s28 =	simm.s32 $0x10080  }
0x153: {  	v3 =	vld [tilespmem:s28+$0xFFFFFF80];
	_ =	sdelay $0x4  }
0x154: {  	(xrf2) =	vadd.scan.msk.f32 $0xffff, v3;
	_ =	sdelay $0x1  }
0x155: {  	s0 =	simm.s32 $0x0  }
0x156: {  	v3 =	vmov s0  }
0x157: {  	v3 =	vand.u32 $0xFFFFFFF0, v3  }
0x158: {  	v3 =	vbroadcast v3, $0x0  }
0x159: {  	v4 =	vld [tilespmem:s28+$0x0];
	_ =	sdelay $0x3  }
0x15a: {  	v5, _, _ =	vpop (xrf2)  }
0x15b: {  	s25 =	simm.s32 $0x14080;
	(xrf2) =	vadd.scan.msk.f32 $0xffff, v4;
	[tilespmem:v3+s19+$0x0] =	vst.idx.msk vm0, v5  }
0x15c: {  	v4 =	vld [tilespmem:s25+$0xFFFFFF80]  }
0x15d: {  	s9 =	simm.s32 $0x8  }
0x15e: {  	v5 =	vmov s9  }
0x15f: {  	v5 =	vand.u32 $0xFFFFFFF8, v5  }
0x160: {  	v5 =	vbroadcast v5, $0x0  }
0x161: {  	(xrf2) =	vadd.scan.msk.f32 $0xffff, v4;
	_ =	sdelay $0x3  }
0x162: {  	v4, _, _ =	vpop (xrf2)  }
0x163: {  	[tilespmem:v5+s19+$0x0] =	vst.idx.msk vm0, v4  }
0x164: {  	v4 =	vld [tilespmem:s25+$0x0];
	_ =	sdelay $0x3  }
0x165: {  	v6, _, _ =	vpop (xrf2)  }
0x166: {  	(xrf2) =	vadd.scan.msk.f32 $0xffff, v4;
	[tilespmem:v3+s20+$0x0] =	vst.idx.msk vm0, v6  }
0x167: {  	v3 =	vld [tilespmem:s28+$0xFFFFFF90];
	_ =	sdelay $0x4  }
0x168: {  	(xrf2) =	vadd.scan.msk.f32 $0xffff, v3;
	_ =	sdelay $0x1  }
0x169: {  	s10 =	simm.s32 $0x1  }
0x16a: {  	v3 =	vmov s10  }
0x16b: {  	v4, _, _ =	vpop (xrf2);
	v3 =	vand.u32 $0xFFFFFFF1, v3  }
0x16c: {  	[tilespmem:v5+s20+$0x0] =	vst.idx.msk vm0, v4;
	v3 =	vbroadcast v3, $0x0  }
0x16d: {  	v4 =	vld [tilespmem:s28+$0x10];
	_ =	sdelay $0x3  }
0x16e: {  	v5, _, _ =	vpop (xrf2)  }
0x16f: {  	(xrf2) =	vadd.scan.msk.f32 $0xffff, v4;
	[tilespmem:v3+s19+$0x0] =	vst.idx.msk vm0, v5  }
0x170: {  	v4 =	vld [tilespmem:s25+$0xFFFFFF90]  }
0x171: {  	s12 =	simm.s32 $0x9  }
0x172: {  	v5 =	vmov s12  }
0x173: {  	v5 =	vand.u32 $0xFFFFFFF9, v5  }
0x174: {  	v5 =	vbroadcast v5, $0x0  }
0x175: {  	(xrf2) =	vadd.scan.msk.f32 $0xffff, v4;
	_ =	sdelay $0x3  }
0x176: {  	v4, _, _ =	vpop (xrf2)  }
0x177: {  	[tilespmem:v5+s19+$0x0] =	vst.idx.msk vm0, v4  }
0x178: {  	v4 =	vld [tilespmem:s25+$0x10];
	_ =	sdelay $0x3  }
0x179: {  	v6, _, _ =	vpop (xrf2)  }
0x17a: {  	(xrf2) =	vadd.scan.msk.f32 $0xffff, v4;
	[tilespmem:v3+s20+$0x0] =	vst.idx.msk vm0, v6  }
0x17b: {  	v3 =	vld [tilespmem:s28+$0xFFFFFFA0];
	_ =	sdelay $0x4  }
0x17c: {  	(xrf2) =	vadd.scan.msk.f32 $0xffff, v3;
	_ =	sdelay $0x1  }
0x17d: {  	s23 =	simm.s32 $0x2  }
0x17e: {  	v3 =	vmov s23  }
0x17f: {  	v4, _, _ =	vpop (xrf2);
	v3 =	vand.u32 $0xFFFFFFF2, v3  }
0x180: {  	[tilespmem:v5+s20+$0x0] =	vst.idx.msk vm0, v4;
	v3 =	vbroadcast v3, $0x0  }
0x181: {  	v4 =	vld [tilespmem:s28+$0x20];
	_ =	sdelay $0x3  }
0x182: {  	v5, _, _ =	vpop (xrf2)  }
0x183: {  	(xrf2) =	vadd.scan.msk.f32 $0xffff, v4;
	[tilespmem:v3+s19+$0x0] =	vst.idx.msk vm0, v5  }
0x184: {  	v4 =	vld [tilespmem:s25+$0xFFFFFFA0]  }
0x185: {  	s24 =	simm.s32 $0xA  }
0x186: {  	v5 =	vmov s24  }
0x187: {  	v5 =	vand.u32 $0xFFFFFFFA, v5  }
0x188: {  	v5 =	vbroadcast v5, $0x0  }
0x189: {  	(xrf2) =	vadd.scan.msk.f32 $0xffff, v4;
	_ =	sdelay $0x3  }
0x18a: {  	s23 =	simm.s32 $0x10180;
	v4, _, _ =	vpop (xrf2)  }
0x18b: {  	v6 =	vld [tilespmem:s23+$0xFFFFFF80];
	[tilespmem:v5+s19+$0x0] =	vst.idx.msk vm0, v4  }
0x18c: {  	v4 =	vld [tilespmem:s25+$0x20];
	_ =	sdelay $0x3  }
0x18d: {  	(xrf2) =	vadd.scan.msk.f32 $0xffff, v6;
	v6, _, _ =	vpop (xrf2)  }
0x18e: {  	(xrf2) =	vadd.scan.msk.f32 $0xffff, v4;
	[tilespmem:v3+s20+$0x0] =	vst.idx.msk vm0, v6  }
0x18f: {  	s2 =	simm.s32 $0x10;
	v3 =	vld [tilespmem:s28+$0xFFFFFFB0]  }
0x190: {  	v4 =	vmov s2  }
0x191: {  	v4 =	vand.u32 $0xFFFFFFF0, v4  }
0x192: {  	v4 =	vbroadcast v4, $0x0;
	_ =	sdelay $0x1  }
0x193: {  	(xrf2) =	vadd.scan.msk.f32 $0xffff, v3;
	_ =	sdelay $0x1  }
0x194: {  	s4 =	simm.s32 $0x3  }
0x195: {  	v6, _, _ =	vpop (xrf2);
	v3 =	vmov s4  }
0x196: {  	s24 =	simm.s32 $0x14180;
	[tilespmem:v4+s19+$0x0] =	vst.idx.msk vm0, v6;
	v6 =	vld [tilespmem:s23+$0x0];
	v3 =	vand.u32 $0xFFFFFFF3, v3;
	v7, _, _ =	vpop (xrf2)  }
0x197: {  	v8 =	vld [tilespmem:s24+$0xFFFFFF80];
	[tilespmem:v5+s20+$0x0] =	vst.idx.msk vm0, v7;
	v3 =	vbroadcast v3, $0x0  }
0x198: {  	v5 =	vld [tilespmem:s28+$0x30];
	_ =	sdelay $0x2  }
0x199: {  	(xrf2) =	vadd.scan.msk.f32 $0xffff, v6  }
0x19a: {  	(xrf2) =	vadd.scan.msk.f32 $0xffff, v8;
	v6, _, _ =	vpop (xrf2)  }
0x19b: {  	s6 =	simm.s32 $0x18;
	(xrf2) =	vadd.scan.msk.f32 $0xffff, v5;
	[tilespmem:v3+s19+$0x0] =	vst.idx.msk vm0, v6  }
0x19c: {  	v6 =	vmov s6;
	v5 =	vld [tilespmem:s25+$0xFFFFFFB0]  }
0x19d: {  	s2 =	simm.s32 $0xB;
	v6 =	vand.u32 $0xFFFFFFF8, v6  }
0x19e: {  	v7 =	vmov s2;
	v6 =	vbroadcast v6, $0x0  }
0x19f: {  	v7 =	vand.u32 $0xFFFFFFFB, v7  }
0x1a0: {  	v7 =	vbroadcast v7, $0x0  }
0x1a1: {  	(xrf2) =	vadd.scan.msk.f32 $0xffff, v5;
	_ =	sdelay $0x1  }
0x1a2: {  	v5, _, _ =	vpop (xrf2)  }
0x1a3: {  	v8, _, _ =	vpop (xrf2);
	[tilespmem:v6+s19+$0x0] =	vst.idx.msk vm0, v5  }
0x1a4: {  	v5, _, _ =	vpop (xrf2);
	v9 =	vld [tilespmem:s24+$0x0]  }
0x1a5: {  	[tilespmem:v7+s19+$0x0] =	vst.idx.msk vm0, v5  }
0x1a6: {  	v5 =	vld [tilespmem:s25+$0x30]  }
0x1a7: {  	[tilespmem:v4+s20+$0x0] =	vst.idx.msk vm0, v8  }
0x1a8: {  	v4 =	vld [tilespmem:s23+$0xFFFFFF90]  }
0x1a9: {  	(xrf2) =	vadd.scan.msk.f32 $0xffff, v9  }
0x1aa: {  	v8, _, _ =	vpop (xrf2)  }
0x1ab: {  	(xrf2) =	vadd.scan.msk.f32 $0xffff, v5;
	[tilespmem:v3+s20+$0x0] =	vst.idx.msk vm0, v8  }
0x1ac: {  	v3 =	vld [tilespmem:s28+$0xFFFFFFC0]  }
0x1ad: {  	(xrf2) =	vadd.scan.msk.f32 $0xffff, v4;
	_ =	sdelay $0x1  }
0x1ae: {  	s7 =	simm.s32 $0x11  }
0x1af: {  	v4 =	vmov s7  }
0x1b0: {  	(xrf2) =	vadd.scan.msk.f32 $0xffff, v3;
	v3 =	vand.u32 $0xFFFFFFF1, v4  }
0x1b1: {  	v3 =	vbroadcast v3, $0x0  }
0x1b2: {  	s9 =	simm.s32 $0x4;
	v5, _, _ =	vpop (xrf2)  }
0x1b3: {  	v4 =	vmov s9;
	[tilespmem:v6+s20+$0x0] =	vst.idx.msk vm0, v5  }
0x1b4: {  	v4 =	vand.u32 $0xFFFFFFF4, v4;
	v5, _, _ =	vpop (xrf2);
	v6 =	vld [tilespmem:s23+$0x10]  }
0x1b5: {  	v4 =	vbroadcast v4, $0x0;
	[tilespmem:v7+s20+$0x0] =	vst.idx.msk vm0, v5  }
0x1b6: {  	v7, _, _ =	vpop (xrf2);
	v5 =	vld [tilespmem:s28+$0x40]  }
0x1b7: {  	[tilespmem:v3+s19+$0x0] =	vst.idx.msk vm0, v7  }
0x1b8: {  	v7 =	vld [tilespmem:s24+$0xFFFFFF90]  }
0x1b9: {  	(xrf2) =	vadd.scan.msk.f32 $0xffff, v6  }
0x1ba: {  	v6, _, _ =	vpop (xrf2)  }
0x1bb: {  	s10 =	simm.s32 $0x19;
	(xrf2) =	vadd.scan.msk.f32 $0xffff, v5;
	[tilespmem:v4+s19+$0x0] =	vst.idx.msk vm0, v6  }
0x1bc: {  	v6 =	vmov s10;
	v5 =	vld [tilespmem:s25+$0xFFFFFFC0]  }
0x1bd: {  	s12 =	simm.s32 $0xC;
	v6 =	vand.u32 $0xFFFFFFF9, v6;
	(xrf2) =	vadd.scan.msk.f32 $0xffff, v7  }
0x1be: {  	v7 =	vmov s12;
	v6 =	vbroadcast v6, $0x0  }
0x1bf: {  	v7 =	vand.u32 $0xFFFFFFFC, v7  }
0x1c0: {  	v7 =	vbroadcast v7, $0x0  }
0x1c1: {  	(xrf2) =	vadd.scan.msk.f32 $0xffff, v5;
	_ =	sdelay $0x1  }
0x1c2: {  	v5, _, _ =	vpop (xrf2)  }
0x1c3: {  	[tilespmem:v6+s19+$0x0] =	vst.idx.msk vm0, v5  }
0x1c4: {  	v5, _, _ =	vpop (xrf2);
	v8 =	vld [tilespmem:s24+$0x10]  }
0x1c5: {  	[tilespmem:v7+s19+$0x0] =	vst.idx.msk vm0, v5  }
0x1c6: {  	v5 =	vld [tilespmem:s25+$0x40];
	v9, _, _ =	vpop (xrf2)  }
0x1c7: {  	[tilespmem:v3+s20+$0x0] =	vst.idx.msk vm0, v9  }
0x1c8: {  	v3 =	vld [tilespmem:s23+$0xFFFFFFA0]  }
0x1c9: {  	(xrf2) =	vadd.scan.msk.f32 $0xffff, v8  }
0x1ca: {  	v8, _, _ =	vpop (xrf2)  }
0x1cb: {  	(xrf2) =	vadd.scan.msk.f32 $0xffff, v5;
	[tilespmem:v4+s20+$0x0] =	vst.idx.msk vm0, v8  }
0x1cc: {  	v4 =	vld [tilespmem:s28+$0xFFFFFFD0]  }
0x1cd: {  	(xrf2) =	vadd.scan.msk.f32 $0xffff, v3;
	_ =	sdelay $0x1  }
0x1ce: {  	s4 =	simm.s32 $0x12  }
0x1cf: {  	v3 =	vmov s4  }
0x1d0: {  	v3 =	vand.u32 $0xFFFFFFF2, v3;
	(xrf2) =	vadd.scan.msk.f32 $0xffff, v4  }
0x1d1: {  	v3 =	vbroadcast v3, $0x0  }
0x1d2: {  	s6 =	simm.s32 $0x5;
	v5, _, _ =	vpop (xrf2)  }
0x1d3: {  	v4 =	vmov s6;
	[tilespmem:v6+s20+$0x0] =	vst.idx.msk vm0, v5  }
0x1d4: {  	v4 =	vand.u32 $0xFFFFFFF5, v4;
	v5, _, _ =	vpop (xrf2);
	v6 =	vld [tilespmem:s23+$0x20]  }
0x1d5: {  	v4 =	vbroadcast v4, $0x0;
	[tilespmem:v7+s20+$0x0] =	vst.idx.msk vm0, v5  }
0x1d6: {  	v5 =	vld [tilespmem:s28+$0x50];
	v7, _, _ =	vpop (xrf2)  }
0x1d7: {  	[tilespmem:v3+s19+$0x0] =	vst.idx.msk vm0, v7  }
0x1d8: {  	v7 =	vld [tilespmem:s24+$0xFFFFFFA0]  }
0x1d9: {  	(xrf2) =	vadd.scan.msk.f32 $0xffff, v6  }
0x1da: {  	v6, _, _ =	vpop (xrf2)  }
0x1db: {  	s7 =	simm.s32 $0x1A;
	(xrf2) =	vadd.scan.msk.f32 $0xffff, v5;
	[tilespmem:v4+s19+$0x0] =	vst.idx.msk vm0, v6  }
0x1dc: {  	v6 =	vmov s7;
	v5 =	vld [tilespmem:s25+$0xFFFFFFD0]  }
0x1dd: {  	s9 =	simm.s32 $0xD;
	v6 =	vand.u32 $0xFFFFFFFA, v6;
	(xrf2) =	vadd.scan.msk.f32 $0xffff, v7  }
0x1de: {  	v7 =	vmov s9;
	v6 =	vbroadcast v6, $0x0  }
0x1df: {  	v7 =	vand.u32 $0xFFFFFFFD, v7  }
0x1e0: {  	v7 =	vbroadcast v7, $0x0  }
0x1e1: {  	(xrf2) =	vadd.scan.msk.f32 $0xffff, v5;
	_ =	sdelay $0x1  }
0x1e2: {  	s29 =	simm.s32 $0x10280;
	v5, _, _ =	vpop (xrf2)  }
0x1e3: {  	v8 =	vld [tilespmem:s29+$0xFFFFFF80];
	[tilespmem:v6+s19+$0x0] =	vst.idx.msk vm0, v5  }
0x1e4: {  	v5, _, _ =	vpop (xrf2);
	v9 =	vld [tilespmem:s24+$0x20]  }
0x1e5: {  	[tilespmem:v7+s19+$0x0] =	vst.idx.msk vm0, v5  }
0x1e6: {  	v5 =	vld [tilespmem:s25+$0x50];
	v10, _, _ =	vpop (xrf2)  }
0x1e7: {  	[tilespmem:v3+s20+$0x0] =	vst.idx.msk vm0, v10  }
0x1e8: {  	(xrf2) =	vadd.scan.msk.f32 $0xffff, v8;
	v3 =	vld [tilespmem:s23+$0xFFFFFFB0]  }
0x1e9: {  	(xrf2) =	vadd.scan.msk.f32 $0xffff, v9  }
0x1ea: {  	s10 =	simm.s32 $0x20;
	v8, _, _ =	vpop (xrf2)  }
0x1eb: {  	(xrf2) =	vadd.scan.msk.f32 $0xffff, v5;
	[tilespmem:v4+s20+$0x0] =	vst.idx.msk vm0, v8;
	v4 =	vmov s10  }
0x1ec: {  	v5 =	vld [tilespmem:s28+$0xFFFFFFE0];
	v4 =	vand.u32 $0xFFFFFFF0, v4  }
0x1ed: {  	(xrf2) =	vadd.scan.msk.f32 $0xffff, v3;
	v3 =	vld [tilespmem:s29+$0x0];
	v8 =	vbroadcast v4, $0x0;
	_ =	sdelay $0x3  }
0x1ee: {  	s12 =	simm.s32 $0x13;
	(xrf2) =	vadd.scan.msk.f32 $0xffff, v5  }
0x1ef: {  	v4 =	vmov s12;
	(xrf2) =	vadd.scan.msk.f32 $0xffff, v3;
	v3, _, _ =	vpop (xrf2)  }
0x1f0: {  	s30 =	simm.s32 $0x14280;
	s2 =	simm.s32 $0x6;
	v4 =	vand.u32 $0xFFFFFFF3, v4;
	[tilespmem:v8+s19+$0x0] =	vst.idx.msk vm0, v3;
	v3, _, _ =	vpop (xrf2)  }
0x1f1: {  	s4 =	simm.s32 $0x28;
	v5 =	vbroadcast v4, $0x0;
	v4 =	vmov s2;
	v9 =	vld [tilespmem:s30+$0xFFFFFF80];
	[tilespmem:v6+s20+$0x0] =	vst.idx.msk vm0, v3  }
0x1f2: {  	v4 =	vand.u32 $0xFFFFFFF6, v4;
	v3, _, _ =	vpop (xrf2);
	v6 =	vmov s4;
	v10 =	vld [tilespmem:s23+$0x30]  }
0x1f3: {  	v16 =	vbroadcast v4, $0x0;
	[tilespmem:v7+s20+$0x0] =	vst.idx.msk vm0, v3;
	v3 =	vand.u32 $0xFFFFFFF8, v6  }
0x1f4: {  	v23 =	vbroadcast v3, $0x0  }
0x1f5: {  	v4 =	vld [tilespmem:s28+$0x60]  }
0x1f6: {  	v6, _, _ =	vpop (xrf2);
	(xrf2) =	vadd.scan.msk.f32 $0xffff, v9  }
0x1f7: {  	[tilespmem:v5+s19+$0x0] =	vst.idx.msk vm0, v6;
	(xrf2) =	vadd.scan.msk.f32 $0xffff, v10  }
0x1f8: {  	v3 =	vld [tilespmem:s24+$0xFFFFFFB0];
	v6, _, _ =	vpop (xrf2)  }
0x1f9: {  	s6 =	simm.s32 $0x1B;
	[tilespmem:v16+s19+$0x0] =	vst.idx.msk vm0, v6;
	v6, _, _ =	vpop (xrf2)  }
0x1fa: {  	(xrf2) =	vadd.scan.msk.f32 $0xffff, v4;
	[tilespmem:v23+s19+$0x0] =	vst.idx.msk vm0, v6;
	v6 =	vmov s6  }
0x1fb: {  	v6 =	vand.u32 $0xFFFFFFFB, v6  }
0x1fc: {  	s7 =	simm.s32 $0xE;
	v4 =	vld [tilespmem:s25+$0xFFFFFFE0];
	v21 =	vbroadcast v6, $0x0  }
0x1fd: {  	(xrf2) =	vadd.scan.msk.f32 $0xffff, v3;
	v3 =	vmov s7  }
0x1fe: {  	v7 =	vld [tilespmem:s30+$0x0];
	v3 =	vand.u32 $0xFFFFFFFE, v3  }
0x1ff: {  	v20 =	vbroadcast v3, $0x0  }
0x200: {  	v6, _, _ =	vpop (xrf2)  }
0x201: {  	s9 =	simm.s32 $0x7;
	(xrf2) =	vadd.scan.msk.f32 $0xffff, v4;
	v4, _, _ =	vpop (xrf2)  }
0x202: {  	s10 =	simm.s32 $0x14;
	v3 =	vmov s9;
	[tilespmem:v21+s19+$0x0] =	vst.idx.msk vm0, v4  }
0x203: {  	s4 =	simm.s32 $0x15;
	v14 =	vand.u32 $0xFFFFFFF7, v3;
	v3 =	vmov s10;
	(xrf2) =	vadd.scan.msk.f32 $0xffff, v7;
	v22 =	vld [tilespmem:s24+$0x30]  }
0x204: {  	s6 =	simm.s32 $0x1D;
	v17 =	vand.u32 $0xFFFFFFF4, v3;
	v3 =	vmov s4;
	v4, _, _ =	vpop (xrf2)  }
0x205: {  	s31 =	simm.s32 $0x17;
	v13 =	vand.u32 $0xFFFFFFF5, v3;
	v3 =	vmov s6;
	[tilespmem:v20+s19+$0x0] =	vst.idx.msk vm0, v4  }
0x206: {  	v9 =	vand.u32 $0xFFFFFFFD, v3;
	v3 =	vmov s31;
	v24 =	vld [tilespmem:s25+$0x60]  }
0x207: {  	s12 =	simm.s32 $0x1C  }
0x208: {  	v7 =	vmov s12;
	s12 =	simm.s32 $0x24;
	[tilespmem:v8+s20+$0x0] =	vst.idx.msk vm0, v6;
	(xrf2) =	vadd.scan.msk.f32 $0xffff, v22  }
0x209: {  	s9 =	simm.s32 $0x1E;
	s31 =	simm.s32 $0x2C;
	v11 =	vmov s12;
	s12 =	simm.s32 $0x26;
	v25 =	vld [tilespmem:s29+$0xFFFFFF90];
	v4 =	vand.u32 $0xFFFFFFF7, v3;
	v3, _, _ =	vpop (xrf2)  }
0x20a: {  	v10 =	vmov s9;
	s4 =	simm.s32 $0x25;
	[tilespmem:v5+s20+$0x0] =	vst.idx.msk vm0, v3;
	v3 =	vmov s31;
	v5 =	vmov s12  }
0x20b: {  	s10 =	simm.s32 $0x23;
	v6 =	vand.u32 $0xFFFFFFFE, v10;
	s31 =	simm.s32 $0x2D;
	v18 =	vand.u32 $0xFFFFFFFC, v3;
	v3 =	vmov s4;
	v22, _, _ =	vpop (xrf2);
	(xrf2) =	vadd.scan.msk.f32 $0xffff, v24  }
0x20c: {  	v8 =	vmov s10;
	v26 =	vld [tilespmem:s23+$0xFFFFFFC0];
	v12 =	vand.u32 $0xFFFFFFF5, v3;
	v3 =	vmov s31  }
0x20d: {  	s7 =	simm.s32 $0x16;
	v10 =	vand.u32 $0xFFFFFFF3, v8;
	v8 =	vand.u32 $0xFFFFFFFD, v3;
	v3 =	vand.u32 $0xFFFFFFF6, v5;
	v5, _, _ =	vpop (xrf2)  }
0x20e: {  	v15 =	vand.u32 $0xFFFFFFFC, v7;
	v7 =	vmov s7;
	(xrf2) =	vadd.scan.msk.f32 $0xffff, v25;
	[tilespmem:v23+s20+$0x0] =	vst.idx.msk vm0, v5  }
0x20f: {  	s9 =	simm.s32 $0x27;
	s6 =	simm.s32 $0x2B;
	s7 =	simm.s32 $0x2E;
	v7 =	vand.u32 $0xFFFFFFF6, v7;
	v19 =	vand.u32 $0xFFFFFFF4, v11;
	v23 =	vld [tilespmem:s29+$0x10]  }
0x210: {  	s26 =	simm.s32 $0xF;
	s10 =	simm.s32 $0x21;
	v11 =	vmov s6;
	v24 =	vmov s7;
	[tilespmem:v16+s20+$0x0] =	vst.idx.msk vm0, v22;
	v16 =	vmov s9  }
0x211: {  	s0 =	simm.s32 $0x1F;
	s2 =	simm.s32 $0x4;
	s31 =	simm.s32 $0x2F;
	v22 =	vld [tilespmem:s28+$0xFFFFFFF0];
	v16 =	vand.u32 $0xFFFFFFF7, v16;
	v5 =	vand.u32 $0xFFFFFFFE, v24;
	v24 =	vmov s10;
	(xrf2) =	vadd.scan.msk.f32 $0xffff, v26  }
.LBB2_10:
0x212: {  	s2 =	sadd.s32 $0x2, s2;
	v24 =	vand.u32 $0xFFFFFFF1, v24;
	v25, _, _ =	vpop (xrf2)  }
0x213: {  	p0 =	slt.u32 s2, $0x7E;
	v24 =	vbroadcast v24, $0x0;
	[tilespmem:v21+s20+$0x0] =	vst.idx.msk vm0, v25  }
0x214: {  	(xrf2) =	vadd.scan.msk.f32 $0xffff, v23;
	v21 =	vld [tilespmem:s23+$0x40]  }
0x215: {  	v23, _, _ =	vpop (xrf2)  }
0x216: {  	s12 =	sadd.s32 $0xFFFFFFFA, s31;
	v25 =	vbroadcast v17, $0x0;
	v17 =	vmov v19;
	[tilespmem:v20+s20+$0x0] =	vst.idx.msk vm0, v23  }
0x217: {  	v19 =	vmov s12;
	v20 =	vld [tilespmem:s28+$0x70];
	s28 =	smov.u32 s23;
	s23 =	smov.u32 s29  }
0x218: {  	v19 =	vand.u32 $0xFFFFFFF9, v19;
	v23, _, _ =	vpop (xrf2)  }
0x219: {  	v19 =	vbroadcast v19, $0x0;
	[tilespmem:v24+s19+$0x0] =	vst.idx.msk vm0, v23;
	(xrf2) =	vadd.scan.msk.f32 $0xffff, v21  }
0x21a: {  	v21 =	vld [tilespmem:s30+$0xFFFFFF90]  }
0x21b: {  	v23, _, _ =	vpop (xrf2)  }
0x21c: {  	[tilespmem:v25+s19+$0x0] =	vst.idx.msk vm0, v23;
	(xrf2) =	vadd.scan.msk.f32 $0xffff, v20  }
0x21d: {  	v20 =	vld [tilespmem:s24+$0xFFFFFFC0]  }
0x21e: {  	v26 =	vbroadcast v15, $0x0;
	v15 =	vmov v18;
	v23, _, _ =	vpop (xrf2)  }
0x21f: {  	[tilespmem:v19+s19+$0x0] =	vst.idx.msk vm0, v23;
	(xrf2) =	vadd.scan.msk.f32 $0xffff, v21  }
0x220: {  	v18 =	vld [tilespmem:s30+$0x10];
	_ =	sdelay $0x1  }
0x221: {  	(xrf2) =	vadd.scan.msk.f32 $0xffff, v20;
	v20 =	vmov s26;
	s26 =	smov.u32 s0;
	s0 =	smov.u32 s31  }
0x222: {  	v21, _, _ =	vpop (xrf2)  }
0x223: {  	[tilespmem:v26+s19+$0x0] =	vst.idx.msk vm0, v21  }
0x224: {  	v21 =	vld [tilespmem:s24+$0x40];
	(xrf2) =	vadd.scan.msk.f32 $0xffff, v22  }
0x225: {  	v22, _, _ =	vpop (xrf2)  }
0x226: {  	[tilespmem:v20+s19+$0x0] =	vst.idx.msk vm0, v22  }
0x227: {  	(xrf2) =	vadd.scan.msk.f32 $0xffff, v18;
	v18 =	vld [tilespmem:s25+$0x70]  }
0x228: {  	v22, _, _ =	vpop (xrf2)  }
0x229: {  	[tilespmem:v24+s20+$0x0] =	vst.idx.msk vm0, v22;
	v22 =	vbroadcast v14, $0x0;
	v14 =	vmov v4;
	v4 =	vmov v16  }
0x22a: {  	v16 =	vld [tilespmem:s29+$0xFFFFFFA0];
	(xrf2) =	vadd.scan.msk.f32 $0xffff, v21  }
0x22b: {  	v21, _, _ =	vpop (xrf2)  }
0x22c: {  	[tilespmem:v25+s20+$0x0] =	vst.idx.msk vm0, v21  }
0x22d: {  	v21 =	vld [tilespmem:s28+$0xFFFFFFD0];
	(xrf2) =	vadd.scan.msk.f32 $0xffff, v18  }
0x22e: {  	v18, _, _ =	vpop (xrf2)  }
0x22f: {  	[tilespmem:v22+s19+$0x0] =	vst.idx.msk vm0, v18  }
0x230: {  	(xrf2) =	vadd.scan.msk.f32 $0xffff, v16;
	v16 =	vld [tilespmem:s25+$0xFFFFFFF0];
	s25 =	smov.u32 s24;
	s24 =	smov.u32 s30  }
0x231: {  	v18, _, _ =	vpop (xrf2)  }
0x232: {  	s12 =	sadd.s32 $0xFFFFFFF3, s31;
	[tilespmem:v19+s20+$0x0] =	vst.idx.msk vm0, v18  }
0x233: {  	v18 =	vmov s12;
	v19 =	vld [tilespmem:s29+$0x20];
	(xrf2) =	vadd.scan.msk.f32 $0xffff, v21  }
0x234: {  	v18 =	vand.u32 $0xFFFFFFF2, v18;
	v21, _, _ =	vpop (xrf2)  }
0x235: {  	v23 =	vbroadcast v18, $0x0;
	[tilespmem:v26+s20+$0x0] =	vst.idx.msk vm0, v21  }
0x236: {  	v18 =	vld [tilespmem:s28+$0x50];
	(xrf2) =	vadd.scan.msk.f32 $0xffff, v16  }
0x237: {  	v16, _, _ =	vpop (xrf2)  }
0x238: {  	v21 =	vbroadcast v13, $0x0;
	v13 =	vmov v12;
	[tilespmem:v20+s20+$0x0] =	vst.idx.msk vm0, v16  }
0x239: {  	(xrf2) =	vadd.scan.msk.f32 $0xffff, v19  }
0x23a: {  	v12, _, _ =	vpop (xrf2)  }
0x23b: {  	s12 =	sadd.s32 $0xFFFFFFFB, s31;
	[tilespmem:v23+s19+$0x0] =	vst.idx.msk vm0, v12  }
0x23c: {  	v16 =	vmov s12;
	v12 =	vld [tilespmem:s30+$0xFFFFFFA0];
	(xrf2) =	vadd.scan.msk.f32 $0xffff, v18  }
0x23d: {  	v16 =	vand.u32 $0xFFFFFFFA, v16;
	v18, _, _ =	vpop (xrf2)  }
0x23e: {  	s29 =	sadd.s32 $0x100, s29;
	v20 =	vbroadcast v16, $0x0;
	[tilespmem:v21+s19+$0x0] =	vst.idx.msk vm0, v18  }
0x23f: {  	v16 =	vld [tilespmem:s25+$0xFFFFFFD0]  }
0x240: {  	v18, _, _ =	vpop (xrf2)  }
0x241: {  	v24 =	vbroadcast v9, $0x0;
	v9 =	vmov v8;
	(xrf2) =	vadd.scan.msk.f32 $0xffff, v12;
	[tilespmem:v22+s20+$0x0] =	vst.idx.msk vm0, v18  }
0x242: {  	v8 =	vld [tilespmem:s29+$0xFFFFFF80]  }
0x243: {  	v12, _, _ =	vpop (xrf2)  }
0x244: {  	[tilespmem:v20+s19+$0x0] =	vst.idx.msk vm0, v12;
	(xrf2) =	vadd.scan.msk.f32 $0xffff, v16  }
0x245: {  	v12 =	vld [tilespmem:s30+$0x20]  }
0x246: {  	s31 =	sadd.s32 $0x10, s31;
	v16, _, _ =	vpop (xrf2)  }
0x247: {  	s4 =	sadd.s32 $0xFFFFFFF5, s31;
	s6 =	sadd.s32 $0xFFFFFFFD, s31;
	s12 =	sadd.s32 $0xFFFFFFF4, s31;
	(xrf2) =	vadd.scan.msk.f32 $0xffff, v8;
	[tilespmem:v24+s19+$0x0] =	vst.idx.msk vm0, v16  }
0x248: {  	v18 =	vmov s6;
	s6 =	sadd.s32 $0xFFFFFFFE, s31;
	v8 =	vmov s12;
	v16 =	vmov s4;
	s4 =	sadd.s32 $0xFFFFFFF6, s31;
	s12 =	sadd.s32 $0xFFFFFFFC, s31;
	v22 =	vld [tilespmem:s25+$0x50]  }
0x249: {  	s7 =	sadd.s32 $0xFFFFFFF1, s31;
	s9 =	sadd.s32 $0xFFFFFFF7, s31;
	s10 =	sadd.s32 $0xFFFFFFFF, s31;
	v18 =	vand.u32 $0xFFFFFFFC, v18;
	v25 =	vand.u32 $0xFFFFFFF3, v8;
	v19 =	vand.u32 $0xFFFFFFF4, v16  }
0x24a: {  	v8 =	vmov s7;
	v16 =	vmov s4;
	s4 =	sadd.s32 $0xFFFFFFF8, s31;
	v26 =	vmov s12;
	(xrf2) =	vadd.scan.msk.f32 $0xffff, v12  }
0x24b: {  	v8 =	vand.u32 $0xFFFFFFF0, v8;
	v12 =	vand.u32 $0xFFFFFFF5, v16;
	v16 =	vmov s6;
	v27, _, _ =	vpop (xrf2)  }
0x24c: {  	v29 =	vmov s9;
	v28 =	vbroadcast v8, $0x0;
	v8 =	vand.u32 $0xFFFFFFFD, v16;
	[tilespmem:v23+s20+$0x0] =	vst.idx.msk vm0, v27  }
0x24d: {  	v30 =	vmov s10;
	v16 =	vmov s4;
	v23 =	vand.u32 $0xFFFFFFF6, v29;
	v29 =	vld [tilespmem:s23+$0xFFFFFFB0];
	(xrf2) =	vadd.scan.msk.f32 $0xffff, v22  }
0x24e: {  	v16 =	vand.u32 $0xFFFFFFF7, v16;
	v22 =	vand.u32 $0xFFFFFFFE, v30;
	v27, _, _ =	vpop (xrf2)  }
0x24f: {  	[tilespmem:v21+s20+$0x0] =	vst.idx.msk vm0, v27  }
0x250: {  	s30 =	sadd.s32 $0x100, s30;
	v21 =	vld [tilespmem:s28+$0xFFFFFFE0]  }
0x251: {  	v27, _, _ =	vpop (xrf2)  }
0x252: {  	[tilespmem:v28+s19+$0x0] =	vst.idx.msk vm0, v27;
	(xrf2) =	vadd.scan.msk.f32 $0xffff, v29  }
0x253: {  	v27 =	vld [tilespmem:s30+$0xFFFFFF80]  }
0x254: {  	v29 =	vld [tilespmem:s29+$0x0];
	v30, _, _ =	vpop (xrf2)  }
0x255: {  	[tilespmem:v20+s20+$0x0] =	vst.idx.msk vm0, v30;
	(xrf2) =	vadd.scan.msk.f32 $0xffff, v21  }
0x256: {  	v20 =	vld [tilespmem:s23+$0x30]  }
0x257: {  	v30 =	vbroadcast v10, $0x0;
	v10 =	vmov v25;
	v21, _, _ =	vpop (xrf2)  }
0x258: {  	[tilespmem:v24+s20+$0x0] =	vst.idx.msk vm0, v21  }
0x259: {  	(xrf2) =	vadd.scan.msk.f32 $0xffff, v29;
	v21 =	vld [tilespmem:s28+$0x60]  }
0x25a: {  	v24 =	vbroadcast v7, $0x0;
	v7 =	vmov v3;
	v3 =	vmov v23  }
0x25b: {  	s4 =	sadd.s32 $0xFFFFFFF9, s31  }
0x25c: {  	v23 =	vmov s4;
	v25, _, _ =	vpop (xrf2)  }
0x25d: {  	v23 =	vand.u32 $0xFFFFFFF8, v23;
	(xrf2) =	vadd.scan.msk.f32 $0xffff, v27;
	[tilespmem:v30+s19+$0x0] =	vst.idx.msk vm0, v25  }
0x25e: {  	v23 =	vbroadcast v23, $0x0;
	v25 =	vld [tilespmem:s24+$0xFFFFFFB0]  }
0x25f: {  	v27, _, _ =	vpop (xrf2)  }
0x260: {  	(xrf2) =	vadd.scan.msk.f32 $0xffff, v20;
	[tilespmem:v24+s19+$0x0] =	vst.idx.msk vm0, v27  }
0x261: {  	v27 =	vld [tilespmem:s25+$0xFFFFFFE0];
	_ =	sdelay $0x1  }
0x262: {  	v20, _, _ =	vpop (xrf2);
	(xrf2) =	vadd.scan.msk.f32 $0xffff, v21  }
0x263: {  	[tilespmem:v23+s19+$0x0] =	vst.idx.msk vm0, v20;
	v20 =	vand.u32 $0xFFFFFFFB, v11;
	v11 =	vmov v26  }
0x264: {  	v26 =	vld [tilespmem:s30+$0x0];
	v21 =	vbroadcast v20, $0x0  }
0x265: {  	(xrf2) =	vadd.scan.msk.f32 $0xffff, v25  }
0x266: {  	v25, _, _ =	vpop (xrf2)  }
0x267: {  	v20 =	vbroadcast v6, $0x0;
	v6 =	vmov v5;
	v5 =	vmov v22  }
0x268: {  	(xrf2) =	vadd.scan.msk.f32 $0xffff, v27  }
0x269: {  	v22, _, _ =	vpop (xrf2)  }
0x26a: {  	[tilespmem:v21+s19+$0x0] =	vst.idx.msk vm0, v22  }
0x26b: {  	(xrf2) =	vadd.scan.msk.f32 $0xffff, v26;
	v22 =	vld [tilespmem:s24+$0x30]  }
0x26c: {  	v26, _, _ =	vpop (xrf2)  }
0x26d: {  	[tilespmem:v20+s19+$0x0] =	vst.idx.msk vm0, v26  }
0x26e: {  	v26 =	vld [tilespmem:s25+$0x60]  }
0x26f: {  	[tilespmem:v28+s20+$0x0] =	vst.idx.msk vm0, v25;
	v25, _, _ =	vpop (xrf2)  }
0x270: {  	v27 =	vld [tilespmem:s29+$0xFFFFFF90];
	[tilespmem:v30+s20+$0x0] =	vst.idx.msk vm0, v25;
	(xrf2) =	vadd.scan.msk.f32 $0xffff, v22  }
0x271: {  	v25 =	vld [tilespmem:s23+$0xFFFFFFC0]  }
0x272: {  	v22, _, _ =	vpop (xrf2)  }
0x273: {  	[tilespmem:v24+s20+$0x0] =	vst.idx.msk vm0, v22;
	(xrf2) =	vadd.scan.msk.f32 $0xffff, v26  }
0x274: {  	v22 =	vld [tilespmem:s28+$0xFFFFFFF0]  }
.Ltmp4:
0x275: {  	v24, _, _ =	vpop (xrf2);
	(pc) =	sbr.rel @p0 .LBB2_10-.Ltmp4, $4  }
0x276: {  	[tilespmem:v23+s20+$0x0] =	vst.idx.msk vm0, v24;
	(xrf2) =	vadd.scan.msk.f32 $0xffff, v27  }
0x277: {  	v23 =	vld [tilespmem:s29+$0x10]  }
0x278: {  	s4 =	sadd.s32 $0xFFFFFFF2, s31  }
0x279: {  	v24 =	vmov s4;
	(xrf2) =	vadd.scan.msk.f32 $0xffff, v25  }
0x27a: {  	_ =	sdelay $0x1  }
0x27b: {  	(xrf2) =	vadd.scan.msk.f32 $0xffff, v23  }
0x27c: {  	v31 =	vand.u32 $0xFFFFFFF1, v24  }
0x27d: {  	s2 =	sadd.s32 $0xFFFFFFFA, s31;
	v23 =	vbroadcast v31, $0x0  }
0x27e: {  	v17 =	vbroadcast v17, $0x0;
	v32 =	vmov s2  }
0x27f: {  	v24 =	vand.u32 $0xFFFFFFF9, v32  }
0x280: {  	v25, _, _ =	vpop (xrf2);
	v24 =	vbroadcast v24, $0x0  }
0x281: {  	[tilespmem:v21+s20+$0x0] =	vst.idx.msk vm0, v25;
	v33, _, _ =	vpop (xrf2)  }
0x282: {  	v25 =	vld [tilespmem:s23+$0x40];
	[tilespmem:v20+s20+$0x0] =	vst.idx.msk vm0, v33;
	v34, _, _ =	vpop (xrf2)  }
0x283: {  	v21 =	vld [tilespmem:s28+$0x70];
	[tilespmem:v23+s19+$0x0] =	vst.idx.msk vm0, v34;
	v35, _, _ =	vpop (xrf2)  }
0x284: {  	v26 =	vld [tilespmem:s30+$0xFFFFFF90];
	[tilespmem:v17+s19+$0x0] =	vst.idx.msk vm0, v35  }
0x285: {  	v20 =	vld [tilespmem:s24+$0xFFFFFFC0];
	v27, _, _ =	vpop (xrf2)  }
0x286: {  	[tilespmem:v24+s19+$0x0] =	vst.idx.msk vm0, v27  }
0x287: {  	(xrf2) =	vadd.scan.msk.f32 $0xffff, v25;
	v36 =	vld [tilespmem:s30+$0x10]  }
0x288: {  	(xrf2) =	vadd.scan.msk.f32 $0xffff, v21  }
0x289: {  	(xrf2) =	vadd.scan.msk.f32 $0xffff, v26  }
0x28a: {  	(xrf2) =	vadd.scan.msk.f32 $0xffff, v20  }
0x28b: {  	(xrf2) =	vadd.scan.msk.f32 $0xffff, v22  }
0x28c: {  	v37 =	vbroadcast v15, $0x0;
	(xrf2) =	vadd.scan.msk.f32 $0xffff, v36;
	_ =	sdelay $0x1  }
0x28d: {  	v15 =	vmov s26;
	_ =	sdelay $0x1  }
0x28e: {  	v14 =	vbroadcast v14, $0x0  }
0x28f: {  	v38, _, _ =	vpop (xrf2)  }
0x290: {  	[tilespmem:v37+s19+$0x0] =	vst.idx.msk vm0, v38;
	v39, _, _ =	vpop (xrf2)  }
0x291: {  	v40 =	vld [tilespmem:s24+$0x40];
	[tilespmem:v15+s19+$0x0] =	vst.idx.msk vm0, v39;
	v41, _, _ =	vpop (xrf2)  }
0x292: {  	v42 =	vld [tilespmem:s25+$0x70];
	[tilespmem:v23+s20+$0x0] =	vst.idx.msk vm0, v41;
	v43, _, _ =	vpop (xrf2)  }
0x293: {  	v23 =	vld [tilespmem:s29+$0xFFFFFFA0];
	[tilespmem:v17+s20+$0x0] =	vst.idx.msk vm0, v43;
	v44, _, _ =	vpop (xrf2)  }
0x294: {  	v21 =	vld [tilespmem:s23+$0xFFFFFFD0];
	[tilespmem:v14+s19+$0x0] =	vst.idx.msk vm0, v44;
	v45, _, _ =	vpop (xrf2)  }
0x295: {  	v46 =	vld [tilespmem:s25+$0xFFFFFFF0];
	[tilespmem:v24+s20+$0x0] =	vst.idx.msk vm0, v45  }
0x296: {  	(xrf2) =	vadd.scan.msk.f32 $0xffff, v40;
	v17 =	vld [tilespmem:s29+$0x20]  }
0x297: {  	(xrf2) =	vadd.scan.msk.f32 $0xffff, v42  }
0x298: {  	(xrf2) =	vadd.scan.msk.f32 $0xffff, v23  }
0x299: {  	(xrf2) =	vadd.scan.msk.f32 $0xffff, v21  }
0x29a: {  	(xrf2) =	vadd.scan.msk.f32 $0xffff, v46  }
0x29b: {  	s26 =	sadd.s32 $0xFFFFFFF3, s31;
	(xrf2) =	vadd.scan.msk.f32 $0xffff, v17  }
0x29c: {  	v47 =	vmov s26  }
0x29d: {  	s28 =	sadd.s32 $0xFFFFFFFB, s31;
	v17 =	vand.u32 $0xFFFFFFF2, v47  }
0x29e: {  	v49 =	vmov s28;
	v48 =	vbroadcast v17, $0x0  }
0x29f: {  	v50 =	vbroadcast v13, $0x0;
	v51 =	vand.u32 $0xFFFFFFFA, v49  }
0x2a0: {  	v53 =	vbroadcast v51, $0x0;
	v52, _, _ =	vpop (xrf2)  }
0x2a1: {  	v13, _, _ =	vpop (xrf2)  }
0x2a2: {  	v54, _, _ =	vpop (xrf2)  }
0x2a3: {  	[tilespmem:v37+s20+$0x0] =	vst.idx.msk vm0, v52;
	v55, _, _ =	vpop (xrf2)  }
0x2a4: {  	v56 =	vld [tilespmem:s23+$0x50];
	[tilespmem:v48+s19+$0x0] =	vst.idx.msk vm0, v54;
	v17, _, _ =	vpop (xrf2)  }
0x2a5: {  	v24 =	vld [tilespmem:s30+$0xFFFFFFA0];
	[tilespmem:v50+s19+$0x0] =	vst.idx.msk vm0, v55;
	v57, _, _ =	vpop (xrf2)  }
0x2a6: {  	v58 =	vld [tilespmem:s24+$0xFFFFFFD0];
	[tilespmem:v53+s19+$0x0] =	vst.idx.msk vm0, v57  }
0x2a7: {  	v20 =	vld [tilespmem:s30+$0x20];
	_ =	sdelay $0x1  }
0x2a8: {  	(xrf2) =	vadd.scan.msk.f32 $0xffff, v56  }
0x2a9: {  	(xrf2) =	vadd.scan.msk.f32 $0xffff, v24  }
0x2aa: {  	(xrf2) =	vadd.scan.msk.f32 $0xffff, v58  }
0x2ab: {  	(xrf2) =	vadd.scan.msk.f32 $0xffff, v20;
	_ =	sdelay $0x1  }
0x2ac: {  	v9 =	vbroadcast v9, $0x0;
	_ =	sdelay $0x4  }
0x2ad: {  	v59, _, _ =	vpop (xrf2)  }
0x2ae: {  	[tilespmem:v9+s19+$0x0] =	vst.idx.msk vm0, v59;
	v60, _, _ =	vpop (xrf2)  }
0x2af: {  	v61 =	vld [tilespmem:s24+$0x50];
	[tilespmem:v48+s20+$0x0] =	vst.idx.msk vm0, v60;
	v62, _, _ =	vpop (xrf2)  }
0x2b0: {  	v21 =	vld [tilespmem:s29+$0xFFFFFFB0];
	[tilespmem:v50+s20+$0x0] =	vst.idx.msk vm0, v62;
	v63, _, _ =	vpop (xrf2)  }
0x2b1: {  	v22 =	vld [tilespmem:s23+$0xFFFFFFE0];
	[tilespmem:v53+s20+$0x0] =	vst.idx.msk vm0, v63  }
0x2b2: {  	v20 =	vld [tilespmem:s29+$0x30];
	_ =	sdelay $0x1  }
0x2b3: {  	(xrf2) =	vadd.scan.msk.f32 $0xffff, v61  }
0x2b4: {  	(xrf2) =	vadd.scan.msk.f32 $0xffff, v21  }
0x2b5: {  	(xrf2) =	vadd.scan.msk.f32 $0xffff, v22  }
0x2b6: {  	(xrf2) =	vadd.scan.msk.f32 $0xffff, v20;
	_ =	sdelay $0x2  }
0x2b7: {  	v10 =	vbroadcast v10, $0x0  }
0x2b8: {  	v7 =	vbroadcast v7, $0x0;
	v11 =	vand.u32 $0xFFFFFFFB, v11  }
0x2b9: {  	v11 =	vbroadcast v11, $0x0;
	_ =	sdelay $0x1  }
0x2ba: {  	v25, _, _ =	vpop (xrf2)  }
0x2bb: {  	[tilespmem:v9+s20+$0x0] =	vst.idx.msk vm0, v25;
	v26, _, _ =	vpop (xrf2)  }
0x2bc: {  	v20 =	vld [tilespmem:s23+$0x60];
	[tilespmem:v10+s19+$0x0] =	vst.idx.msk vm0, v26;
	v27, _, _ =	vpop (xrf2)  }
0x2bd: {  	v28 =	vld [tilespmem:s30+$0xFFFFFFB0];
	[tilespmem:v7+s19+$0x0] =	vst.idx.msk vm0, v27;
	v29, _, _ =	vpop (xrf2)  }
0x2be: {  	v30 =	vld [tilespmem:s24+$0xFFFFFFE0];
	[tilespmem:v11+s19+$0x0] =	vst.idx.msk vm0, v29  }
0x2bf: {  	v9 =	vld [tilespmem:s30+$0x30];
	_ =	sdelay $0x1  }
0x2c0: {  	(xrf2) =	vadd.scan.msk.f32 $0xffff, v20  }
0x2c1: {  	(xrf2) =	vadd.scan.msk.f32 $0xffff, v28  }
0x2c2: {  	(xrf2) =	vadd.scan.msk.f32 $0xffff, v30  }
0x2c3: {  	(xrf2) =	vadd.scan.msk.f32 $0xffff, v9;
	_ =	sdelay $0x1  }
0x2c4: {  	v6 =	vbroadcast v6, $0x0;
	_ =	sdelay $0x4  }
0x2c5: {  	v31, _, _ =	vpop (xrf2)  }
0x2c6: {  	[tilespmem:v6+s19+$0x0] =	vst.idx.msk vm0, v31;
	v32, _, _ =	vpop (xrf2)  }
0x2c7: {  	v33 =	vld [tilespmem:s24+$0x60];
	[tilespmem:v10+s20+$0x0] =	vst.idx.msk vm0, v32;
	v34, _, _ =	vpop (xrf2)  }
0x2c8: {  	v10 =	vld [tilespmem:s29+$0xFFFFFFC0];
	v35, _, _ =	vpop (xrf2)  }
0x2c9: {  	[tilespmem:v11+s20+$0x0] =	vst.idx.msk vm0, v35  }
0x2ca: {  	v11 =	vld [tilespmem:s29+$0x40];
	_ =	sdelay $0x1  }
0x2cb: {  	(xrf2) =	vadd.scan.msk.f32 $0xffff, v33  }
0x2cc: {  	(xrf2) =	vadd.scan.msk.f32 $0xffff, v10;
	_ =	sdelay $0x1  }
0x2cd: {  	(xrf2) =	vadd.scan.msk.f32 $0xffff, v11;
	_ =	sdelay $0x2  }
0x2ce: {  	v36 =	vbroadcast v19, $0x0;
	_ =	sdelay $0x1  }
0x2cf: {  	v37 =	vbroadcast v18, $0x0;
	_ =	sdelay $0x1  }
0x2d0: {  	v38, _, _ =	vpop (xrf2)  }
0x2d1: {  	[tilespmem:v6+s20+$0x0] =	vst.idx.msk vm0, v38;
	v39, _, _ =	vpop (xrf2)  }
0x2d2: {  	v18 =	vld [tilespmem:s23+$0x70];
	[tilespmem:v36+s19+$0x0] =	vst.idx.msk vm0, v39  }
0x2d3: {  	[tilespmem:v7+s20+$0x0] =	vst.idx.msk vm0, v34;
	v6 =	vld [tilespmem:s30+$0xFFFFFFC0];
	v40, _, _ =	vpop (xrf2)  }
0x2d4: {  	v9 =	vld [tilespmem:s23+$0xFFFFFFF0];
	[tilespmem:v37+s19+$0x0] =	vst.idx.msk vm0, v40  }
0x2d5: {  	v7 =	vld [tilespmem:s30+$0x40];
	_ =	sdelay $0x1  }
0x2d6: {  	(xrf2) =	vadd.scan.msk.f32 $0xffff, v18  }
0x2d7: {  	(xrf2) =	vadd.scan.msk.f32 $0xffff, v6  }
0x2d8: {  	(xrf2) =	vadd.scan.msk.f32 $0xffff, v9  }
0x2d9: {  	(xrf2) =	vadd.scan.msk.f32 $0xffff, v7;
	_ =	sdelay $0x2  }
0x2da: {  	v41 =	vmov s0  }
0x2db: {  	v4 =	vbroadcast v4, $0x0;
	_ =	sdelay $0x2  }
0x2dc: {  	v42, _, _ =	vpop (xrf2)  }
0x2dd: {  	[tilespmem:v41+s19+$0x0] =	vst.idx.msk vm0, v42;
	v43, _, _ =	vpop (xrf2)  }
0x2de: {  	v44 =	vld [tilespmem:s24+$0x70];
	[tilespmem:v36+s20+$0x0] =	vst.idx.msk vm0, v43;
	v45, _, _ =	vpop (xrf2)  }
0x2df: {  	v10 =	vld [tilespmem:s29+$0xFFFFFFD0];
	[tilespmem:v4+s19+$0x0] =	vst.idx.msk vm0, v45;
	v46, _, _ =	vpop (xrf2)  }
0x2e0: {  	v47 =	vld [tilespmem:s24+$0xFFFFFFF0];
	[tilespmem:v37+s20+$0x0] =	vst.idx.msk vm0, v46  }
0x2e1: {  	v7 =	vld [tilespmem:s29+$0x50];
	_ =	sdelay $0x1  }
0x2e2: {  	(xrf2) =	vadd.scan.msk.f32 $0xffff, v44  }
0x2e3: {  	(xrf2) =	vadd.scan.msk.f32 $0xffff, v10  }
0x2e4: {  	(xrf2) =	vadd.scan.msk.f32 $0xffff, v47  }
0x2e5: {  	(xrf2) =	vadd.scan.msk.f32 $0xffff, v7;
	_ =	sdelay $0x3  }
0x2e6: {  	v48 =	vbroadcast v12, $0x0  }
0x2e7: {  	v8 =	vbroadcast v8, $0x0;
	_ =	sdelay $0x1  }
0x2e8: {  	v9, _, _ =	vpop (xrf2)  }
0x2e9: {  	v10, _, _ =	vpop (xrf2)  }
0x2ea: {  	v49, _, _ =	vpop (xrf2)  }
0x2eb: {  	[tilespmem:v48+s19+$0x0] =	vst.idx.msk vm0, v10;
	v50, _, _ =	vpop (xrf2)  }
0x2ec: {  	v51 =	vld [tilespmem:s30+$0xFFFFFFD0];
	[tilespmem:v8+s19+$0x0] =	vst.idx.msk vm0, v50  }
0x2ed: {  	v10 =	vld [tilespmem:s30+$0x50];
	_ =	sdelay $0x3  }
0x2ee: {  	(xrf2) =	vadd.scan.msk.f32 $0xffff, v51  }
0x2ef: {  	(xrf2) =	vadd.scan.msk.f32 $0xffff, v10;
	_ =	sdelay $0x8  }
0x2f0: {  	v52, _, _ =	vpop (xrf2)  }
0x2f1: {  	[tilespmem:v48+s20+$0x0] =	vst.idx.msk vm0, v52;
	v53, _, _ =	vpop (xrf2)  }
0x2f2: {  	v10 =	vld [tilespmem:s29+$0xFFFFFFE0];
	[tilespmem:v8+s20+$0x0] =	vst.idx.msk vm0, v53  }
0x2f3: {  	v7 =	vld [tilespmem:s29+$0x60];
	_ =	sdelay $0x3  }
0x2f4: {  	(xrf2) =	vadd.scan.msk.f32 $0xffff, v10  }
0x2f5: {  	(xrf2) =	vadd.scan.msk.f32 $0xffff, v7;
	_ =	sdelay $0x3  }
0x2f6: {  	v3 =	vbroadcast v3, $0x0  }
0x2f7: {  	v5 =	vbroadcast v5, $0x0;
	_ =	sdelay $0x3  }
0x2f8: {  	v54, _, _ =	vpop (xrf2)  }
0x2f9: {  	[tilespmem:v3+s19+$0x0] =	vst.idx.msk vm0, v54;
	v55, _, _ =	vpop (xrf2)  }
0x2fa: {  	v56 =	vld [tilespmem:s30+$0xFFFFFFE0];
	[tilespmem:v5+s19+$0x0] =	vst.idx.msk vm0, v55  }
0x2fb: {  	v7 =	vld [tilespmem:s30+$0x60];
	_ =	sdelay $0x3  }
0x2fc: {  	(xrf2) =	vadd.scan.msk.f32 $0xffff, v56  }
0x2fd: {  	(xrf2) =	vadd.scan.msk.f32 $0xffff, v7;
	_ =	sdelay $0x8  }
0x2fe: {  	v57, _, _ =	vpop (xrf2)  }
0x2ff: {  	v58, _, _ =	vpop (xrf2)  }
0x300: {  	[tilespmem:v5+s20+$0x0] =	vst.idx.msk vm0, v58  }
0x301: {  	[tilespmem:v3+s20+$0x0] =	vst.idx.msk vm0, v57;
	v3 =	vld [tilespmem:s29+$0x70]  }
0x302: {  	v59 =	vld [tilespmem:s29+$0xFFFFFFF0];
	_ =	sdelay $0x3  }
0x303: {  	(xrf2) =	vadd.scan.msk.f32 $0xffff, v3  }
0x304: {  	(xrf2) =	vadd.scan.msk.f32 $0xffff, v59;
	_ =	sdelay $0x4  }
0x305: {  	v60 =	vbroadcast v16, $0x0;
	v3 =	vmov s31;
	_ =	sdelay $0x3  }
0x306: {  	v61, _, _ =	vpop (xrf2)  }
0x307: {  	[tilespmem:v3+s19+$0x0] =	vst.idx.msk vm0, v61;
	v62, _, _ =	vpop (xrf2)  }
0x308: {  	v8 =	vld [tilespmem:s30+$0x70];
	[tilespmem:v60+s19+$0x0] =	vst.idx.msk vm0, v62  }
0x309: {  	v7 =	vld [tilespmem:s30+$0xFFFFFFF0];
	_ =	sdelay $0x3  }
0x30a: {  	(xrf2) =	vadd.scan.msk.f32 $0xffff, v8  }
0x30b: {  	(xrf2) =	vadd.scan.msk.f32 $0xffff, v7;
	_ =	sdelay $0x5  }
0x30c: {  	[tilespmem:v15+s20+$0x0] =	vst.idx.msk vm0, v13  }
0x30d: {  	[tilespmem:v14+s20+$0x0] =	vst.idx.msk vm0, v17  }
0x30e: {  	[tilespmem:v41+s20+$0x0] =	vst.idx.msk vm0, v9  }
0x30f: {  	[tilespmem:v4+s20+$0x0] =	vst.idx.msk vm0, v49;
	v63, _, _ =	vpop (xrf2)  }
0x310: {  	[tilespmem:v3+s20+$0x0] =	vst.idx.msk vm0, v63;
	v3, _, _ =	vpop (xrf2)  }
0x311: {  	[tilespmem:v60+s20+$0x0] =	vst.idx.msk vm0, v3  }
0x312: {  	s29 =	simm.s32 $0x0;
	s30 =	rddreg [dreg:$0x6]  }
0x313: {  	[hbm4b:s30+s29] =	stream.linear.scatter [tilespmem:s19], [sflag:$0x3], $0x400, $0x38;
	[tilespmem:$0x18800] =	vst v63  }
0x314: {  	s22 =	sadd.s32 $0x1, s22;
	_ =	swait.ge [sflag:s21], $0x400  }
0x315: {  	p0 =	sne.s32 s22, s11;
	[sflag:s21] =	ssyncset.done $0x0  }
.Ltmp5:
0x316: {  	s31 =	rddreg [dreg:$0x7];
	[sflag:s21] =	ssyncadd.s32 $0xFFFFFC00;
	(pc) =	sbr.rel @p0 .LBB2_1-.Ltmp5, $4  }
0x317: {  	[hbm4b:s31+s29] =	stream.linear.scatter [tilespmem:s20], [sflag:$0x3], $0x400, $0x38;
	[tilespmem:$0x18800] =	vst v63  }
0x318: {  	_ =	swait.ge [sflag:s21], $0x400  }
0x319: {  	[sflag:s21] =	ssyncset.done $0x0  }
0x31a: {  	[sflag:s21] =	ssyncadd.s32 $0xFFFFFC00  }
0x31b: {  	_ =	sfence.sel $0x180000  }
0x31c: {  	[bflag:$0x0] =	sbarrier.arrive $0xFFFF  }
0x31d: {  	_ =	strace $0x90000047  }
0x31e: {  	s0 =	stileid.u32;
	[bflag:$0x2] =	sbarrier.arrive $0xFFFF  }
0x31f: {  	p0 =	sne.s32 s0, $0x0;
	s0 =	rddreg [dreg:$0x3]  }
0x320: {  	s0 =	sadd.s32 @!p0 $0x100000, s0  }
0x321: {  	[sflag:s0] =	ssyncadd.tile.s32 @!p0 $0x1;
	_ =	shalt  }
.Lfunc_end2:
_tile_overlayer_lowered:
.L_overlay_start_2:
0x322: {  	(tag) =	ssettag $0x2  }
0x323: {  	s0 =	rddreg [dreg:$0x0];
	s2 =	stileid.u32  }
0x324: {  	s1 =	rddreg [dreg:$0x1];
	p0 =	sne.s32 s2, $0x0  }
0x325: {  	s3 =	rddreg [dreg:$0x2];
	[bflag:$0x3] =	sbarrier.arrive $0xFFFF;
	s2 =	simm.s32 @!p0 $0x1C03  }
0x326: {  	[timem:s3], [sflag:s2] =	dma.local @!p0 [hbm:s0], s1  }
0x327: {  	s0 =	simm.s32 @!p0 $0x3  }
0x328: {  	_ =	swait.ge @!p0 [sflag:s0], s1  }
0x329: {  	s1 =	ssub.s32 @!p0 $0x0, s1;
	[sflag:s0] =	ssyncset.done @!p0 $0x0  }
0x32a: {  	[sflag:s0] =	ssyncadd.s32 @!p0 s1  }
0x32b: {  	[bflag:$0x3] =	sbarrier.arrive $0xFFFF  }
0x32c: {  	_ =	shalt  }

</sc_bundles>
